<compile_context>
chip_gen: v7x
topology: tpu7x:2x2x1
jax: 0.10.2.dev20260603
libtpu: 0.0.44.dev20260713+nightly
codegen_flags: <defaults>
</compile_context>

<pallas_src>
import functools

import jax
import jax.numpy as jnp
from jax import lax
from jax.experimental import pallas as pl
from jax.experimental.pallas import tpu as pltpu
from jax.experimental.pallas import tpu_sc as plsc

N = 32768
NSEG = 16
L = 16
NC = 2
NS = 16
NW = NC * NS
CHUNK = N // NW
NEG = -3.0e38
KPRE = 8


def _sc_body(x_hbm, bounds_hbm, out_hbm, xv, zv, ov, b_ref, dsem):
    wid = lax.axis_index("s") * NC + lax.axis_index("c")
    p0 = (wid * CHUNK).astype(jnp.int32)
    lane = lax.iota(jnp.int32, L)

    cw = p0 >> 10
    wa = jnp.maximum(cw - 1, 0)
    wb = jnp.minimum(cw + 2, NW)

    def dma_fire_early(jc, carry):
        pltpu.make_async_copy(x_hbm.at[pl.ds(jc * CHUNK, CHUNK)],
                              xv.at[pl.ds(jc * CHUNK, CHUNK)], dsem).start()
        return carry

    lax.fori_loop(wa, wb, dma_fire_early, jnp.int32(0))

    pltpu.sync_copy(bounds_hbm, b_ref)
    sv = b_ref[pl.ds(0, L)]
    ev = b_ref[pl.ds(L, L)]

    s_first = jnp.sum(jnp.where(sv <= p0, 1, 0).astype(jnp.int32)) - 1
    s_last = jnp.sum(jnp.where(sv <= p0 + CHUNK - 1, 1, 0).astype(jnp.int32)) - 1
    start_first = jnp.max(jnp.where(lane == s_first, sv, 0))
    end_last = jnp.max(jnp.where(lane == s_last, ev, 0))

    def dma_fire(jc, carry):
        pltpu.make_async_copy(x_hbm.at[pl.ds(jc * CHUNK, CHUNK)],
                              xv.at[pl.ds(jc * CHUNK, CHUNK)], dsem).start()
        return carry

    def dma_drain(jc, carry):
        pltpu.make_async_copy(x_hbm.at[pl.ds(jc * CHUNK, CHUNK)],
                              xv.at[pl.ds(jc * CHUNK, CHUNK)], dsem).wait()
        return carry

    c0 = start_first >> 10
    c1 = (end_last + CHUNK - 1) >> 10
    lax.fori_loop(c0, wa, dma_fire, jnp.int32(0))
    lax.fori_loop(wb, c1, dma_fire, jnp.int32(0))
    lax.fori_loop(jnp.minimum(c0, wa), jnp.maximum(c1, wb), dma_drain,
                  jnp.int32(0))

    def seg_body(s, carry):
        st = jnp.max(jnp.where(lane == s, sv, 0))
        en = jnp.max(jnp.where(lane == s, ev, 0))
        i0 = st >> 4
        i1 = (en + 15) >> 4
        iA = jnp.minimum(i0 + 1, i1)
        iB = jnp.maximum(i1 - 1, iA)

        def maxm_body(j, acc):
            g = j * L + lane
            v = xv[pl.ds(j * L, L)]
            m = (g >= st) & (g < en)
            return jnp.maximum(acc, jnp.where(m, v, NEG))

        def maxp_body(j, acc):
            return jnp.maximum(acc, xv[pl.ds(j * L, L)])

        def maxp4_body(t, acc):
            j = iA + t * 4
            a = jnp.maximum(xv[pl.ds(j * L, L)], xv[pl.ds(j * L + L, L)])
            b = jnp.maximum(xv[pl.ds(j * L + 2 * L, L)],
                            xv[pl.ds(j * L + 3 * L, L)])
            return jnp.maximum(acc, jnp.maximum(a, b))

        nm4 = (iB - iA) >> 2
        macc = jnp.full((L,), NEG, jnp.float32)
        macc = lax.fori_loop(i0, iA, maxm_body, macc)
        macc = lax.fori_loop(0, nm4, maxp4_body, macc)
        macc = lax.fori_loop(iA + nm4 * 4, iB, maxp_body, macc)
        macc = lax.fori_loop(iB, i1, maxm_body, macc)
        mx = jnp.max(macc)

        cut = mx - 1.0
        fill = jnp.full((L,), -2.0, jnp.float32)
        for r in range(KPRE):
            zv[pl.ds(r * L, L)] = fill

        def cmpm_body(j, idxv):
            g = j * L + lane
            v = xv[pl.ds(j * L, L)]
            m = (g >= st) & (g < en) & (v > cut)
            plsc.store_scatter(zv, [idxv], v - mx, mask=m)
            return idxv + jnp.where(m, L, 0)

        def cmpp_body(j, idxv):
            v = xv[pl.ds(j * L, L)]
            m = v > cut
            plsc.store_scatter(zv, [idxv], v - mx, mask=m)
            return idxv + jnp.where(m, L, 0)

        def cmpp4_body(t, idxv):
            j = iA + t * 4
            for u in range(4):
                v = xv[pl.ds(j * L + u * L, L)]
                m = v > cut
                plsc.store_scatter(zv, [idxv], v - mx, mask=m)
                idxv = idxv + jnp.where(m, L, 0)
            return idxv

        def compress():
            idxv = lax.fori_loop(i0, iA, cmpm_body, lane)
            idxv = lax.fori_loop(0, nm4, cmpp4_body, idxv)
            idxv = lax.fori_loop(iA + nm4 * 4, iB, cmpp_body, idxv)
            return lax.fori_loop(iB, i1, cmpm_body, idxv)

        idxv = compress()
        nv = jnp.max((idxv - lane) >> 4)

        @pl.when(nv > KPRE)
        def _refill():
            def clr(r, c):
                zv[pl.ds(r * L, L)] = fill
                return c

            lax.fori_loop(0, nv, clr, jnp.int32(0))
            compress()

        z0 = zv[pl.ds(0, L)]

        def bis_body(_, lohi):
            lo, hi = lohi
            t = 0.5 * (lo + hi)
            facc = jnp.maximum(z0 - t, 0.0)

            def f_body(j, acc):
                z = zv[pl.ds(j * L + L, L)]
                return acc + jnp.maximum(z - t, 0.0)

            facc = lax.fori_loop(0, nv - 1, f_body, facc)
            f = jnp.sum(facc) - 1.0
            ok = f >= 0.0
            return (jnp.where(ok, t, lo), jnp.where(ok, hi, t))

        lo, _hi = lax.fori_loop(0, 16, bis_body,
                                (jnp.float32(-1.0), jnp.float32(0.0)))

        m0 = z0 > lo

        def ref_body(j, kS):
            k, S = kS
            z = zv[pl.ds(j * L + L, L)]
            m = z > lo
            return (k + m.astype(jnp.int32), S + jnp.where(m, z, 0.0))

        kacc, Sacc = lax.fori_loop(0, nv - 1, ref_body,
                                   (m0.astype(jnp.int32),
                                    jnp.where(m0, z0, 0.0)))
        k = jnp.sum(kacc)
        S = jnp.sum(Sacc)
        kf = jnp.maximum(k, 1).astype(jnp.float32)
        tauv = (jnp.full((L,), S, jnp.float32) - 1.0) / jnp.full((L,), kf,
                                                                 jnp.float32)
        thr = mx + tauv

        ost = jnp.maximum(st, p0)
        oen = jnp.minimum(en, p0 + CHUNK)
        o0 = ost >> 4
        o1 = (oen + 15) >> 4
        oA = jnp.minimum(o0 + 1, o1)
        oB = jnp.maximum(o1 - 1, oA)

        def outm_body(j, c2):
            g = j * L + lane
            v = xv[pl.ds(j * L, L)]
            m = (g >= ost) & (g < oen)
            prev = ov[pl.ds(j * L - p0, L)]
            ov[pl.ds(j * L - p0, L)] = jnp.where(
                m, jnp.maximum(v - thr, 0.0), prev)
            return c2

        def outp_body(j, c2):
            v = xv[pl.ds(j * L, L)]
            ov[pl.ds(j * L - p0, L)] = jnp.maximum(v - thr, 0.0)
            return c2

        def outp4_body(t, c2):
            j = oA + t * 4
            for u in range(4):
                v = xv[pl.ds(j * L + u * L, L)]
                ov[pl.ds(j * L + u * L - p0, L)] = jnp.maximum(v - thr, 0.0)
            return c2

        no4 = (oB - oA) >> 2
        lax.fori_loop(o0, oA, outm_body, jnp.int32(0))
        lax.fori_loop(0, no4, outp4_body, jnp.int32(0))
        lax.fori_loop(oA + no4 * 4, oB, outp_body, jnp.int32(0))
        lax.fori_loop(oB, o1, outm_body, jnp.int32(0))
        return carry

    lax.fori_loop(s_first, s_last + 1, seg_body, jnp.int32(0))
    pltpu.sync_copy(ov, out_hbm.at[pl.ds(p0, CHUNK)])


@jax.jit
def _run(x, bounds):
    mesh = plsc.VectorSubcoreMesh(core_axis_name="c", subcore_axis_name="s")
    f = functools.partial(
        pl.kernel,
        mesh=mesh,
        out_type=jax.ShapeDtypeStruct((N,), jnp.float32),
        scratch_types=[
            pltpu.VMEM((N,), jnp.float32),
            pltpu.VMEM((N + L,), jnp.float32),
            pltpu.VMEM((CHUNK,), jnp.float32),
            pltpu.VMEM((2 * L,), jnp.int32),
            pltpu.SemaphoreType.DMA,
        ],
        compiler_params=pltpu.CompilerParams(needs_layout_passes=False,
                                             disable_bounds_checks=True),
    )(_sc_body)
    return f(x, bounds)


def kernel(x, batch):
    batch = batch.astype(jnp.int32)
    ids = jnp.arange(NSEG + 1, dtype=jnp.int32)
    cnt = jnp.sum((ids[:, None] > batch[None, :]).astype(jnp.int32), axis=1)
    bounds = jnp.concatenate([cnt[:NSEG], cnt[1:]]).astype(jnp.int32)
    return _run(x.astype(jnp.float32), bounds)

# --- scband reference (transcript-rebuilt; emitter-appended) ---
"""Pipeline reference for scband-sparsemax-57526791962869 (READ-ONLY COPY).

The authoritative reference and input builder live on the scoring server;
editing this copy changes nothing except your own understanding.
"""

import jax, jax.numpy as jnp
import numpy as np

NUM_SEGMENTS = 16
FILL = -1e16


def setup_inputs(seed: int = 0) -> dict:
    key = jax.random.key(seed)
    k1, k2 = jax.random.split(key)
    N = 32768
    x = jax.random.normal(k1, (N,), dtype=jnp.float32)
    batch = jnp.sort(jax.random.randint(k2, (N,), 0, NUM_SEGMENTS)).astype(jnp.int64)
    return {"x": x, "batch": batch}


def _sparsemax(x, batch):
    # Faithful translation of SparsemaxFunction.forward: per-segment sparsemax
    # over a ragged 1-D tensor with sorted segment ids.
    N = x.shape[0]
    B = NUM_SEGMENTS
    ones = jnp.ones((N,), dtype=batch.dtype)
    num_nodes = jax.ops.segment_sum(ones, batch, num_segments=B)
    cum_num_nodes = jnp.concatenate([jnp.zeros((1,), num_nodes.dtype), jnp.cumsum(num_nodes)[:-1]])
    # x = x - scatter_max(x, batch)[batch]
    seg_max = jax.ops.segment_max(x, batch, num_segments=B)
    x_sh = x - seg_max[batch]
    # scatter_sort: densify into [B, max_len] padded with fill_value, sort descending
    pos = jnp.arange(N, dtype=batch.dtype)
    idx = pos - cum_num_nodes[batch] + batch * N
    dense = jnp.full((B * N,), FILL, dtype=x.dtype).at[idx].set(x_sh).reshape(B, N)
    sorted_x = -jnp.sort(-dense, axis=-1)  # descending
    # input_cumsum = cumsum(sorted) - 1
    cumsum = jnp.cumsum(sorted_x, axis=-1) - 1.0
    # rhos = per-group positions 1..n_i (padding entries never satisfy support)
    rhos = jnp.arange(1, N + 1, dtype=x.dtype)
    support = rhos * sorted_x > cumsum
    support_size = jnp.maximum(jnp.sum(support.astype(jnp.int32), axis=-1), 1)
    # tau = (cumsum at support boundary) / support_size
    tau = jnp.take_along_axis(cumsum, (support_size - 1)[:, None], axis=-1)[:, 0]
    tau = tau / support_size.astype(x.dtype)
    out = jnp.clip(x_sh - tau[batch], 0.0, None)
    return out


def reference(x, batch):
    return _sparsemax(x, batch)

if __name__ == "__main__":
    import jax
    _d = setup_inputs()
    print(jax.jit(kernel)(*tuple(_d.values())))

</pallas_src>

<mosaic_0001>
#map = affine_map<(d0, d1) -> (0)>
module attributes {stable_mosaic.version = 14 : i64} {
  func.func @_sc_body(%arg0: i32, %arg1: i32, %arg2: memref<32768xf32, #tpu.memory_space<hbm>>, %arg3: memref<32xi32, #tpu.memory_space<hbm>>, %arg4: memref<32768xf32, #tpu.memory_space<hbm>>, %arg5: memref<32768xf32, #tpu.memory_space<vmem>>, %arg6: memref<32784xf32, #tpu.memory_space<vmem>>, %arg7: memref<1024xf32, #tpu.memory_space<vmem>>, %arg8: memref<32xi32, #tpu.memory_space<vmem>>, %arg9: memref<!tpu.dma_semaphore, #tpu.memory_space<semaphore_mem>>) attributes {dimension_semantics = [#tpu.dimension_semantics<core_parallel>, #tpu.dimension_semantics<subcore_parallel>], iteration_bounds = array<i64: 2, 16>, scalar_prefetch = 0 : i64, scratch_operands = 5 : i64, tpu.core_type = #tpu.core_type<sc_vector_subcore>, window_params = [{transform_indices = #map}, {transform_indices = #map}, {transform_indices = #map}]} {
    %mul3A = arith.constant 2 : i32
    %mul3A_0 = arith.muli %arg1, %mul3A : i32
    %add3A = arith.addi %mul3A_0, %arg0 : i32
    %mul3A_1 = arith.constant 1024 : i32
    %mul3A_2 = arith.muli %add3A, %mul3A_1 : i32
    %iota3A = tpu.iota {dimensions = array<i32: 0>} : vector<16xi32>
    %shift_right_arithmetic3A = arith.constant 10 : i32
    %shift_right_arithmetic3A_3 = arith.shrsi %mul3A_2, %shift_right_arithmetic3A : i32
    %sub3A = arith.constant 1 : i32
    %sub3A_4 = arith.subi %shift_right_arithmetic3A_3, %sub3A : i32
    %max3A = arith.constant 0 : i32
    %max3A_5 = arith.maxsi %sub3A_4, %max3A : i32
    %add3A_6 = arith.constant 2 : i32
    %add3A_7 = arith.addi %shift_right_arithmetic3A_3, %add3A_6 : i32
    %min3A = arith.constant 32 : i32
    %min3A_8 = arith.minsi %add3A_7, %min3A : i32
    %while3A = arith.constant 0 : i32
    %while3A_9 = arith.subi %min3A_8, %max3A_5 : i32
    %while3A_10 = arith.addi %max3A_5, %while3A_9 : i32
    %while3A_11 = arith.constant 1 : i32
    %while3A_12 = arith.divsi %while3A_9, %while3A_11 : i32
    %while3A_13 = arith.muli %while3A_12, %while3A_11 : i32
    %while3A_14 = arith.addi %max3A_5, %while3A_13 : i32
    %while3A_15 = arith.constant 1 : i32
    scf.for %while3A_117 = %max3A_5 to %while3A_14 step %while3A_15  : i32 {
      %mul3A_118 = arith.constant 1024 : i32
      %mul3A_119 = arith.muli %while3A_117, %mul3A_118 : i32
      %mul3A_120 = arith.constant 1024 : i32
      %mul3A_121 = arith.muli %while3A_117, %mul3A_120 : i32
      %dma_start3A = tpu.memref_slice %arg5[%mul3A_121] : memref<32768xf32, #tpu.memory_space<vmem>> -> memref<1024xf32, #tpu.memory_space<vmem>>
      %dma_start3A_122 = tpu.memref_slice %arg2[%mul3A_119] : memref<32768xf32, #tpu.memory_space<hbm>> -> memref<1024xf32, #tpu.memory_space<hbm>>
      %dma_start3A_123 = tpu.memref_slice %arg5[%mul3A_121] : memref<32768xf32, #tpu.memory_space<vmem>> -> memref<1024xf32, #tpu.memory_space<vmem>>
      %dma_start3A_124 = tpu.memref_slice %arg2[%mul3A_119] : memref<32768xf32, #tpu.memory_space<hbm>> -> memref<1024xf32, #tpu.memory_space<hbm>>
      tpu.enqueue_dma source(%dma_start3A_124 : memref<1024xf32, #tpu.memory_space<hbm>>) target(%dma_start3A_123 : memref<1024xf32, #tpu.memory_space<vmem>>) target_semaphore(%arg9 : memref<!tpu.dma_semaphore, #tpu.memory_space<semaphore_mem>>)
    }
    %while3A_16 = arith.constant 1 : i32
    scf.for %while3A_117 = %while3A_14 to %while3A_10 step %while3A_16  : i32 {
      %mul3A_118 = arith.constant 1024 : i32
      %mul3A_119 = arith.muli %while3A_117, %mul3A_118 : i32
      %mul3A_120 = arith.constant 1024 : i32
      %mul3A_121 = arith.muli %while3A_117, %mul3A_120 : i32
      %dma_start3A = tpu.memref_slice %arg5[%mul3A_121] : memref<32768xf32, #tpu.memory_space<vmem>> -> memref<1024xf32, #tpu.memory_space<vmem>>
      %dma_start3A_122 = tpu.memref_slice %arg2[%mul3A_119] : memref<32768xf32, #tpu.memory_space<hbm>> -> memref<1024xf32, #tpu.memory_space<hbm>>
      %dma_start3A_123 = tpu.memref_slice %arg5[%mul3A_121] : memref<32768xf32, #tpu.memory_space<vmem>> -> memref<1024xf32, #tpu.memory_space<vmem>>
      %dma_start3A_124 = tpu.memref_slice %arg2[%mul3A_119] : memref<32768xf32, #tpu.memory_space<hbm>> -> memref<1024xf32, #tpu.memory_space<hbm>>
      tpu.enqueue_dma source(%dma_start3A_124 : memref<1024xf32, #tpu.memory_space<hbm>>) target(%dma_start3A_123 : memref<1024xf32, #tpu.memory_space<vmem>>) target_semaphore(%arg9 : memref<!tpu.dma_semaphore, #tpu.memory_space<semaphore_mem>>)
    }
    "tpu.region"() ({
      %run_scoped3A = tpu.sem_alloc : memref<!tpu.dma_semaphore, #tpu.memory_space<semaphore_mem>>
      tpu.enqueue_dma source(%arg3 : memref<32xi32, #tpu.memory_space<hbm>>) target(%arg8 : memref<32xi32, #tpu.memory_space<vmem>>) target_semaphore(%run_scoped3A : memref<!tpu.dma_semaphore, #tpu.memory_space<semaphore_mem>>)
      tpu.wait_dma2 semaphore(%run_scoped3A : memref<!tpu.dma_semaphore, #tpu.memory_space<semaphore_mem>>) src(%arg3 : memref<32xi32, #tpu.memory_space<hbm>>) dst(%arg8 : memref<32xi32, #tpu.memory_space<vmem>>)
      tpu.yield
    }) : () -> ()
    %get3A = arith.constant 0 : index
    %get3A_17 = tpu.vector_load %arg8[%get3A] {strides = array<i32>} : memref<32xi32, #tpu.memory_space<vmem>>, vector<16xi32>,
    %get3A_18 = arith.constant 16 : index
    %get3A_19 = tpu.vector_load %arg8[%get3A_18] {strides = array<i32>} : memref<32xi32, #tpu.memory_space<vmem>>, vector<16xi32>,
    %le3A = vector.broadcast %mul3A_2 : i32 to vector<16xi32>
    %le3A_20 = arith.cmpi sle, %get3A_17, %le3A : vector<16xi32>
    %jit3A = arith.constant 1 : i32
    %jit3A_21 = arith.constant 0 : i32
    %broadcast_in_dim3A = vector.broadcast %jit3A : i32 to vector<16xi32>
    %broadcast_in_dim3A_22 = vector.broadcast %jit3A_21 : i32 to vector<16xi32>
    %select_n3A = arith.select %le3A_20, %broadcast_in_dim3A, %broadcast_in_dim3A_22 : vector<16xi1>, vector<16xi32>
    %reduce_sum3A = arith.constant true
    %reduce_sum3A_23 = vector.broadcast %reduce_sum3A : i1 to vector<16xi1>
    %reduce_sum3A_24 = tpu.scan <sum>, %select_n3A masked %reduce_sum3A_23 : vector<16xi32>, vector<16xi1> -> vector<16xi32>
    %reduce_sum3A_25 = vector.extract %reduce_sum3A_24[15] : i32 from vector<16xi32>
    %sub3A_26 = arith.constant 1 : i32
    %sub3A_27 = arith.subi %reduce_sum3A_25, %sub3A_26 : i32
    %add3A_28 = arith.constant 1024 : i32
    %add3A_29 = arith.addi %mul3A_2, %add3A_28 : i32
    %sub3A_30 = arith.constant 1 : i32
    %sub3A_31 = arith.subi %add3A_29, %sub3A_30 : i32
    %le3A_32 = vector.broadcast %sub3A_31 : i32 to vector<16xi32>
    %le3A_33 = arith.cmpi sle, %get3A_17, %le3A_32 : vector<16xi32>
    %jit3A_34 = arith.constant 1 : i32
    %jit3A_35 = arith.constant 0 : i32
    %broadcast_in_dim3A_36 = vector.broadcast %jit3A_34 : i32 to vector<16xi32>
    %broadcast_in_dim3A_37 = vector.broadcast %jit3A_35 : i32 to vector<16xi32>
    %select_n3A_38 = arith.select %le3A_33, %broadcast_in_dim3A_36, %broadcast_in_dim3A_37 : vector<16xi1>, vector<16xi32>
    %reduce_sum3A_39 = arith.constant true
    %reduce_sum3A_40 = vector.broadcast %reduce_sum3A_39 : i1 to vector<16xi1>
    %reduce_sum3A_41 = tpu.scan <sum>, %select_n3A_38 masked %reduce_sum3A_40 : vector<16xi32>, vector<16xi1> -> vector<16xi32>
    %reduce_sum3A_42 = vector.extract %reduce_sum3A_41[15] : i32 from vector<16xi32>
    %sub3A_43 = arith.constant 1 : i32
    %sub3A_44 = arith.subi %reduce_sum3A_42, %sub3A_43 : i32
    %eq3A = vector.broadcast %sub3A_27 : i32 to vector<16xi32>
    %eq3A_45 = arith.cmpi eq, %iota3A, %eq3A : vector<16xi32>
    %jit3A_46 = arith.constant 0 : i32
    %broadcast_in_dim3A_47 = vector.broadcast %jit3A_46 : i32 to vector<16xi32>
    %select_n3A_48 = arith.select %eq3A_45, %get3A_17, %broadcast_in_dim3A_47 : vector<16xi1>, vector<16xi32>
    %reduce_max3A = arith.constant true
    %reduce_max3A_49 = vector.broadcast %reduce_max3A : i1 to vector<16xi1>
    %reduce_max3A_50 = arith.constant -2147483648 : i32
    %reduce_max3A_51 = vector.broadcast %reduce_max3A_50 : i32 to vector<16xi32>
    %reduce_max3A_52 = arith.xori %select_n3A_48, %reduce_max3A_51 : vector<16xi32>
    %reduce_max3A_53 = tpu.scan <max>, %reduce_max3A_52 masked %reduce_max3A_49 : vector<16xi32>, vector<16xi1> -> vector<16xi32>
    %reduce_max3A_54 = arith.xori %reduce_max3A_53, %reduce_max3A_51 : vector<16xi32>
    %reduce_max3A_55 = vector.extract %reduce_max3A_54[15] : i32 from vector<16xi32>
    %eq3A_56 = vector.broadcast %sub3A_44 : i32 to vector<16xi32>
    %eq3A_57 = arith.cmpi eq, %iota3A, %eq3A_56 : vector<16xi32>
    %jit3A_58 = arith.constant 0 : i32
    %broadcast_in_dim3A_59 = vector.broadcast %jit3A_58 : i32 to vector<16xi32>
    %select_n3A_60 = arith.select %eq3A_57, %get3A_19, %broadcast_in_dim3A_59 : vector<16xi1>, vector<16xi32>
    %reduce_max3A_61 = arith.constant true
    %reduce_max3A_62 = vector.broadcast %reduce_max3A_61 : i1 to vector<16xi1>
    %reduce_max3A_63 = arith.constant -2147483648 : i32
    %reduce_max3A_64 = vector.broadcast %reduce_max3A_63 : i32 to vector<16xi32>
    %reduce_max3A_65 = arith.xori %select_n3A_60, %reduce_max3A_64 : vector<16xi32>
    %reduce_max3A_66 = tpu.scan <max>, %reduce_max3A_65 masked %reduce_max3A_62 : vector<16xi32>, vector<16xi1> -> vector<16xi32>
    %reduce_max3A_67 = arith.xori %reduce_max3A_66, %reduce_max3A_64 : vector<16xi32>
    %reduce_max3A_68 = vector.extract %reduce_max3A_67[15] : i32 from vector<16xi32>
    %shift_right_arithmetic3A_69 = arith.constant 10 : i32
    %shift_right_arithmetic3A_70 = arith.shrsi %reduce_max3A_55, %shift_right_arithmetic3A_69 : i32
    %add3A_71 = arith.constant 1024 : i32
    %add3A_72 = arith.addi %reduce_max3A_68, %add3A_71 : i32
    %sub3A_73 = arith.constant 1 : i32
    %sub3A_74 = arith.subi %add3A_72, %sub3A_73 : i32
    %shift_right_arithmetic3A_75 = arith.constant 10 : i32
    %shift_right_arithmetic3A_76 = arith.shrsi %sub3A_74, %shift_right_arithmetic3A_75 : i32
    %while3A_77 = arith.constant 0 : i32
    %while3A_78 = arith.subi %max3A_5, %shift_right_arithmetic3A_70 : i32
    %while3A_79 = arith.addi %shift_right_arithmetic3A_70, %while3A_78 : i32
    %while3A_80 = arith.constant 1 : i32
    %while3A_81 = arith.divsi %while3A_78, %while3A_80 : i32
    %while3A_82 = arith.muli %while3A_81, %while3A_80 : i32
    %while3A_83 = arith.addi %shift_right_arithmetic3A_70, %while3A_82 : i32
    %while3A_84 = arith.constant 1 : i32
    scf.for %while3A_117 = %shift_right_arithmetic3A_70 to %while3A_83 step %while3A_84  : i32 {
      %mul3A_118 = arith.constant 1024 : i32
      %mul3A_119 = arith.muli %while3A_117, %mul3A_118 : i32
      %mul3A_120 = arith.constant 1024 : i32
      %mul3A_121 = arith.muli %while3A_117, %mul3A_120 : i32
      %dma_start3A = tpu.memref_slice %arg5[%mul3A_121] : memref<32768xf32, #tpu.memory_space<vmem>> -> memref<1024xf32, #tpu.memory_space<vmem>>
      %dma_start3A_122 = tpu.memref_slice %arg2[%mul3A_119] : memref<32768xf32, #tpu.memory_space<hbm>> -> memref<1024xf32, #tpu.memory_space<hbm>>
      %dma_start3A_123 = tpu.memref_slice %arg5[%mul3A_121] : memref<32768xf32, #tpu.memory_space<vmem>> -> memref<1024xf32, #tpu.memory_space<vmem>>
      %dma_start3A_124 = tpu.memref_slice %arg2[%mul3A_119] : memref<32768xf32, #tpu.memory_space<hbm>> -> memref<1024xf32, #tpu.memory_space<hbm>>
      tpu.enqueue_dma source(%dma_start3A_124 : memref<1024xf32, #tpu.memory_space<hbm>>) target(%dma_start3A_123 : memref<1024xf32, #tpu.memory_space<vmem>>) target_semaphore(%arg9 : memref<!tpu.dma_semaphore, #tpu.memory_space<semaphore_mem>>)
    }
    %while3A_85 = arith.constant 1 : i32
    scf.for %while3A_117 = %while3A_83 to %while3A_79 step %while3A_85  : i32 {
      %mul3A_118 = arith.constant 1024 : i32
      %mul3A_119 = arith.muli %while3A_117, %mul3A_118 : i32
      %mul3A_120 = arith.constant 1024 : i32
      %mul3A_121 = arith.muli %while3A_117, %mul3A_120 : i32
      %dma_start3A = tpu.memref_slice %arg5[%mul3A_121] : memref<32768xf32, #tpu.memory_space<vmem>> -> memref<1024xf32, #tpu.memory_space<vmem>>
      %dma_start3A_122 = tpu.memref_slice %arg2[%mul3A_119] : memref<32768xf32, #tpu.memory_space<hbm>> -> memref<1024xf32, #tpu.memory_space<hbm>>
      %dma_start3A_123 = tpu.memref_slice %arg5[%mul3A_121] : memref<32768xf32, #tpu.memory_space<vmem>> -> memref<1024xf32, #tpu.memory_space<vmem>>
      %dma_start3A_124 = tpu.memref_slice %arg2[%mul3A_119] : memref<32768xf32, #tpu.memory_space<hbm>> -> memref<1024xf32, #tpu.memory_space<hbm>>
      tpu.enqueue_dma source(%dma_start3A_124 : memref<1024xf32, #tpu.memory_space<hbm>>) target(%dma_start3A_123 : memref<1024xf32, #tpu.memory_space<vmem>>) target_semaphore(%arg9 : memref<!tpu.dma_semaphore, #tpu.memory_space<semaphore_mem>>)
    }
    %while3A_86 = arith.constant 0 : i32
    %while3A_87 = arith.subi %shift_right_arithmetic3A_76, %min3A_8 : i32
    %while3A_88 = arith.addi %min3A_8, %while3A_87 : i32
    %while3A_89 = arith.constant 1 : i32
    %while3A_90 = arith.divsi %while3A_87, %while3A_89 : i32
    %while3A_91 = arith.muli %while3A_90, %while3A_89 : i32
    %while3A_92 = arith.addi %min3A_8, %while3A_91 : i32
    %while3A_93 = arith.constant 1 : i32
    scf.for %while3A_117 = %min3A_8 to %while3A_92 step %while3A_93  : i32 {
      %mul3A_118 = arith.constant 1024 : i32
      %mul3A_119 = arith.muli %while3A_117, %mul3A_118 : i32
      %mul3A_120 = arith.constant 1024 : i32
      %mul3A_121 = arith.muli %while3A_117, %mul3A_120 : i32
      %dma_start3A = tpu.memref_slice %arg5[%mul3A_121] : memref<32768xf32, #tpu.memory_space<vmem>> -> memref<1024xf32, #tpu.memory_space<vmem>>
      %dma_start3A_122 = tpu.memref_slice %arg2[%mul3A_119] : memref<32768xf32, #tpu.memory_space<hbm>> -> memref<1024xf32, #tpu.memory_space<hbm>>
      %dma_start3A_123 = tpu.memref_slice %arg5[%mul3A_121] : memref<32768xf32, #tpu.memory_space<vmem>> -> memref<1024xf32, #tpu.memory_space<vmem>>
      %dma_start3A_124 = tpu.memref_slice %arg2[%mul3A_119] : memref<32768xf32, #tpu.memory_space<hbm>> -> memref<1024xf32, #tpu.memory_space<hbm>>
      tpu.enqueue_dma source(%dma_start3A_124 : memref<1024xf32, #tpu.memory_space<hbm>>) target(%dma_start3A_123 : memref<1024xf32, #tpu.memory_space<vmem>>) target_semaphore(%arg9 : memref<!tpu.dma_semaphore, #tpu.memory_space<semaphore_mem>>)
    }
    %while3A_94 = arith.constant 1 : i32
    scf.for %while3A_117 = %while3A_92 to %while3A_88 step %while3A_94  : i32 {
      %mul3A_118 = arith.constant 1024 : i32
      %mul3A_119 = arith.muli %while3A_117, %mul3A_118 : i32
      %mul3A_120 = arith.constant 1024 : i32
      %mul3A_121 = arith.muli %while3A_117, %mul3A_120 : i32
      %dma_start3A = tpu.memref_slice %arg5[%mul3A_121] : memref<32768xf32, #tpu.memory_space<vmem>> -> memref<1024xf32, #tpu.memory_space<vmem>>
      %dma_start3A_122 = tpu.memref_slice %arg2[%mul3A_119] : memref<32768xf32, #tpu.memory_space<hbm>> -> memref<1024xf32, #tpu.memory_space<hbm>>
      %dma_start3A_123 = tpu.memref_slice %arg5[%mul3A_121] : memref<32768xf32, #tpu.memory_space<vmem>> -> memref<1024xf32, #tpu.memory_space<vmem>>
      %dma_start3A_124 = tpu.memref_slice %arg2[%mul3A_119] : memref<32768xf32, #tpu.memory_space<hbm>> -> memref<1024xf32, #tpu.memory_space<hbm>>
      tpu.enqueue_dma source(%dma_start3A_124 : memref<1024xf32, #tpu.memory_space<hbm>>) target(%dma_start3A_123 : memref<1024xf32, #tpu.memory_space<vmem>>) target_semaphore(%arg9 : memref<!tpu.dma_semaphore, #tpu.memory_space<semaphore_mem>>)
    }
    %min3A_95 = arith.minsi %shift_right_arithmetic3A_70, %max3A_5 : i32
    %max3A_96 = arith.maxsi %shift_right_arithmetic3A_76, %min3A_8 : i32
    %while3A_97 = arith.constant 0 : i32
    %while3A_98 = arith.subi %max3A_96, %min3A_95 : i32
    %while3A_99 = arith.addi %min3A_95, %while3A_98 : i32
    %while3A_100 = arith.constant 1 : i32
    %while3A_101 = arith.divsi %while3A_98, %while3A_100 : i32
    %while3A_102 = arith.muli %while3A_101, %while3A_100 : i32
    %while3A_103 = arith.addi %min3A_95, %while3A_102 : i32
    %while3A_104 = arith.constant 1 : i32
    scf.for %while3A_117 = %min3A_95 to %while3A_103 step %while3A_104  : i32 {
      %mul3A_118 = arith.constant 1024 : i32
      %mul3A_119 = arith.muli %while3A_117, %mul3A_118 : i32
      %mul3A_120 = arith.constant 1024 : i32
      %mul3A_121 = arith.muli %while3A_117, %mul3A_120 : i32
      %dma_wait3A = tpu.memref_slice %arg5[%mul3A_121] : memref<32768xf32, #tpu.memory_space<vmem>> -> memref<1024xf32, #tpu.memory_space<vmem>>
      %dma_wait3A_122 = tpu.memref_slice %arg2[%mul3A_119] : memref<32768xf32, #tpu.memory_space<hbm>> -> memref<1024xf32, #tpu.memory_space<hbm>>
      %dma_wait3A_123 = tpu.memref_slice %arg5[%mul3A_121] : memref<32768xf32, #tpu.memory_space<vmem>> -> memref<1024xf32, #tpu.memory_space<vmem>>
      %dma_wait3A_124 = tpu.memref_slice %arg2[%mul3A_119] : memref<32768xf32, #tpu.memory_space<hbm>> -> memref<1024xf32, #tpu.memory_space<hbm>>
      tpu.wait_dma2 semaphore(%arg9 : memref<!tpu.dma_semaphore, #tpu.memory_space<semaphore_mem>>) src(%dma_wait3A_124 : memref<1024xf32, #tpu.memory_space<hbm>>) dst(%dma_wait3A_123 : memref<1024xf32, #tpu.memory_space<vmem>>)
    }
    %while3A_105 = arith.constant 1 : i32
    scf.for %while3A_117 = %while3A_103 to %while3A_99 step %while3A_105  : i32 {
      %mul3A_118 = arith.constant 1024 : i32
      %mul3A_119 = arith.muli %while3A_117, %mul3A_118 : i32
      %mul3A_120 = arith.constant 1024 : i32
      %mul3A_121 = arith.muli %while3A_117, %mul3A_120 : i32
      %dma_wait3A = tpu.memref_slice %arg5[%mul3A_121] : memref<32768xf32, #tpu.memory_space<vmem>> -> memref<1024xf32, #tpu.memory_space<vmem>>
      %dma_wait3A_122 = tpu.memref_slice %arg2[%mul3A_119] : memref<32768xf32, #tpu.memory_space<hbm>> -> memref<1024xf32, #tpu.memory_space<hbm>>
      %dma_wait3A_123 = tpu.memref_slice %arg5[%mul3A_121] : memref<32768xf32, #tpu.memory_space<vmem>> -> memref<1024xf32, #tpu.memory_space<vmem>>
      %dma_wait3A_124 = tpu.memref_slice %arg2[%mul3A_119] : memref<32768xf32, #tpu.memory_space<hbm>> -> memref<1024xf32, #tpu.memory_space<hbm>>
      tpu.wait_dma2 semaphore(%arg9 : memref<!tpu.dma_semaphore, #tpu.memory_space<semaphore_mem>>) src(%dma_wait3A_124 : memref<1024xf32, #tpu.memory_space<hbm>>) dst(%dma_wait3A_123 : memref<1024xf32, #tpu.memory_space<vmem>>)
    }
    %add3A_106 = arith.constant 1 : i32
    %add3A_107 = arith.addi %sub3A_44, %add3A_106 : i32
    %while3A_108 = arith.constant 0 : i32
    %while3A_109 = arith.subi %add3A_107, %sub3A_27 : i32
    %while3A_110 = arith.addi %sub3A_27, %while3A_109 : i32
    %while3A_111 = arith.constant 1 : i32
    %while3A_112 = arith.divsi %while3A_109, %while3A_111 : i32
    %while3A_113 = arith.muli %while3A_112, %while3A_111 : i32
    %while3A_114 = arith.addi %sub3A_27, %while3A_113 : i32
    %while3A_115 = arith.constant 1 : i32
    scf.for %while3A_117 = %sub3A_27 to %while3A_114 step %while3A_115  : i32 {
      %eq3A_118 = vector.broadcast %while3A_117 : i32 to vector<16xi32>
      %eq3A_119 = arith.cmpi eq, %iota3A, %eq3A_118 : vector<16xi32>
      %jit3A_120 = arith.constant 0 : i32
      %broadcast_in_dim3A_121 = vector.broadcast %jit3A_120 : i32 to vector<16xi32>
      %select_n3A_122 = arith.select %eq3A_119, %get3A_17, %broadcast_in_dim3A_121 : vector<16xi1>, vector<16xi32>
      %reduce_max3A_123 = arith.constant true
      %reduce_max3A_124 = vector.broadcast %reduce_max3A_123 : i1 to vector<16xi1>
      %reduce_max3A_125 = arith.constant -2147483648 : i32
      %reduce_max3A_126 = vector.broadcast %reduce_max3A_125 : i32 to vector<16xi32>
      %reduce_max3A_127 = arith.xori %select_n3A_122, %reduce_max3A_126 : vector<16xi32>
      %reduce_max3A_128 = tpu.scan <max>, %reduce_max3A_127 masked %reduce_max3A_124 : vector<16xi32>, vector<16xi1> -> vector<16xi32>
      %reduce_max3A_129 = arith.xori %reduce_max3A_128, %reduce_max3A_126 : vector<16xi32>
      %reduce_max3A_130 = vector.extract %reduce_max3A_129[15] : i32 from vector<16xi32>
      %eq3A_131 = vector.broadcast %while3A_117 : i32 to vector<16xi32>
      %eq3A_132 = arith.cmpi eq, %iota3A, %eq3A_131 : vector<16xi32>
      %jit3A_133 = arith.constant 0 : i32
      %broadcast_in_dim3A_134 = vector.broadcast %jit3A_133 : i32 to vector<16xi32>
      %select_n3A_135 = arith.select %eq3A_132, %get3A_19, %broadcast_in_dim3A_134 : vector<16xi1>, vector<16xi32>
      %reduce_max3A_136 = arith.constant true
      %reduce_max3A_137 = vector.broadcast %reduce_max3A_136 : i1 to vector<16xi1>
      %reduce_max3A_138 = arith.constant -2147483648 : i32
      %reduce_max3A_139 = vector.broadcast %reduce_max3A_138 : i32 to vector<16xi32>
      %reduce_max3A_140 = arith.xori %select_n3A_135, %reduce_max3A_139 : vector<16xi32>
      %reduce_max3A_141 = tpu.scan <max>, %reduce_max3A_140 masked %reduce_max3A_137 : vector<16xi32>, vector<16xi1> -> vector<16xi32>
      %reduce_max3A_142 = arith.xori %reduce_max3A_141, %reduce_max3A_139 : vector<16xi32>
      %reduce_max3A_143 = vector.extract %reduce_max3A_142[15] : i32 from vector<16xi32>
      %shift_right_arithmetic3A_144 = arith.constant 4 : i32
      %shift_right_arithmetic3A_145 = arith.shrsi %reduce_max3A_130, %shift_right_arithmetic3A_144 : i32
      %add3A_146 = arith.constant 15 : i32
      %add3A_147 = arith.addi %reduce_max3A_143, %add3A_146 : i32
      %shift_right_arithmetic3A_148 = arith.constant 4 : i32
      %shift_right_arithmetic3A_149 = arith.shrsi %add3A_147, %shift_right_arithmetic3A_148 : i32
      %add3A_150 = arith.constant 1 : i32
      %add3A_151 = arith.addi %shift_right_arithmetic3A_145, %add3A_150 : i32
      %min3A_152 = arith.minsi %add3A_151, %shift_right_arithmetic3A_149 : i32
      %sub3A_153 = arith.constant 1 : i32
      %sub3A_154 = arith.subi %shift_right_arithmetic3A_149, %sub3A_153 : i32
      %max3A_155 = arith.maxsi %sub3A_154, %min3A_152 : i32
      %sub3A_156 = arith.subi %max3A_155, %min3A_152 : i32
      %shift_right_arithmetic3A_157 = arith.constant 2 : i32
      %shift_right_arithmetic3A_158 = arith.shrsi %sub3A_156, %shift_right_arithmetic3A_157 : i32
      %broadcast_in_dim3A_159 = arith.constant -3.000000e+38 : f32
      %broadcast_in_dim3A_160 = vector.broadcast %broadcast_in_dim3A_159 : f32 to vector<16xf32>
      %while3A_161 = arith.subi %min3A_152, %shift_right_arithmetic3A_145 : i32
      %while3A_162 = arith.addi %shift_right_arithmetic3A_145, %while3A_161 : i32
      %while3A_163 = arith.constant 1 : i32
      %while3A_164 = arith.divsi %while3A_161, %while3A_163 : i32
      %while3A_165 = arith.muli %while3A_164, %while3A_163 : i32
      %while3A_166 = arith.addi %shift_right_arithmetic3A_145, %while3A_165 : i32
      %while3A_167 = arith.constant 1 : i32
      %while3A_168 = scf.for %while3A_391 = %shift_right_arithmetic3A_145 to %while3A_166 step %while3A_167 iter_args(%while3A_392 = %broadcast_in_dim3A_160) -> (vector<16xf32>)  : i32 {
        %mul3A_393 = arith.constant 16 : i32
        %mul3A_394 = arith.muli %while3A_391, %mul3A_393 : i32
        %add3A_395 = vector.broadcast %mul3A_394 : i32 to vector<16xi32>
        %add3A_396 = arith.addi %add3A_395, %iota3A : vector<16xi32>
        %mul3A_397 = arith.constant 16 : i32
        %mul3A_398 = arith.muli %while3A_391, %mul3A_397 : i32
        %get3A_399 = arith.index_cast %mul3A_398 : i32 to index
        %get3A_400 = tpu.vector_load %arg5[%get3A_399] {strides = array<i32>} : memref<32768xf32, #tpu.memory_space<vmem>>, vector<16xf32>,
        %ge3A = vector.broadcast %reduce_max3A_130 : i32 to vector<16xi32>
        %ge3A_401 = arith.cmpi sge, %add3A_396, %ge3A : vector<16xi32>
        %lt3A = vector.broadcast %reduce_max3A_143 : i32 to vector<16xi32>
        %lt3A_402 = arith.cmpi slt, %add3A_396, %lt3A : vector<16xi32>
        %and3A = arith.andi %ge3A_401, %lt3A_402 : vector<16xi1>
        %jit3A_403 = arith.constant -3.000000e+38 : f32
        %broadcast_in_dim3A_404 = vector.broadcast %jit3A_403 : f32 to vector<16xf32>
        %select_n3A_405 = arith.select %and3A, %get3A_400, %broadcast_in_dim3A_404 : vector<16xi1>, vector<16xf32>
        %max3A_406 = arith.maximumf %while3A_392, %select_n3A_405 : vector<16xf32>
        scf.yield %max3A_406 : vector<16xf32>
      }
      %while3A_169 = arith.constant 1 : i32
      %while3A_170 = scf.for %while3A_391 = %while3A_166 to %while3A_162 step %while3A_169 iter_args(%while3A_392 = %while3A_168) -> (vector<16xf32>)  : i32 {
        %mul3A_393 = arith.constant 16 : i32
        %mul3A_394 = arith.muli %while3A_391, %mul3A_393 : i32
        %add3A_395 = vector.broadcast %mul3A_394 : i32 to vector<16xi32>
        %add3A_396 = arith.addi %add3A_395, %iota3A : vector<16xi32>
        %mul3A_397 = arith.constant 16 : i32
        %mul3A_398 = arith.muli %while3A_391, %mul3A_397 : i32
        %get3A_399 = arith.index_cast %mul3A_398 : i32 to index
        %get3A_400 = tpu.vector_load %arg5[%get3A_399] {strides = array<i32>} : memref<32768xf32, #tpu.memory_space<vmem>>, vector<16xf32>,
        %ge3A = vector.broadcast %reduce_max3A_130 : i32 to vector<16xi32>
        %ge3A_401 = arith.cmpi sge, %add3A_396, %ge3A : vector<16xi32>
        %lt3A = vector.broadcast %reduce_max3A_143 : i32 to vector<16xi32>
        %lt3A_402 = arith.cmpi slt, %add3A_396, %lt3A : vector<16xi32>
        %and3A = arith.andi %ge3A_401, %lt3A_402 : vector<16xi1>
        %jit3A_403 = arith.constant -3.000000e+38 : f32
        %broadcast_in_dim3A_404 = vector.broadcast %jit3A_403 : f32 to vector<16xf32>
        %select_n3A_405 = arith.select %and3A, %get3A_400, %broadcast_in_dim3A_404 : vector<16xi1>, vector<16xf32>
        %max3A_406 = arith.maximumf %while3A_392, %select_n3A_405 : vector<16xf32>
        scf.yield %max3A_406 : vector<16xf32>
      }
      %while3A_171 = arith.constant 0 : i32
      %while3A_172 = arith.subi %shift_right_arithmetic3A_158, %while3A_171 : i32
      %while3A_173 = arith.addi %while3A_171, %while3A_172 : i32
      %while3A_174 = arith.constant 1 : i32
      %while3A_175 = arith.divsi %while3A_172, %while3A_174 : i32
      %while3A_176 = arith.muli %while3A_175, %while3A_174 : i32
      %while3A_177 = arith.addi %while3A_171, %while3A_176 : i32
      %while3A_178 = arith.constant 1 : i32
      %while3A_179 = scf.for %while3A_391 = %while3A_171 to %while3A_177 step %while3A_178 iter_args(%while3A_392 = %while3A_170) -> (vector<16xf32>)  : i32 {
        %mul3A_393 = arith.constant 4 : i32
        %mul3A_394 = arith.muli %while3A_391, %mul3A_393 : i32
        %add3A_395 = arith.addi %min3A_152, %mul3A_394 : i32
        %mul3A_396 = arith.constant 16 : i32
        %mul3A_397 = arith.muli %add3A_395, %mul3A_396 : i32
        %get3A_398 = arith.index_cast %mul3A_397 : i32 to index
        %get3A_399 = tpu.vector_load %arg5[%get3A_398] {strides = array<i32>} : memref<32768xf32, #tpu.memory_space<vmem>>, vector<16xf32>,
        %mul3A_400 = arith.constant 16 : i32
        %mul3A_401 = arith.muli %add3A_395, %mul3A_400 : i32
        %add3A_402 = arith.constant 16 : i32
        %add3A_403 = arith.addi %mul3A_401, %add3A_402 : i32
        %get3A_404 = arith.index_cast %add3A_403 : i32 to index
        %get3A_405 = tpu.vector_load %arg5[%get3A_404] {strides = array<i32>} : memref<32768xf32, #tpu.memory_space<vmem>>, vector<16xf32>,
        %max3A_406 = arith.maximumf %get3A_399, %get3A_405 : vector<16xf32>
        %mul3A_407 = arith.constant 16 : i32
        %mul3A_408 = arith.muli %add3A_395, %mul3A_407 : i32
        %add3A_409 = arith.constant 32 : i32
        %add3A_410 = arith.addi %mul3A_408, %add3A_409 : i32
        %get3A_411 = arith.index_cast %add3A_410 : i32 to index
        %get3A_412 = tpu.vector_load %arg5[%get3A_411] {strides = array<i32>} : memref<32768xf32, #tpu.memory_space<vmem>>, vector<16xf32>,
        %mul3A_413 = arith.constant 16 : i32
        %mul3A_414 = arith.muli %add3A_395, %mul3A_413 : i32
        %add3A_415 = arith.constant 48 : i32
        %add3A_416 = arith.addi %mul3A_414, %add3A_415 : i32
        %get3A_417 = arith.index_cast %add3A_416 : i32 to index
        %get3A_418 = tpu.vector_load %arg5[%get3A_417] {strides = array<i32>} : memref<32768xf32, #tpu.memory_space<vmem>>, vector<16xf32>,
        %max3A_419 = arith.maximumf %get3A_412, %get3A_418 : vector<16xf32>
        %max3A_420 = arith.maximumf %max3A_406, %max3A_419 : vector<16xf32>
        %max3A_421 = arith.maximumf %while3A_392, %max3A_420 : vector<16xf32>
        scf.yield %max3A_421 : vector<16xf32>
      }
      %while3A_180 = arith.constant 1 : i32
      %while3A_181 = scf.for %while3A_391 = %while3A_177 to %while3A_173 step %while3A_180 iter_args(%while3A_392 = %while3A_179) -> (vector<16xf32>)  : i32 {
        %mul3A_393 = arith.constant 4 : i32
        %mul3A_394 = arith.muli %while3A_391, %mul3A_393 : i32
        %add3A_395 = arith.addi %min3A_152, %mul3A_394 : i32
        %mul3A_396 = arith.constant 16 : i32
        %mul3A_397 = arith.muli %add3A_395, %mul3A_396 : i32
        %get3A_398 = arith.index_cast %mul3A_397 : i32 to index
        %get3A_399 = tpu.vector_load %arg5[%get3A_398] {strides = array<i32>} : memref<32768xf32, #tpu.memory_space<vmem>>, vector<16xf32>,
        %mul3A_400 = arith.constant 16 : i32
        %mul3A_401 = arith.muli %add3A_395, %mul3A_400 : i32
        %add3A_402 = arith.constant 16 : i32
        %add3A_403 = arith.addi %mul3A_401, %add3A_402 : i32
        %get3A_404 = arith.index_cast %add3A_403 : i32 to index
        %get3A_405 = tpu.vector_load %arg5[%get3A_404] {strides = array<i32>} : memref<32768xf32, #tpu.memory_space<vmem>>, vector<16xf32>,
        %max3A_406 = arith.maximumf %get3A_399, %get3A_405 : vector<16xf32>
        %mul3A_407 = arith.constant 16 : i32
        %mul3A_408 = arith.muli %add3A_395, %mul3A_407 : i32
        %add3A_409 = arith.constant 32 : i32
        %add3A_410 = arith.addi %mul3A_408, %add3A_409 : i32
        %get3A_411 = arith.index_cast %add3A_410 : i32 to index
        %get3A_412 = tpu.vector_load %arg5[%get3A_411] {strides = array<i32>} : memref<32768xf32, #tpu.memory_space<vmem>>, vector<16xf32>,
        %mul3A_413 = arith.constant 16 : i32
        %mul3A_414 = arith.muli %add3A_395, %mul3A_413 : i32
        %add3A_415 = arith.constant 48 : i32
        %add3A_416 = arith.addi %mul3A_414, %add3A_415 : i32
        %get3A_417 = arith.index_cast %add3A_416 : i32 to index
        %get3A_418 = tpu.vector_load %arg5[%get3A_417] {strides = array<i32>} : memref<32768xf32, #tpu.memory_space<vmem>>, vector<16xf32>,
        %max3A_419 = arith.maximumf %get3A_412, %get3A_418 : vector<16xf32>
        %max3A_420 = arith.maximumf %max3A_406, %max3A_419 : vector<16xf32>
        %max3A_421 = arith.maximumf %while3A_392, %max3A_420 : vector<16xf32>
        scf.yield %max3A_421 : vector<16xf32>
      }
      %mul3A_182 = arith.constant 4 : i32
      %mul3A_183 = arith.muli %shift_right_arithmetic3A_158, %mul3A_182 : i32
      %add3A_184 = arith.addi %min3A_152, %mul3A_183 : i32
      %while3A_185 = arith.subi %max3A_155, %add3A_184 : i32
      %while3A_186 = arith.addi %add3A_184, %while3A_185 : i32
      %while3A_187 = arith.constant 1 : i32
      %while3A_188 = arith.divsi %while3A_185, %while3A_187 : i32
      %while3A_189 = arith.muli %while3A_188, %while3A_187 : i32
      %while3A_190 = arith.addi %add3A_184, %while3A_189 : i32
      %while3A_191 = arith.constant 1 : i32
      %while3A_192 = scf.for %while3A_391 = %add3A_184 to %while3A_190 step %while3A_191 iter_args(%while3A_392 = %while3A_181) -> (vector<16xf32>)  : i32 {
        %mul3A_393 = arith.constant 16 : i32
        %mul3A_394 = arith.muli %while3A_391, %mul3A_393 : i32
        %get3A_395 = arith.index_cast %mul3A_394 : i32 to index
        %get3A_396 = tpu.vector_load %arg5[%get3A_395] {strides = array<i32>} : memref<32768xf32, #tpu.memory_space<vmem>>, vector<16xf32>,
        %max3A_397 = arith.maximumf %while3A_392, %get3A_396 : vector<16xf32>
        scf.yield %max3A_397 : vector<16xf32>
      }
      %while3A_193 = arith.constant 1 : i32
      %while3A_194 = scf.for %while3A_391 = %while3A_190 to %while3A_186 step %while3A_193 iter_args(%while3A_392 = %while3A_192) -> (vector<16xf32>)  : i32 {
        %mul3A_393 = arith.constant 16 : i32
        %mul3A_394 = arith.muli %while3A_391, %mul3A_393 : i32
        %get3A_395 = arith.index_cast %mul3A_394 : i32 to index
        %get3A_396 = tpu.vector_load %arg5[%get3A_395] {strides = array<i32>} : memref<32768xf32, #tpu.memory_space<vmem>>, vector<16xf32>,
        %max3A_397 = arith.maximumf %while3A_392, %get3A_396 : vector<16xf32>
        scf.yield %max3A_397 : vector<16xf32>
      }
      %while3A_195 = arith.subi %shift_right_arithmetic3A_149, %max3A_155 : i32
      %while3A_196 = arith.addi %max3A_155, %while3A_195 : i32
      %while3A_197 = arith.constant 1 : i32
      %while3A_198 = arith.divsi %while3A_195, %while3A_197 : i32
      %while3A_199 = arith.muli %while3A_198, %while3A_197 : i32
      %while3A_200 = arith.addi %max3A_155, %while3A_199 : i32
      %while3A_201 = arith.constant 1 : i32
      %while3A_202 = scf.for %while3A_391 = %max3A_155 to %while3A_200 step %while3A_201 iter_args(%while3A_392 = %while3A_194) -> (vector<16xf32>)  : i32 {
        %mul3A_393 = arith.constant 16 : i32
        %mul3A_394 = arith.muli %while3A_391, %mul3A_393 : i32
        %add3A_395 = vector.broadcast %mul3A_394 : i32 to vector<16xi32>
        %add3A_396 = arith.addi %add3A_395, %iota3A : vector<16xi32>
        %mul3A_397 = arith.constant 16 : i32
        %mul3A_398 = arith.muli %while3A_391, %mul3A_397 : i32
        %get3A_399 = arith.index_cast %mul3A_398 : i32 to index
        %get3A_400 = tpu.vector_load %arg5[%get3A_399] {strides = array<i32>} : memref<32768xf32, #tpu.memory_space<vmem>>, vector<16xf32>,
        %ge3A = vector.broadcast %reduce_max3A_130 : i32 to vector<16xi32>
        %ge3A_401 = arith.cmpi sge, %add3A_396, %ge3A : vector<16xi32>
        %lt3A = vector.broadcast %reduce_max3A_143 : i32 to vector<16xi32>
        %lt3A_402 = arith.cmpi slt, %add3A_396, %lt3A : vector<16xi32>
        %and3A = arith.andi %ge3A_401, %lt3A_402 : vector<16xi1>
        %jit3A_403 = arith.constant -3.000000e+38 : f32
        %broadcast_in_dim3A_404 = vector.broadcast %jit3A_403 : f32 to vector<16xf32>
        %select_n3A_405 = arith.select %and3A, %get3A_400, %broadcast_in_dim3A_404 : vector<16xi1>, vector<16xf32>
        %max3A_406 = arith.maximumf %while3A_392, %select_n3A_405 : vector<16xf32>
        scf.yield %max3A_406 : vector<16xf32>
      }
      %while3A_203 = arith.constant 1 : i32
      %while3A_204 = scf.for %while3A_391 = %while3A_200 to %while3A_196 step %while3A_203 iter_args(%while3A_392 = %while3A_202) -> (vector<16xf32>)  : i32 {
        %mul3A_393 = arith.constant 16 : i32
        %mul3A_394 = arith.muli %while3A_391, %mul3A_393 : i32
        %add3A_395 = vector.broadcast %mul3A_394 : i32 to vector<16xi32>
        %add3A_396 = arith.addi %add3A_395, %iota3A : vector<16xi32>
        %mul3A_397 = arith.constant 16 : i32
        %mul3A_398 = arith.muli %while3A_391, %mul3A_397 : i32
        %get3A_399 = arith.index_cast %mul3A_398 : i32 to index
        %get3A_400 = tpu.vector_load %arg5[%get3A_399] {strides = array<i32>} : memref<32768xf32, #tpu.memory_space<vmem>>, vector<16xf32>,
        %ge3A = vector.broadcast %reduce_max3A_130 : i32 to vector<16xi32>
        %ge3A_401 = arith.cmpi sge, %add3A_396, %ge3A : vector<16xi32>
        %lt3A = vector.broadcast %reduce_max3A_143 : i32 to vector<16xi32>
        %lt3A_402 = arith.cmpi slt, %add3A_396, %lt3A : vector<16xi32>
        %and3A = arith.andi %ge3A_401, %lt3A_402 : vector<16xi1>
        %jit3A_403 = arith.constant -3.000000e+38 : f32
        %broadcast_in_dim3A_404 = vector.broadcast %jit3A_403 : f32 to vector<16xf32>
        %select_n3A_405 = arith.select %and3A, %get3A_400, %broadcast_in_dim3A_404 : vector<16xi1>, vector<16xf32>
        %max3A_406 = arith.maximumf %while3A_392, %select_n3A_405 : vector<16xf32>
        scf.yield %max3A_406 : vector<16xf32>
      }
      %reduce_max3A_205 = arith.constant true
      %reduce_max3A_206 = vector.broadcast %reduce_max3A_205 : i1 to vector<16xi1>
      %reduce_max3A_207 = tpu.scan <max>, %while3A_204 masked %reduce_max3A_206 : vector<16xf32>, vector<16xi1> -> vector<16xf32>
      %reduce_max3A_208 = vector.extract %reduce_max3A_207[15] : f32 from vector<16xf32>
      %sub3A_209 = arith.constant 1.000000e+00 : f32
      %sub3A_210 = arith.subf %reduce_max3A_208, %sub3A_209 : f32
      %broadcast_in_dim3A_211 = arith.constant -2.000000e+00 : f32
      %broadcast_in_dim3A_212 = vector.broadcast %broadcast_in_dim3A_211 : f32 to vector<16xf32>
      %swap3A = arith.constant 0 : index
      %swap3A_213 = tpu.vector_load %arg6[%swap3A] {strides = array<i32>} : memref<32784xf32, #tpu.memory_space<vmem>>, vector<16xf32>,
      tpu.vector_store %arg6[%swap3A], %broadcast_in_dim3A_212 {strides = array<i32>} : memref<32784xf32, #tpu.memory_space<vmem>>, vector<16xf32>,
      %swap3A_214 = arith.constant 16 : index
      %swap3A_215 = tpu.vector_load %arg6[%swap3A_214] {strides = array<i32>} : memref<32784xf32, #tpu.memory_space<vmem>>, vector<16xf32>,
      tpu.vector_store %arg6[%swap3A_214], %broadcast_in_dim3A_212 {strides = array<i32>} : memref<32784xf32, #tpu.memory_space<vmem>>, vector<16xf32>,
      %swap3A_216 = arith.constant 32 : index
      %swap3A_217 = tpu.vector_load %arg6[%swap3A_216] {strides = array<i32>} : memref<32784xf32, #tpu.memory_space<vmem>>, vector<16xf32>,
      tpu.vector_store %arg6[%swap3A_216], %broadcast_in_dim3A_212 {strides = array<i32>} : memref<32784xf32, #tpu.memory_space<vmem>>, vector<16xf32>,
      %swap3A_218 = arith.constant 48 : index
      %swap3A_219 = tpu.vector_load %arg6[%swap3A_218] {strides = array<i32>} : memref<32784xf32, #tpu.memory_space<vmem>>, vector<16xf32>,
      tpu.vector_store %arg6[%swap3A_218], %broadcast_in_dim3A_212 {strides = array<i32>} : memref<32784xf32, #tpu.memory_space<vmem>>, vector<16xf32>,
      %swap3A_220 = arith.constant 64 : index
      %swap3A_221 = tpu.vector_load %arg6[%swap3A_220] {strides = array<i32>} : memref<32784xf32, #tpu.memory_space<vmem>>, vector<16xf32>,
      tpu.vector_store %arg6[%swap3A_220], %broadcast_in_dim3A_212 {strides = array<i32>} : memref<32784xf32, #tpu.memory_space<vmem>>, vector<16xf32>,
      %swap3A_222 = arith.constant 80 : index
      %swap3A_223 = tpu.vector_load %arg6[%swap3A_222] {strides = array<i32>} : memref<32784xf32, #tpu.memory_space<vmem>>, vector<16xf32>,
      tpu.vector_store %arg6[%swap3A_222], %broadcast_in_dim3A_212 {strides = array<i32>} : memref<32784xf32, #tpu.memory_space<vmem>>, vector<16xf32>,
      %swap3A_224 = arith.constant 96 : index
      %swap3A_225 = tpu.vector_load %arg6[%swap3A_224] {strides = array<i32>} : memref<32784xf32, #tpu.memory_space<vmem>>, vector<16xf32>,
      tpu.vector_store %arg6[%swap3A_224], %broadcast_in_dim3A_212 {strides = array<i32>} : memref<32784xf32, #tpu.memory_space<vmem>>, vector<16xf32>,
      %swap3A_226 = arith.constant 112 : index
      %swap3A_227 = tpu.vector_load %arg6[%swap3A_226] {strides = array<i32>} : memref<32784xf32, #tpu.memory_space<vmem>>, vector<16xf32>,
      tpu.vector_store %arg6[%swap3A_226], %broadcast_in_dim3A_212 {strides = array<i32>} : memref<32784xf32, #tpu.memory_space<vmem>>, vector<16xf32>,
      %while3A_228 = arith.subi %min3A_152, %shift_right_arithmetic3A_145 : i32
      %while3A_229 = arith.addi %shift_right_arithmetic3A_145, %while3A_228 : i32
      %while3A_230 = arith.constant 1 : i32
      %while3A_231 = arith.divsi %while3A_228, %while3A_230 : i32
      %while3A_232 = arith.muli %while3A_231, %while3A_230 : i32
      %while3A_233 = arith.addi %shift_right_arithmetic3A_145, %while3A_232 : i32
      %while3A_234 = arith.constant 1 : i32
      %while3A_235 = scf.for %while3A_391 = %shift_right_arithmetic3A_145 to %while3A_233 step %while3A_234 iter_args(%while3A_392 = %iota3A) -> (vector<16xi32>)  : i32 {
        %mul3A_393 = arith.constant 16 : i32
        %mul3A_394 = arith.muli %while3A_391, %mul3A_393 : i32
        %add3A_395 = vector.broadcast %mul3A_394 : i32 to vector<16xi32>
        %add3A_396 = arith.addi %add3A_395, %iota3A : vector<16xi32>
        %mul3A_397 = arith.constant 16 : i32
        %mul3A_398 = arith.muli %while3A_391, %mul3A_397 : i32
        %get3A_399 = arith.index_cast %mul3A_398 : i32 to index
        %get3A_400 = tpu.vector_load %arg5[%get3A_399] {strides = array<i32>} : memref<32768xf32, #tpu.memory_space<vmem>>, vector<16xf32>,
        %ge3A = vector.broadcast %reduce_max3A_130 : i32 to vector<16xi32>
        %ge3A_401 = arith.cmpi sge, %add3A_396, %ge3A : vector<16xi32>
        %lt3A = vector.broadcast %reduce_max3A_143 : i32 to vector<16xi32>
        %lt3A_402 = arith.cmpi slt, %add3A_396, %lt3A : vector<16xi32>
        %and3A = arith.andi %ge3A_401, %lt3A_402 : vector<16xi1>
        %gt3A_403 = vector.broadcast %sub3A_210 : f32 to vector<16xf32>
        %gt3A_404 = arith.cmpf ogt, %get3A_400, %gt3A_403 : vector<16xf32>
        %and3A_405 = arith.andi %and3A, %gt3A_404 : vector<16xi1>
        %sub3A_406 = vector.broadcast %reduce_max3A_208 : f32 to vector<16xf32>
        %sub3A_407 = arith.subf %get3A_400, %sub3A_406 : vector<16xf32>
        tpu.vector_store_idx %arg6[%while3A_392], %sub3A_407 masked %and3A_405 : memref<32784xf32, #tpu.memory_space<vmem>>[vector<16xi32>], vector<16xf32>, vector<16xi1>
        %jit3A_408 = arith.constant 16 : i32
        %jit3A_409 = arith.constant 0 : i32
        %broadcast_in_dim3A_410 = vector.broadcast %jit3A_408 : i32 to vector<16xi32>
        %broadcast_in_dim3A_411 = vector.broadcast %jit3A_409 : i32 to vector<16xi32>
        %select_n3A_412 = arith.select %and3A_405, %broadcast_in_dim3A_410, %broadcast_in_dim3A_411 : vector<16xi1>, vector<16xi32>
        %add3A_413 = arith.addi %while3A_392, %select_n3A_412 : vector<16xi32>
        scf.yield %add3A_413 : vector<16xi32>
      }
      %while3A_236 = arith.constant 1 : i32
      %while3A_237 = scf.for %while3A_391 = %while3A_233 to %while3A_229 step %while3A_236 iter_args(%while3A_392 = %while3A_235) -> (vector<16xi32>)  : i32 {
        %mul3A_393 = arith.constant 16 : i32
        %mul3A_394 = arith.muli %while3A_391, %mul3A_393 : i32
        %add3A_395 = vector.broadcast %mul3A_394 : i32 to vector<16xi32>
        %add3A_396 = arith.addi %add3A_395, %iota3A : vector<16xi32>
        %mul3A_397 = arith.constant 16 : i32
        %mul3A_398 = arith.muli %while3A_391, %mul3A_397 : i32
        %get3A_399 = arith.index_cast %mul3A_398 : i32 to index
        %get3A_400 = tpu.vector_load %arg5[%get3A_399] {strides = array<i32>} : memref<32768xf32, #tpu.memory_space<vmem>>, vector<16xf32>,
        %ge3A = vector.broadcast %reduce_max3A_130 : i32 to vector<16xi32>
        %ge3A_401 = arith.cmpi sge, %add3A_396, %ge3A : vector<16xi32>
        %lt3A = vector.broadcast %reduce_max3A_143 : i32 to vector<16xi32>
        %lt3A_402 = arith.cmpi slt, %add3A_396, %lt3A : vector<16xi32>
        %and3A = arith.andi %ge3A_401, %lt3A_402 : vector<16xi1>
        %gt3A_403 = vector.broadcast %sub3A_210 : f32 to vector<16xf32>
        %gt3A_404 = arith.cmpf ogt, %get3A_400, %gt3A_403 : vector<16xf32>
        %and3A_405 = arith.andi %and3A, %gt3A_404 : vector<16xi1>
        %sub3A_406 = vector.broadcast %reduce_max3A_208 : f32 to vector<16xf32>
        %sub3A_407 = arith.subf %get3A_400, %sub3A_406 : vector<16xf32>
        tpu.vector_store_idx %arg6[%while3A_392], %sub3A_407 masked %and3A_405 : memref<32784xf32, #tpu.memory_space<vmem>>[vector<16xi32>], vector<16xf32>, vector<16xi1>
        %jit3A_408 = arith.constant 16 : i32
        %jit3A_409 = arith.constant 0 : i32
        %broadcast_in_dim3A_410 = vector.broadcast %jit3A_408 : i32 to vector<16xi32>
        %broadcast_in_dim3A_411 = vector.broadcast %jit3A_409 : i32 to vector<16xi32>
        %select_n3A_412 = arith.select %and3A_405, %broadcast_in_dim3A_410, %broadcast_in_dim3A_411 : vector<16xi1>, vector<16xi32>
        %add3A_413 = arith.addi %while3A_392, %select_n3A_412 : vector<16xi32>
        scf.yield %add3A_413 : vector<16xi32>
      }
      %while3A_238 = arith.constant 0 : i32
      %while3A_239 = arith.subi %shift_right_arithmetic3A_158, %while3A_238 : i32
      %while3A_240 = arith.addi %while3A_238, %while3A_239 : i32
      %while3A_241 = arith.constant 1 : i32
      %while3A_242 = arith.divsi %while3A_239, %while3A_241 : i32
      %while3A_243 = arith.muli %while3A_242, %while3A_241 : i32
      %while3A_244 = arith.addi %while3A_238, %while3A_243 : i32
      %while3A_245 = arith.constant 1 : i32
      %while3A_246 = scf.for %while3A_391 = %while3A_238 to %while3A_244 step %while3A_245 iter_args(%while3A_392 = %while3A_237) -> (vector<16xi32>)  : i32 {
        %mul3A_393 = arith.constant 4 : i32
        %mul3A_394 = arith.muli %while3A_391, %mul3A_393 : i32
        %add3A_395 = arith.addi %min3A_152, %mul3A_394 : i32
        %mul3A_396 = arith.constant 16 : i32
        %mul3A_397 = arith.muli %add3A_395, %mul3A_396 : i32
        %add3A_398 = arith.constant 0 : i32
        %add3A_399 = arith.addi %mul3A_397, %add3A_398 : i32
        %get3A_400 = arith.index_cast %add3A_399 : i32 to index
        %get3A_401 = tpu.vector_load %arg5[%get3A_400] {strides = array<i32>} : memref<32768xf32, #tpu.memory_space<vmem>>, vector<16xf32>,
        %gt3A_402 = vector.broadcast %sub3A_210 : f32 to vector<16xf32>
        %gt3A_403 = arith.cmpf ogt, %get3A_401, %gt3A_402 : vector<16xf32>
        %sub3A_404 = vector.broadcast %reduce_max3A_208 : f32 to vector<16xf32>
        %sub3A_405 = arith.subf %get3A_401, %sub3A_404 : vector<16xf32>
        tpu.vector_store_idx %arg6[%while3A_392], %sub3A_405 masked %gt3A_403 : memref<32784xf32, #tpu.memory_space<vmem>>[vector<16xi32>], vector<16xf32>, vector<16xi1>
        %jit3A_406 = arith.constant 16 : i32
        %jit3A_407 = arith.constant 0 : i32
        %broadcast_in_dim3A_408 = vector.broadcast %jit3A_406 : i32 to vector<16xi32>
        %broadcast_in_dim3A_409 = vector.broadcast %jit3A_407 : i32 to vector<16xi32>
        %select_n3A_410 = arith.select %gt3A_403, %broadcast_in_dim3A_408, %broadcast_in_dim3A_409 : vector<16xi1>, vector<16xi32>
        %add3A_411 = arith.addi %while3A_392, %select_n3A_410 : vector<16xi32>
        %mul3A_412 = arith.constant 16 : i32
        %mul3A_413 = arith.muli %add3A_395, %mul3A_412 : i32
        %add3A_414 = arith.constant 16 : i32
        %add3A_415 = arith.addi %mul3A_413, %add3A_414 : i32
        %get3A_416 = arith.index_cast %add3A_415 : i32 to index
        %get3A_417 = tpu.vector_load %arg5[%get3A_416] {strides = array<i32>} : memref<32768xf32, #tpu.memory_space<vmem>>, vector<16xf32>,
        %gt3A_418 = vector.broadcast %sub3A_210 : f32 to vector<16xf32>
        %gt3A_419 = arith.cmpf ogt, %get3A_417, %gt3A_418 : vector<16xf32>
        %sub3A_420 = vector.broadcast %reduce_max3A_208 : f32 to vector<16xf32>
        %sub3A_421 = arith.subf %get3A_417, %sub3A_420 : vector<16xf32>
        tpu.vector_store_idx %arg6[%add3A_411], %sub3A_421 masked %gt3A_419 : memref<32784xf32, #tpu.memory_space<vmem>>[vector<16xi32>], vector<16xf32>, vector<16xi1>
        %jit3A_422 = arith.constant 16 : i32
        %jit3A_423 = arith.constant 0 : i32
        %broadcast_in_dim3A_424 = vector.broadcast %jit3A_422 : i32 to vector<16xi32>
        %broadcast_in_dim3A_425 = vector.broadcast %jit3A_423 : i32 to vector<16xi32>
        %select_n3A_426 = arith.select %gt3A_419, %broadcast_in_dim3A_424, %broadcast_in_dim3A_425 : vector<16xi1>, vector<16xi32>
        %add3A_427 = arith.addi %add3A_411, %select_n3A_426 : vector<16xi32>
        %mul3A_428 = arith.constant 16 : i32
        %mul3A_429 = arith.muli %add3A_395, %mul3A_428 : i32
        %add3A_430 = arith.constant 32 : i32
        %add3A_431 = arith.addi %mul3A_429, %add3A_430 : i32
        %get3A_432 = arith.index_cast %add3A_431 : i32 to index
        %get3A_433 = tpu.vector_load %arg5[%get3A_432] {strides = array<i32>} : memref<32768xf32, #tpu.memory_space<vmem>>, vector<16xf32>,
        %gt3A_434 = vector.broadcast %sub3A_210 : f32 to vector<16xf32>
        %gt3A_435 = arith.cmpf ogt, %get3A_433, %gt3A_434 : vector<16xf32>
        %sub3A_436 = vector.broadcast %reduce_max3A_208 : f32 to vector<16xf32>
        %sub3A_437 = arith.subf %get3A_433, %sub3A_436 : vector<16xf32>
        tpu.vector_store_idx %arg6[%add3A_427], %sub3A_437 masked %gt3A_435 : memref<32784xf32, #tpu.memory_space<vmem>>[vector<16xi32>], vector<16xf32>, vector<16xi1>
        %jit3A_438 = arith.constant 16 : i32
        %jit3A_439 = arith.constant 0 : i32
        %broadcast_in_dim3A_440 = vector.broadcast %jit3A_438 : i32 to vector<16xi32>
        %broadcast_in_dim3A_441 = vector.broadcast %jit3A_439 : i32 to vector<16xi32>
        %select_n3A_442 = arith.select %gt3A_435, %broadcast_in_dim3A_440, %broadcast_in_dim3A_441 : vector<16xi1>, vector<16xi32>
        %add3A_443 = arith.addi %add3A_427, %select_n3A_442 : vector<16xi32>
        %mul3A_444 = arith.constant 16 : i32
        %mul3A_445 = arith.muli %add3A_395, %mul3A_444 : i32
        %add3A_446 = arith.constant 48 : i32
        %add3A_447 = arith.addi %mul3A_445, %add3A_446 : i32
        %get3A_448 = arith.index_cast %add3A_447 : i32 to index
        %get3A_449 = tpu.vector_load %arg5[%get3A_448] {strides = array<i32>} : memref<32768xf32, #tpu.memory_space<vmem>>, vector<16xf32>,
        %gt3A_450 = vector.broadcast %sub3A_210 : f32 to vector<16xf32>
        %gt3A_451 = arith.cmpf ogt, %get3A_449, %gt3A_450 : vector<16xf32>
        %sub3A_452 = vector.broadcast %reduce_max3A_208 : f32 to vector<16xf32>
        %sub3A_453 = arith.subf %get3A_449, %sub3A_452 : vector<16xf32>
        tpu.vector_store_idx %arg6[%add3A_443], %sub3A_453 masked %gt3A_451 : memref<32784xf32, #tpu.memory_space<vmem>>[vector<16xi32>], vector<16xf32>, vector<16xi1>
        %jit3A_454 = arith.constant 16 : i32
        %jit3A_455 = arith.constant 0 : i32
        %broadcast_in_dim3A_456 = vector.broadcast %jit3A_454 : i32 to vector<16xi32>
        %broadcast_in_dim3A_457 = vector.broadcast %jit3A_455 : i32 to vector<16xi32>
        %select_n3A_458 = arith.select %gt3A_451, %broadcast_in_dim3A_456, %broadcast_in_dim3A_457 : vector<16xi1>, vector<16xi32>
        %add3A_459 = arith.addi %add3A_443, %select_n3A_458 : vector<16xi32>
        scf.yield %add3A_459 : vector<16xi32>
      }
      %while3A_247 = arith.constant 1 : i32
      %while3A_248 = scf.for %while3A_391 = %while3A_244 to %while3A_240 step %while3A_247 iter_args(%while3A_392 = %while3A_246) -> (vector<16xi32>)  : i32 {
        %mul3A_393 = arith.constant 4 : i32
        %mul3A_394 = arith.muli %while3A_391, %mul3A_393 : i32
        %add3A_395 = arith.addi %min3A_152, %mul3A_394 : i32
        %mul3A_396 = arith.constant 16 : i32
        %mul3A_397 = arith.muli %add3A_395, %mul3A_396 : i32
        %add3A_398 = arith.constant 0 : i32
        %add3A_399 = arith.addi %mul3A_397, %add3A_398 : i32
        %get3A_400 = arith.index_cast %add3A_399 : i32 to index
        %get3A_401 = tpu.vector_load %arg5[%get3A_400] {strides = array<i32>} : memref<32768xf32, #tpu.memory_space<vmem>>, vector<16xf32>,
        %gt3A_402 = vector.broadcast %sub3A_210 : f32 to vector<16xf32>
        %gt3A_403 = arith.cmpf ogt, %get3A_401, %gt3A_402 : vector<16xf32>
        %sub3A_404 = vector.broadcast %reduce_max3A_208 : f32 to vector<16xf32>
        %sub3A_405 = arith.subf %get3A_401, %sub3A_404 : vector<16xf32>
        tpu.vector_store_idx %arg6[%while3A_392], %sub3A_405 masked %gt3A_403 : memref<32784xf32, #tpu.memory_space<vmem>>[vector<16xi32>], vector<16xf32>, vector<16xi1>
        %jit3A_406 = arith.constant 16 : i32
        %jit3A_407 = arith.constant 0 : i32
        %broadcast_in_dim3A_408 = vector.broadcast %jit3A_406 : i32 to vector<16xi32>
        %broadcast_in_dim3A_409 = vector.broadcast %jit3A_407 : i32 to vector<16xi32>
        %select_n3A_410 = arith.select %gt3A_403, %broadcast_in_dim3A_408, %broadcast_in_dim3A_409 : vector<16xi1>, vector<16xi32>
        %add3A_411 = arith.addi %while3A_392, %select_n3A_410 : vector<16xi32>
        %mul3A_412 = arith.constant 16 : i32
        %mul3A_413 = arith.muli %add3A_395, %mul3A_412 : i32
        %add3A_414 = arith.constant 16 : i32
        %add3A_415 = arith.addi %mul3A_413, %add3A_414 : i32
        %get3A_416 = arith.index_cast %add3A_415 : i32 to index
        %get3A_417 = tpu.vector_load %arg5[%get3A_416] {strides = array<i32>} : memref<32768xf32, #tpu.memory_space<vmem>>, vector<16xf32>,
        %gt3A_418 = vector.broadcast %sub3A_210 : f32 to vector<16xf32>
        %gt3A_419 = arith.cmpf ogt, %get3A_417, %gt3A_418 : vector<16xf32>
        %sub3A_420 = vector.broadcast %reduce_max3A_208 : f32 to vector<16xf32>
        %sub3A_421 = arith.subf %get3A_417, %sub3A_420 : vector<16xf32>
        tpu.vector_store_idx %arg6[%add3A_411], %sub3A_421 masked %gt3A_419 : memref<32784xf32, #tpu.memory_space<vmem>>[vector<16xi32>], vector<16xf32>, vector<16xi1>
        %jit3A_422 = arith.constant 16 : i32
        %jit3A_423 = arith.constant 0 : i32
        %broadcast_in_dim3A_424 = vector.broadcast %jit3A_422 : i32 to vector<16xi32>
        %broadcast_in_dim3A_425 = vector.broadcast %jit3A_423 : i32 to vector<16xi32>
        %select_n3A_426 = arith.select %gt3A_419, %broadcast_in_dim3A_424, %broadcast_in_dim3A_425 : vector<16xi1>, vector<16xi32>
        %add3A_427 = arith.addi %add3A_411, %select_n3A_426 : vector<16xi32>
        %mul3A_428 = arith.constant 16 : i32
        %mul3A_429 = arith.muli %add3A_395, %mul3A_428 : i32
        %add3A_430 = arith.constant 32 : i32
        %add3A_431 = arith.addi %mul3A_429, %add3A_430 : i32
        %get3A_432 = arith.index_cast %add3A_431 : i32 to index
        %get3A_433 = tpu.vector_load %arg5[%get3A_432] {strides = array<i32>} : memref<32768xf32, #tpu.memory_space<vmem>>, vector<16xf32>,
        %gt3A_434 = vector.broadcast %sub3A_210 : f32 to vector<16xf32>
        %gt3A_435 = arith.cmpf ogt, %get3A_433, %gt3A_434 : vector<16xf32>
        %sub3A_436 = vector.broadcast %reduce_max3A_208 : f32 to vector<16xf32>
        %sub3A_437 = arith.subf %get3A_433, %sub3A_436 : vector<16xf32>
        tpu.vector_store_idx %arg6[%add3A_427], %sub3A_437 masked %gt3A_435 : memref<32784xf32, #tpu.memory_space<vmem>>[vector<16xi32>], vector<16xf32>, vector<16xi1>
        %jit3A_438 = arith.constant 16 : i32
        %jit3A_439 = arith.constant 0 : i32
        %broadcast_in_dim3A_440 = vector.broadcast %jit3A_438 : i32 to vector<16xi32>
        %broadcast_in_dim3A_441 = vector.broadcast %jit3A_439 : i32 to vector<16xi32>
        %select_n3A_442 = arith.select %gt3A_435, %broadcast_in_dim3A_440, %broadcast_in_dim3A_441 : vector<16xi1>, vector<16xi32>
        %add3A_443 = arith.addi %add3A_427, %select_n3A_442 : vector<16xi32>
        %mul3A_444 = arith.constant 16 : i32
        %mul3A_445 = arith.muli %add3A_395, %mul3A_444 : i32
        %add3A_446 = arith.constant 48 : i32
        %add3A_447 = arith.addi %mul3A_445, %add3A_446 : i32
        %get3A_448 = arith.index_cast %add3A_447 : i32 to index
        %get3A_449 = tpu.vector_load %arg5[%get3A_448] {strides = array<i32>} : memref<32768xf32, #tpu.memory_space<vmem>>, vector<16xf32>,
        %gt3A_450 = vector.broadcast %sub3A_210 : f32 to vector<16xf32>
        %gt3A_451 = arith.cmpf ogt, %get3A_449, %gt3A_450 : vector<16xf32>
        %sub3A_452 = vector.broadcast %reduce_max3A_208 : f32 to vector<16xf32>
        %sub3A_453 = arith.subf %get3A_449, %sub3A_452 : vector<16xf32>
        tpu.vector_store_idx %arg6[%add3A_443], %sub3A_453 masked %gt3A_451 : memref<32784xf32, #tpu.memory_space<vmem>>[vector<16xi32>], vector<16xf32>, vector<16xi1>
        %jit3A_454 = arith.constant 16 : i32
        %jit3A_455 = arith.constant 0 : i32
        %broadcast_in_dim3A_456 = vector.broadcast %jit3A_454 : i32 to vector<16xi32>
        %broadcast_in_dim3A_457 = vector.broadcast %jit3A_455 : i32 to vector<16xi32>
        %select_n3A_458 = arith.select %gt3A_451, %broadcast_in_dim3A_456, %broadcast_in_dim3A_457 : vector<16xi1>, vector<16xi32>
        %add3A_459 = arith.addi %add3A_443, %select_n3A_458 : vector<16xi32>
        scf.yield %add3A_459 : vector<16xi32>
      }
      %mul3A_249 = arith.constant 4 : i32
      %mul3A_250 = arith.muli %shift_right_arithmetic3A_158, %mul3A_249 : i32
      %add3A_251 = arith.addi %min3A_152, %mul3A_250 : i32
      %while3A_252 = arith.subi %max3A_155, %add3A_251 : i32
      %while3A_253 = arith.addi %add3A_251, %while3A_252 : i32
      %while3A_254 = arith.constant 1 : i32
      %while3A_255 = arith.divsi %while3A_252, %while3A_254 : i32
      %while3A_256 = arith.muli %while3A_255, %while3A_254 : i32
      %while3A_257 = arith.addi %add3A_251, %while3A_256 : i32
      %while3A_258 = arith.constant 1 : i32
      %while3A_259 = scf.for %while3A_391 = %add3A_251 to %while3A_257 step %while3A_258 iter_args(%while3A_392 = %while3A_248) -> (vector<16xi32>)  : i32 {
        %mul3A_393 = arith.constant 16 : i32
        %mul3A_394 = arith.muli %while3A_391, %mul3A_393 : i32
        %get3A_395 = arith.index_cast %mul3A_394 : i32 to index
        %get3A_396 = tpu.vector_load %arg5[%get3A_395] {strides = array<i32>} : memref<32768xf32, #tpu.memory_space<vmem>>, vector<16xf32>,
        %gt3A_397 = vector.broadcast %sub3A_210 : f32 to vector<16xf32>
        %gt3A_398 = arith.cmpf ogt, %get3A_396, %gt3A_397 : vector<16xf32>
        %sub3A_399 = vector.broadcast %reduce_max3A_208 : f32 to vector<16xf32>
        %sub3A_400 = arith.subf %get3A_396, %sub3A_399 : vector<16xf32>
        tpu.vector_store_idx %arg6[%while3A_392], %sub3A_400 masked %gt3A_398 : memref<32784xf32, #tpu.memory_space<vmem>>[vector<16xi32>], vector<16xf32>, vector<16xi1>
        %jit3A_401 = arith.constant 16 : i32
        %jit3A_402 = arith.constant 0 : i32
        %broadcast_in_dim3A_403 = vector.broadcast %jit3A_401 : i32 to vector<16xi32>
        %broadcast_in_dim3A_404 = vector.broadcast %jit3A_402 : i32 to vector<16xi32>
        %select_n3A_405 = arith.select %gt3A_398, %broadcast_in_dim3A_403, %broadcast_in_dim3A_404 : vector<16xi1>, vector<16xi32>
        %add3A_406 = arith.addi %while3A_392, %select_n3A_405 : vector<16xi32>
        scf.yield %add3A_406 : vector<16xi32>
      }
      %while3A_260 = arith.constant 1 : i32
      %while3A_261 = scf.for %while3A_391 = %while3A_257 to %while3A_253 step %while3A_260 iter_args(%while3A_392 = %while3A_259) -> (vector<16xi32>)  : i32 {
        %mul3A_393 = arith.constant 16 : i32
        %mul3A_394 = arith.muli %while3A_391, %mul3A_393 : i32
        %get3A_395 = arith.index_cast %mul3A_394 : i32 to index
        %get3A_396 = tpu.vector_load %arg5[%get3A_395] {strides = array<i32>} : memref<32768xf32, #tpu.memory_space<vmem>>, vector<16xf32>,
        %gt3A_397 = vector.broadcast %sub3A_210 : f32 to vector<16xf32>
        %gt3A_398 = arith.cmpf ogt, %get3A_396, %gt3A_397 : vector<16xf32>
        %sub3A_399 = vector.broadcast %reduce_max3A_208 : f32 to vector<16xf32>
        %sub3A_400 = arith.subf %get3A_396, %sub3A_399 : vector<16xf32>
        tpu.vector_store_idx %arg6[%while3A_392], %sub3A_400 masked %gt3A_398 : memref<32784xf32, #tpu.memory_space<vmem>>[vector<16xi32>], vector<16xf32>, vector<16xi1>
        %jit3A_401 = arith.constant 16 : i32
        %jit3A_402 = arith.constant 0 : i32
        %broadcast_in_dim3A_403 = vector.broadcast %jit3A_401 : i32 to vector<16xi32>
        %broadcast_in_dim3A_404 = vector.broadcast %jit3A_402 : i32 to vector<16xi32>
        %select_n3A_405 = arith.select %gt3A_398, %broadcast_in_dim3A_403, %broadcast_in_dim3A_404 : vector<16xi1>, vector<16xi32>
        %add3A_406 = arith.addi %while3A_392, %select_n3A_405 : vector<16xi32>
        scf.yield %add3A_406 : vector<16xi32>
      }
      %while3A_262 = arith.subi %shift_right_arithmetic3A_149, %max3A_155 : i32
      %while3A_263 = arith.addi %max3A_155, %while3A_262 : i32
      %while3A_264 = arith.constant 1 : i32
      %while3A_265 = arith.divsi %while3A_262, %while3A_264 : i32
      %while3A_266 = arith.muli %while3A_265, %while3A_264 : i32
      %while3A_267 = arith.addi %max3A_155, %while3A_266 : i32
      %while3A_268 = arith.constant 1 : i32
      %while3A_269 = scf.for %while3A_391 = %max3A_155 to %while3A_267 step %while3A_268 iter_args(%while3A_392 = %while3A_261) -> (vector<16xi32>)  : i32 {
        %mul3A_393 = arith.constant 16 : i32
        %mul3A_394 = arith.muli %while3A_391, %mul3A_393 : i32
        %add3A_395 = vector.broadcast %mul3A_394 : i32 to vector<16xi32>
        %add3A_396 = arith.addi %add3A_395, %iota3A : vector<16xi32>
        %mul3A_397 = arith.constant 16 : i32
        %mul3A_398 = arith.muli %while3A_391, %mul3A_397 : i32
        %get3A_399 = arith.index_cast %mul3A_398 : i32 to index
        %get3A_400 = tpu.vector_load %arg5[%get3A_399] {strides = array<i32>} : memref<32768xf32, #tpu.memory_space<vmem>>, vector<16xf32>,
        %ge3A = vector.broadcast %reduce_max3A_130 : i32 to vector<16xi32>
        %ge3A_401 = arith.cmpi sge, %add3A_396, %ge3A : vector<16xi32>
        %lt3A = vector.broadcast %reduce_max3A_143 : i32 to vector<16xi32>
        %lt3A_402 = arith.cmpi slt, %add3A_396, %lt3A : vector<16xi32>
        %and3A = arith.andi %ge3A_401, %lt3A_402 : vector<16xi1>
        %gt3A_403 = vector.broadcast %sub3A_210 : f32 to vector<16xf32>
        %gt3A_404 = arith.cmpf ogt, %get3A_400, %gt3A_403 : vector<16xf32>
        %and3A_405 = arith.andi %and3A, %gt3A_404 : vector<16xi1>
        %sub3A_406 = vector.broadcast %reduce_max3A_208 : f32 to vector<16xf32>
        %sub3A_407 = arith.subf %get3A_400, %sub3A_406 : vector<16xf32>
        tpu.vector_store_idx %arg6[%while3A_392], %sub3A_407 masked %and3A_405 : memref<32784xf32, #tpu.memory_space<vmem>>[vector<16xi32>], vector<16xf32>, vector<16xi1>
        %jit3A_408 = arith.constant 16 : i32
        %jit3A_409 = arith.constant 0 : i32
        %broadcast_in_dim3A_410 = vector.broadcast %jit3A_408 : i32 to vector<16xi32>
        %broadcast_in_dim3A_411 = vector.broadcast %jit3A_409 : i32 to vector<16xi32>
        %select_n3A_412 = arith.select %and3A_405, %broadcast_in_dim3A_410, %broadcast_in_dim3A_411 : vector<16xi1>, vector<16xi32>
        %add3A_413 = arith.addi %while3A_392, %select_n3A_412 : vector<16xi32>
        scf.yield %add3A_413 : vector<16xi32>
      }
      %while3A_270 = arith.constant 1 : i32
      %while3A_271 = scf.for %while3A_391 = %while3A_267 to %while3A_263 step %while3A_270 iter_args(%while3A_392 = %while3A_269) -> (vector<16xi32>)  : i32 {
        %mul3A_393 = arith.constant 16 : i32
        %mul3A_394 = arith.muli %while3A_391, %mul3A_393 : i32
        %add3A_395 = vector.broadcast %mul3A_394 : i32 to vector<16xi32>
        %add3A_396 = arith.addi %add3A_395, %iota3A : vector<16xi32>
        %mul3A_397 = arith.constant 16 : i32
        %mul3A_398 = arith.muli %while3A_391, %mul3A_397 : i32
        %get3A_399 = arith.index_cast %mul3A_398 : i32 to index
        %get3A_400 = tpu.vector_load %arg5[%get3A_399] {strides = array<i32>} : memref<32768xf32, #tpu.memory_space<vmem>>, vector<16xf32>,
        %ge3A = vector.broadcast %reduce_max3A_130 : i32 to vector<16xi32>
        %ge3A_401 = arith.cmpi sge, %add3A_396, %ge3A : vector<16xi32>
        %lt3A = vector.broadcast %reduce_max3A_143 : i32 to vector<16xi32>
        %lt3A_402 = arith.cmpi slt, %add3A_396, %lt3A : vector<16xi32>
        %and3A = arith.andi %ge3A_401, %lt3A_402 : vector<16xi1>
        %gt3A_403 = vector.broadcast %sub3A_210 : f32 to vector<16xf32>
        %gt3A_404 = arith.cmpf ogt, %get3A_400, %gt3A_403 : vector<16xf32>
        %and3A_405 = arith.andi %and3A, %gt3A_404 : vector<16xi1>
        %sub3A_406 = vector.broadcast %reduce_max3A_208 : f32 to vector<16xf32>
        %sub3A_407 = arith.subf %get3A_400, %sub3A_406 : vector<16xf32>
        tpu.vector_store_idx %arg6[%while3A_392], %sub3A_407 masked %and3A_405 : memref<32784xf32, #tpu.memory_space<vmem>>[vector<16xi32>], vector<16xf32>, vector<16xi1>
        %jit3A_408 = arith.constant 16 : i32
        %jit3A_409 = arith.constant 0 : i32
        %broadcast_in_dim3A_410 = vector.broadcast %jit3A_408 : i32 to vector<16xi32>
        %broadcast_in_dim3A_411 = vector.broadcast %jit3A_409 : i32 to vector<16xi32>
        %select_n3A_412 = arith.select %and3A_405, %broadcast_in_dim3A_410, %broadcast_in_dim3A_411 : vector<16xi1>, vector<16xi32>
        %add3A_413 = arith.addi %while3A_392, %select_n3A_412 : vector<16xi32>
        scf.yield %add3A_413 : vector<16xi32>
      }
      %sub3A_272 = arith.subi %while3A_271, %iota3A : vector<16xi32>
      %shift_right_arithmetic3A_273 = arith.constant 4 : i32
      %shift_right_arithmetic3A_274 = vector.broadcast %shift_right_arithmetic3A_273 : i32 to vector<16xi32>
      %shift_right_arithmetic3A_275 = arith.shrsi %sub3A_272, %shift_right_arithmetic3A_274 : vector<16xi32>
      %reduce_max3A_276 = arith.constant true
      %reduce_max3A_277 = vector.broadcast %reduce_max3A_276 : i1 to vector<16xi1>
      %reduce_max3A_278 = arith.constant -2147483648 : i32
      %reduce_max3A_279 = vector.broadcast %reduce_max3A_278 : i32 to vector<16xi32>
      %reduce_max3A_280 = arith.xori %shift_right_arithmetic3A_275, %reduce_max3A_279 : vector<16xi32>
      %reduce_max3A_281 = tpu.scan <max>, %reduce_max3A_280 masked %reduce_max3A_277 : vector<16xi32>, vector<16xi1> -> vector<16xi32>
      %reduce_max3A_282 = arith.xori %reduce_max3A_281, %reduce_max3A_279 : vector<16xi32>
      %reduce_max3A_283 = vector.extract %reduce_max3A_282[15] : i32 from vector<16xi32>
      %gt3A = arith.constant 8 : i32
      %gt3A_284 = arith.cmpi sgt, %reduce_max3A_283, %gt3A : i32
      %convert_element_type3A = arith.extui %gt3A_284 : i1 to i32
      %cond3A = arith.constant 0 : i32
      %cond3A_285 = arith.cmpi ne, %convert_element_type3A, %cond3A : i32
      scf.if %cond3A_285 {
        %while3A_391 = arith.constant 0 : i32
        %while3A_392 = arith.constant 0 : i32
        %while3A_393 = arith.subi %reduce_max3A_283, %while3A_392 : i32
        %while3A_394 = arith.addi %while3A_392, %while3A_393 : i32
        %while3A_395 = arith.constant 1 : i32
        %while3A_396 = arith.divsi %while3A_393, %while3A_395 : i32
        %while3A_397 = arith.muli %while3A_396, %while3A_395 : i32
        %while3A_398 = arith.addi %while3A_392, %while3A_397 : i32
        %while3A_399 = arith.constant 1 : i32
        scf.for %while3A_445 = %while3A_392 to %while3A_398 step %while3A_399  : i32 {
          %mul3A_446 = arith.constant 16 : i32
          %mul3A_447 = arith.muli %while3A_445, %mul3A_446 : i32
          %swap3A_448 = arith.index_cast %mul3A_447 : i32 to index
          %swap3A_449 = tpu.vector_load %arg6[%swap3A_448] {strides = array<i32>} : memref<32784xf32, #tpu.memory_space<vmem>>, vector<16xf32>,
          tpu.vector_store %arg6[%swap3A_448], %broadcast_in_dim3A_212 {strides = array<i32>} : memref<32784xf32, #tpu.memory_space<vmem>>, vector<16xf32>,
        }
        %while3A_400 = arith.constant 1 : i32
        scf.for %while3A_445 = %while3A_398 to %while3A_394 step %while3A_400  : i32 {
          %mul3A_446 = arith.constant 16 : i32
          %mul3A_447 = arith.muli %while3A_445, %mul3A_446 : i32
          %swap3A_448 = arith.index_cast %mul3A_447 : i32 to index
          %swap3A_449 = tpu.vector_load %arg6[%swap3A_448] {strides = array<i32>} : memref<32784xf32, #tpu.memory_space<vmem>>, vector<16xf32>,
          tpu.vector_store %arg6[%swap3A_448], %broadcast_in_dim3A_212 {strides = array<i32>} : memref<32784xf32, #tpu.memory_space<vmem>>, vector<16xf32>,
        }
        %while3A_401 = arith.subi %min3A_152, %shift_right_arithmetic3A_145 : i32
        %while3A_402 = arith.addi %shift_right_arithmetic3A_145, %while3A_401 : i32
        %while3A_403 = arith.constant 1 : i32
        %while3A_404 = arith.divsi %while3A_401, %while3A_403 : i32
        %while3A_405 = arith.muli %while3A_404, %while3A_403 : i32
        %while3A_406 = arith.addi %shift_right_arithmetic3A_145, %while3A_405 : i32
        %while3A_407 = arith.constant 1 : i32
        %while3A_408 = scf.for %while3A_445 = %shift_right_arithmetic3A_145 to %while3A_406 step %while3A_407 iter_args(%while3A_446 = %iota3A) -> (vector<16xi32>)  : i32 {
          %mul3A_447 = arith.constant 16 : i32
          %mul3A_448 = arith.muli %while3A_445, %mul3A_447 : i32
          %add3A_449 = vector.broadcast %mul3A_448 : i32 to vector<16xi32>
          %add3A_450 = arith.addi %add3A_449, %iota3A : vector<16xi32>
          %mul3A_451 = arith.constant 16 : i32
          %mul3A_452 = arith.muli %while3A_445, %mul3A_451 : i32
          %get3A_453 = arith.index_cast %mul3A_452 : i32 to index
          %get3A_454 = tpu.vector_load %arg5[%get3A_453] {strides = array<i32>} : memref<32768xf32, #tpu.memory_space<vmem>>, vector<16xf32>,
          %ge3A = vector.broadcast %reduce_max3A_130 : i32 to vector<16xi32>
          %ge3A_455 = arith.cmpi sge, %add3A_450, %ge3A : vector<16xi32>
          %lt3A = vector.broadcast %reduce_max3A_143 : i32 to vector<16xi32>
          %lt3A_456 = arith.cmpi slt, %add3A_450, %lt3A : vector<16xi32>
          %and3A = arith.andi %ge3A_455, %lt3A_456 : vector<16xi1>
          %gt3A_457 = vector.broadcast %sub3A_210 : f32 to vector<16xf32>
          %gt3A_458 = arith.cmpf ogt, %get3A_454, %gt3A_457 : vector<16xf32>
          %and3A_459 = arith.andi %and3A, %gt3A_458 : vector<16xi1>
          %sub3A_460 = vector.broadcast %reduce_max3A_208 : f32 to vector<16xf32>
          %sub3A_461 = arith.subf %get3A_454, %sub3A_460 : vector<16xf32>
          tpu.vector_store_idx %arg6[%while3A_446], %sub3A_461 masked %and3A_459 : memref<32784xf32, #tpu.memory_space<vmem>>[vector<16xi32>], vector<16xf32>, vector<16xi1>
          %jit3A_462 = arith.constant 16 : i32
          %jit3A_463 = arith.constant 0 : i32
          %broadcast_in_dim3A_464 = vector.broadcast %jit3A_462 : i32 to vector<16xi32>
          %broadcast_in_dim3A_465 = vector.broadcast %jit3A_463 : i32 to vector<16xi32>
          %select_n3A_466 = arith.select %and3A_459, %broadcast_in_dim3A_464, %broadcast_in_dim3A_465 : vector<16xi1>, vector<16xi32>
          %add3A_467 = arith.addi %while3A_446, %select_n3A_466 : vector<16xi32>
          scf.yield %add3A_467 : vector<16xi32>
        }
        %while3A_409 = arith.constant 1 : i32
        %while3A_410 = scf.for %while3A_445 = %while3A_406 to %while3A_402 step %while3A_409 iter_args(%while3A_446 = %while3A_408) -> (vector<16xi32>)  : i32 {
          %mul3A_447 = arith.constant 16 : i32
          %mul3A_448 = arith.muli %while3A_445, %mul3A_447 : i32
          %add3A_449 = vector.broadcast %mul3A_448 : i32 to vector<16xi32>
          %add3A_450 = arith.addi %add3A_449, %iota3A : vector<16xi32>
          %mul3A_451 = arith.constant 16 : i32
          %mul3A_452 = arith.muli %while3A_445, %mul3A_451 : i32
          %get3A_453 = arith.index_cast %mul3A_452 : i32 to index
          %get3A_454 = tpu.vector_load %arg5[%get3A_453] {strides = array<i32>} : memref<32768xf32, #tpu.memory_space<vmem>>, vector<16xf32>,
          %ge3A = vector.broadcast %reduce_max3A_130 : i32 to vector<16xi32>
          %ge3A_455 = arith.cmpi sge, %add3A_450, %ge3A : vector<16xi32>
          %lt3A = vector.broadcast %reduce_max3A_143 : i32 to vector<16xi32>
          %lt3A_456 = arith.cmpi slt, %add3A_450, %lt3A : vector<16xi32>
          %and3A = arith.andi %ge3A_455, %lt3A_456 : vector<16xi1>
          %gt3A_457 = vector.broadcast %sub3A_210 : f32 to vector<16xf32>
          %gt3A_458 = arith.cmpf ogt, %get3A_454, %gt3A_457 : vector<16xf32>
          %and3A_459 = arith.andi %and3A, %gt3A_458 : vector<16xi1>
          %sub3A_460 = vector.broadcast %reduce_max3A_208 : f32 to vector<16xf32>
          %sub3A_461 = arith.subf %get3A_454, %sub3A_460 : vector<16xf32>
          tpu.vector_store_idx %arg6[%while3A_446], %sub3A_461 masked %and3A_459 : memref<32784xf32, #tpu.memory_space<vmem>>[vector<16xi32>], vector<16xf32>, vector<16xi1>
          %jit3A_462 = arith.constant 16 : i32
          %jit3A_463 = arith.constant 0 : i32
          %broadcast_in_dim3A_464 = vector.broadcast %jit3A_462 : i32 to vector<16xi32>
          %broadcast_in_dim3A_465 = vector.broadcast %jit3A_463 : i32 to vector<16xi32>
          %select_n3A_466 = arith.select %and3A_459, %broadcast_in_dim3A_464, %broadcast_in_dim3A_465 : vector<16xi1>, vector<16xi32>
          %add3A_467 = arith.addi %while3A_446, %select_n3A_466 : vector<16xi32>
          scf.yield %add3A_467 : vector<16xi32>
        }
        %while3A_411 = arith.constant 0 : i32
        %while3A_412 = arith.subi %shift_right_arithmetic3A_158, %while3A_411 : i32
        %while3A_413 = arith.addi %while3A_411, %while3A_412 : i32
        %while3A_414 = arith.constant 1 : i32
        %while3A_415 = arith.divsi %while3A_412, %while3A_414 : i32
        %while3A_416 = arith.muli %while3A_415, %while3A_414 : i32
        %while3A_417 = arith.addi %while3A_411, %while3A_416 : i32
        %while3A_418 = arith.constant 1 : i32
        %while3A_419 = scf.for %while3A_445 = %while3A_411 to %while3A_417 step %while3A_418 iter_args(%while3A_446 = %while3A_410) -> (vector<16xi32>)  : i32 {
          %mul3A_447 = arith.constant 4 : i32
          %mul3A_448 = arith.muli %while3A_445, %mul3A_447 : i32
          %add3A_449 = arith.addi %min3A_152, %mul3A_448 : i32
          %mul3A_450 = arith.constant 16 : i32
          %mul3A_451 = arith.muli %add3A_449, %mul3A_450 : i32
          %add3A_452 = arith.constant 0 : i32
          %add3A_453 = arith.addi %mul3A_451, %add3A_452 : i32
          %get3A_454 = arith.index_cast %add3A_453 : i32 to index
          %get3A_455 = tpu.vector_load %arg5[%get3A_454] {strides = array<i32>} : memref<32768xf32, #tpu.memory_space<vmem>>, vector<16xf32>,
          %gt3A_456 = vector.broadcast %sub3A_210 : f32 to vector<16xf32>
          %gt3A_457 = arith.cmpf ogt, %get3A_455, %gt3A_456 : vector<16xf32>
          %sub3A_458 = vector.broadcast %reduce_max3A_208 : f32 to vector<16xf32>
          %sub3A_459 = arith.subf %get3A_455, %sub3A_458 : vector<16xf32>
          tpu.vector_store_idx %arg6[%while3A_446], %sub3A_459 masked %gt3A_457 : memref<32784xf32, #tpu.memory_space<vmem>>[vector<16xi32>], vector<16xf32>, vector<16xi1>
          %jit3A_460 = arith.constant 16 : i32
          %jit3A_461 = arith.constant 0 : i32
          %broadcast_in_dim3A_462 = vector.broadcast %jit3A_460 : i32 to vector<16xi32>
          %broadcast_in_dim3A_463 = vector.broadcast %jit3A_461 : i32 to vector<16xi32>
          %select_n3A_464 = arith.select %gt3A_457, %broadcast_in_dim3A_462, %broadcast_in_dim3A_463 : vector<16xi1>, vector<16xi32>
          %add3A_465 = arith.addi %while3A_446, %select_n3A_464 : vector<16xi32>
          %mul3A_466 = arith.constant 16 : i32
          %mul3A_467 = arith.muli %add3A_449, %mul3A_466 : i32
          %add3A_468 = arith.constant 16 : i32
          %add3A_469 = arith.addi %mul3A_467, %add3A_468 : i32
          %get3A_470 = arith.index_cast %add3A_469 : i32 to index
          %get3A_471 = tpu.vector_load %arg5[%get3A_470] {strides = array<i32>} : memref<32768xf32, #tpu.memory_space<vmem>>, vector<16xf32>,
          %gt3A_472 = vector.broadcast %sub3A_210 : f32 to vector<16xf32>
          %gt3A_473 = arith.cmpf ogt, %get3A_471, %gt3A_472 : vector<16xf32>
          %sub3A_474 = vector.broadcast %reduce_max3A_208 : f32 to vector<16xf32>
          %sub3A_475 = arith.subf %get3A_471, %sub3A_474 : vector<16xf32>
          tpu.vector_store_idx %arg6[%add3A_465], %sub3A_475 masked %gt3A_473 : memref<32784xf32, #tpu.memory_space<vmem>>[vector<16xi32>], vector<16xf32>, vector<16xi1>
          %jit3A_476 = arith.constant 16 : i32
          %jit3A_477 = arith.constant 0 : i32
          %broadcast_in_dim3A_478 = vector.broadcast %jit3A_476 : i32 to vector<16xi32>
          %broadcast_in_dim3A_479 = vector.broadcast %jit3A_477 : i32 to vector<16xi32>
          %select_n3A_480 = arith.select %gt3A_473, %broadcast_in_dim3A_478, %broadcast_in_dim3A_479 : vector<16xi1>, vector<16xi32>
          %add3A_481 = arith.addi %add3A_465, %select_n3A_480 : vector<16xi32>
          %mul3A_482 = arith.constant 16 : i32
          %mul3A_483 = arith.muli %add3A_449, %mul3A_482 : i32
          %add3A_484 = arith.constant 32 : i32
          %add3A_485 = arith.addi %mul3A_483, %add3A_484 : i32
          %get3A_486 = arith.index_cast %add3A_485 : i32 to index
          %get3A_487 = tpu.vector_load %arg5[%get3A_486] {strides = array<i32>} : memref<32768xf32, #tpu.memory_space<vmem>>, vector<16xf32>,
          %gt3A_488 = vector.broadcast %sub3A_210 : f32 to vector<16xf32>
          %gt3A_489 = arith.cmpf ogt, %get3A_487, %gt3A_488 : vector<16xf32>
          %sub3A_490 = vector.broadcast %reduce_max3A_208 : f32 to vector<16xf32>
          %sub3A_491 = arith.subf %get3A_487, %sub3A_490 : vector<16xf32>
          tpu.vector_store_idx %arg6[%add3A_481], %sub3A_491 masked %gt3A_489 : memref<32784xf32, #tpu.memory_space<vmem>>[vector<16xi32>], vector<16xf32>, vector<16xi1>
          %jit3A_492 = arith.constant 16 : i32
          %jit3A_493 = arith.constant 0 : i32
          %broadcast_in_dim3A_494 = vector.broadcast %jit3A_492 : i32 to vector<16xi32>
          %broadcast_in_dim3A_495 = vector.broadcast %jit3A_493 : i32 to vector<16xi32>
          %select_n3A_496 = arith.select %gt3A_489, %broadcast_in_dim3A_494, %broadcast_in_dim3A_495 : vector<16xi1>, vector<16xi32>
          %add3A_497 = arith.addi %add3A_481, %select_n3A_496 : vector<16xi32>
          %mul3A_498 = arith.constant 16 : i32
          %mul3A_499 = arith.muli %add3A_449, %mul3A_498 : i32
          %add3A_500 = arith.constant 48 : i32
          %add3A_501 = arith.addi %mul3A_499, %add3A_500 : i32
          %get3A_502 = arith.index_cast %add3A_501 : i32 to index
          %get3A_503 = tpu.vector_load %arg5[%get3A_502] {strides = array<i32>} : memref<32768xf32, #tpu.memory_space<vmem>>, vector<16xf32>,
          %gt3A_504 = vector.broadcast %sub3A_210 : f32 to vector<16xf32>
          %gt3A_505 = arith.cmpf ogt, %get3A_503, %gt3A_504 : vector<16xf32>
          %sub3A_506 = vector.broadcast %reduce_max3A_208 : f32 to vector<16xf32>
          %sub3A_507 = arith.subf %get3A_503, %sub3A_506 : vector<16xf32>
          tpu.vector_store_idx %arg6[%add3A_497], %sub3A_507 masked %gt3A_505 : memref<32784xf32, #tpu.memory_space<vmem>>[vector<16xi32>], vector<16xf32>, vector<16xi1>
          %jit3A_508 = arith.constant 16 : i32
          %jit3A_509 = arith.constant 0 : i32
          %broadcast_in_dim3A_510 = vector.broadcast %jit3A_508 : i32 to vector<16xi32>
          %broadcast_in_dim3A_511 = vector.broadcast %jit3A_509 : i32 to vector<16xi32>
          %select_n3A_512 = arith.select %gt3A_505, %broadcast_in_dim3A_510, %broadcast_in_dim3A_511 : vector<16xi1>, vector<16xi32>
          %add3A_513 = arith.addi %add3A_497, %select_n3A_512 : vector<16xi32>
          scf.yield %add3A_513 : vector<16xi32>
        }
        %while3A_420 = arith.constant 1 : i32
        %while3A_421 = scf.for %while3A_445 = %while3A_417 to %while3A_413 step %while3A_420 iter_args(%while3A_446 = %while3A_419) -> (vector<16xi32>)  : i32 {
          %mul3A_447 = arith.constant 4 : i32
          %mul3A_448 = arith.muli %while3A_445, %mul3A_447 : i32
          %add3A_449 = arith.addi %min3A_152, %mul3A_448 : i32
          %mul3A_450 = arith.constant 16 : i32
          %mul3A_451 = arith.muli %add3A_449, %mul3A_450 : i32
          %add3A_452 = arith.constant 0 : i32
          %add3A_453 = arith.addi %mul3A_451, %add3A_452 : i32
          %get3A_454 = arith.index_cast %add3A_453 : i32 to index
          %get3A_455 = tpu.vector_load %arg5[%get3A_454] {strides = array<i32>} : memref<32768xf32, #tpu.memory_space<vmem>>, vector<16xf32>,
          %gt3A_456 = vector.broadcast %sub3A_210 : f32 to vector<16xf32>
          %gt3A_457 = arith.cmpf ogt, %get3A_455, %gt3A_456 : vector<16xf32>
          %sub3A_458 = vector.broadcast %reduce_max3A_208 : f32 to vector<16xf32>
          %sub3A_459 = arith.subf %get3A_455, %sub3A_458 : vector<16xf32>
          tpu.vector_store_idx %arg6[%while3A_446], %sub3A_459 masked %gt3A_457 : memref<32784xf32, #tpu.memory_space<vmem>>[vector<16xi32>], vector<16xf32>, vector<16xi1>
          %jit3A_460 = arith.constant 16 : i32
          %jit3A_461 = arith.constant 0 : i32
          %broadcast_in_dim3A_462 = vector.broadcast %jit3A_460 : i32 to vector<16xi32>
          %broadcast_in_dim3A_463 = vector.broadcast %jit3A_461 : i32 to vector<16xi32>
          %select_n3A_464 = arith.select %gt3A_457, %broadcast_in_dim3A_462, %broadcast_in_dim3A_463 : vector<16xi1>, vector<16xi32>
          %add3A_465 = arith.addi %while3A_446, %select_n3A_464 : vector<16xi32>
          %mul3A_466 = arith.constant 16 : i32
          %mul3A_467 = arith.muli %add3A_449, %mul3A_466 : i32
          %add3A_468 = arith.constant 16 : i32
          %add3A_469 = arith.addi %mul3A_467, %add3A_468 : i32
          %get3A_470 = arith.index_cast %add3A_469 : i32 to index
          %get3A_471 = tpu.vector_load %arg5[%get3A_470] {strides = array<i32>} : memref<32768xf32, #tpu.memory_space<vmem>>, vector<16xf32>,
          %gt3A_472 = vector.broadcast %sub3A_210 : f32 to vector<16xf32>
          %gt3A_473 = arith.cmpf ogt, %get3A_471, %gt3A_472 : vector<16xf32>
          %sub3A_474 = vector.broadcast %reduce_max3A_208 : f32 to vector<16xf32>
          %sub3A_475 = arith.subf %get3A_471, %sub3A_474 : vector<16xf32>
          tpu.vector_store_idx %arg6[%add3A_465], %sub3A_475 masked %gt3A_473 : memref<32784xf32, #tpu.memory_space<vmem>>[vector<16xi32>], vector<16xf32>, vector<16xi1>
          %jit3A_476 = arith.constant 16 : i32
          %jit3A_477 = arith.constant 0 : i32
          %broadcast_in_dim3A_478 = vector.broadcast %jit3A_476 : i32 to vector<16xi32>
          %broadcast_in_dim3A_479 = vector.broadcast %jit3A_477 : i32 to vector<16xi32>
          %select_n3A_480 = arith.select %gt3A_473, %broadcast_in_dim3A_478, %broadcast_in_dim3A_479 : vector<16xi1>, vector<16xi32>
          %add3A_481 = arith.addi %add3A_465, %select_n3A_480 : vector<16xi32>
          %mul3A_482 = arith.constant 16 : i32
          %mul3A_483 = arith.muli %add3A_449, %mul3A_482 : i32
          %add3A_484 = arith.constant 32 : i32
          %add3A_485 = arith.addi %mul3A_483, %add3A_484 : i32
          %get3A_486 = arith.index_cast %add3A_485 : i32 to index
          %get3A_487 = tpu.vector_load %arg5[%get3A_486] {strides = array<i32>} : memref<32768xf32, #tpu.memory_space<vmem>>, vector<16xf32>,
          %gt3A_488 = vector.broadcast %sub3A_210 : f32 to vector<16xf32>
          %gt3A_489 = arith.cmpf ogt, %get3A_487, %gt3A_488 : vector<16xf32>
          %sub3A_490 = vector.broadcast %reduce_max3A_208 : f32 to vector<16xf32>
          %sub3A_491 = arith.subf %get3A_487, %sub3A_490 : vector<16xf32>
          tpu.vector_store_idx %arg6[%add3A_481], %sub3A_491 masked %gt3A_489 : memref<32784xf32, #tpu.memory_space<vmem>>[vector<16xi32>], vector<16xf32>, vector<16xi1>
          %jit3A_492 = arith.constant 16 : i32
          %jit3A_493 = arith.constant 0 : i32
          %broadcast_in_dim3A_494 = vector.broadcast %jit3A_492 : i32 to vector<16xi32>
          %broadcast_in_dim3A_495 = vector.broadcast %jit3A_493 : i32 to vector<16xi32>
          %select_n3A_496 = arith.select %gt3A_489, %broadcast_in_dim3A_494, %broadcast_in_dim3A_495 : vector<16xi1>, vector<16xi32>
          %add3A_497 = arith.addi %add3A_481, %select_n3A_496 : vector<16xi32>
          %mul3A_498 = arith.constant 16 : i32
          %mul3A_499 = arith.muli %add3A_449, %mul3A_498 : i32
          %add3A_500 = arith.constant 48 : i32
          %add3A_501 = arith.addi %mul3A_499, %add3A_500 : i32
          %get3A_502 = arith.index_cast %add3A_501 : i32 to index
          %get3A_503 = tpu.vector_load %arg5[%get3A_502] {strides = array<i32>} : memref<32768xf32, #tpu.memory_space<vmem>>, vector<16xf32>,
          %gt3A_504 = vector.broadcast %sub3A_210 : f32 to vector<16xf32>
          %gt3A_505 = arith.cmpf ogt, %get3A_503, %gt3A_504 : vector<16xf32>
          %sub3A_506 = vector.broadcast %reduce_max3A_208 : f32 to vector<16xf32>
          %sub3A_507 = arith.subf %get3A_503, %sub3A_506 : vector<16xf32>
          tpu.vector_store_idx %arg6[%add3A_497], %sub3A_507 masked %gt3A_505 : memref<32784xf32, #tpu.memory_space<vmem>>[vector<16xi32>], vector<16xf32>, vector<16xi1>
          %jit3A_508 = arith.constant 16 : i32
          %jit3A_509 = arith.constant 0 : i32
          %broadcast_in_dim3A_510 = vector.broadcast %jit3A_508 : i32 to vector<16xi32>
          %broadcast_in_dim3A_511 = vector.broadcast %jit3A_509 : i32 to vector<16xi32>
          %select_n3A_512 = arith.select %gt3A_505, %broadcast_in_dim3A_510, %broadcast_in_dim3A_511 : vector<16xi1>, vector<16xi32>
          %add3A_513 = arith.addi %add3A_497, %select_n3A_512 : vector<16xi32>
          scf.yield %add3A_513 : vector<16xi32>
        }
        %mul3A_422 = arith.constant 4 : i32
        %mul3A_423 = arith.muli %shift_right_arithmetic3A_158, %mul3A_422 : i32
        %add3A_424 = arith.addi %min3A_152, %mul3A_423 : i32
        %while3A_425 = arith.subi %max3A_155, %add3A_424 : i32
        %while3A_426 = arith.addi %add3A_424, %while3A_425 : i32
        %while3A_427 = arith.constant 1 : i32
        %while3A_428 = arith.divsi %while3A_425, %while3A_427 : i32
        %while3A_429 = arith.muli %while3A_428, %while3A_427 : i32
        %while3A_430 = arith.addi %add3A_424, %while3A_429 : i32
        %while3A_431 = arith.constant 1 : i32
        %while3A_432 = scf.for %while3A_445 = %add3A_424 to %while3A_430 step %while3A_431 iter_args(%while3A_446 = %while3A_421) -> (vector<16xi32>)  : i32 {
          %mul3A_447 = arith.constant 16 : i32
          %mul3A_448 = arith.muli %while3A_445, %mul3A_447 : i32
          %get3A_449 = arith.index_cast %mul3A_448 : i32 to index
          %get3A_450 = tpu.vector_load %arg5[%get3A_449] {strides = array<i32>} : memref<32768xf32, #tpu.memory_space<vmem>>, vector<16xf32>,
          %gt3A_451 = vector.broadcast %sub3A_210 : f32 to vector<16xf32>
          %gt3A_452 = arith.cmpf ogt, %get3A_450, %gt3A_451 : vector<16xf32>
          %sub3A_453 = vector.broadcast %reduce_max3A_208 : f32 to vector<16xf32>
          %sub3A_454 = arith.subf %get3A_450, %sub3A_453 : vector<16xf32>
          tpu.vector_store_idx %arg6[%while3A_446], %sub3A_454 masked %gt3A_452 : memref<32784xf32, #tpu.memory_space<vmem>>[vector<16xi32>], vector<16xf32>, vector<16xi1>
          %jit3A_455 = arith.constant 16 : i32
          %jit3A_456 = arith.constant 0 : i32
          %broadcast_in_dim3A_457 = vector.broadcast %jit3A_455 : i32 to vector<16xi32>
          %broadcast_in_dim3A_458 = vector.broadcast %jit3A_456 : i32 to vector<16xi32>
          %select_n3A_459 = arith.select %gt3A_452, %broadcast_in_dim3A_457, %broadcast_in_dim3A_458 : vector<16xi1>, vector<16xi32>
          %add3A_460 = arith.addi %while3A_446, %select_n3A_459 : vector<16xi32>
          scf.yield %add3A_460 : vector<16xi32>
        }
        %while3A_433 = arith.constant 1 : i32
        %while3A_434 = scf.for %while3A_445 = %while3A_430 to %while3A_426 step %while3A_433 iter_args(%while3A_446 = %while3A_432) -> (vector<16xi32>)  : i32 {
          %mul3A_447 = arith.constant 16 : i32
          %mul3A_448 = arith.muli %while3A_445, %mul3A_447 : i32
          %get3A_449 = arith.index_cast %mul3A_448 : i32 to index
          %get3A_450 = tpu.vector_load %arg5[%get3A_449] {strides = array<i32>} : memref<32768xf32, #tpu.memory_space<vmem>>, vector<16xf32>,
          %gt3A_451 = vector.broadcast %sub3A_210 : f32 to vector<16xf32>
          %gt3A_452 = arith.cmpf ogt, %get3A_450, %gt3A_451 : vector<16xf32>
          %sub3A_453 = vector.broadcast %reduce_max3A_208 : f32 to vector<16xf32>
          %sub3A_454 = arith.subf %get3A_450, %sub3A_453 : vector<16xf32>
          tpu.vector_store_idx %arg6[%while3A_446], %sub3A_454 masked %gt3A_452 : memref<32784xf32, #tpu.memory_space<vmem>>[vector<16xi32>], vector<16xf32>, vector<16xi1>
          %jit3A_455 = arith.constant 16 : i32
          %jit3A_456 = arith.constant 0 : i32
          %broadcast_in_dim3A_457 = vector.broadcast %jit3A_455 : i32 to vector<16xi32>
          %broadcast_in_dim3A_458 = vector.broadcast %jit3A_456 : i32 to vector<16xi32>
          %select_n3A_459 = arith.select %gt3A_452, %broadcast_in_dim3A_457, %broadcast_in_dim3A_458 : vector<16xi1>, vector<16xi32>
          %add3A_460 = arith.addi %while3A_446, %select_n3A_459 : vector<16xi32>
          scf.yield %add3A_460 : vector<16xi32>
        }
        %while3A_435 = arith.subi %shift_right_arithmetic3A_149, %max3A_155 : i32
        %while3A_436 = arith.addi %max3A_155, %while3A_435 : i32
        %while3A_437 = arith.constant 1 : i32
        %while3A_438 = arith.divsi %while3A_435, %while3A_437 : i32
        %while3A_439 = arith.muli %while3A_438, %while3A_437 : i32
        %while3A_440 = arith.addi %max3A_155, %while3A_439 : i32
        %while3A_441 = arith.constant 1 : i32
        %while3A_442 = scf.for %while3A_445 = %max3A_155 to %while3A_440 step %while3A_441 iter_args(%while3A_446 = %while3A_434) -> (vector<16xi32>)  : i32 {
          %mul3A_447 = arith.constant 16 : i32
          %mul3A_448 = arith.muli %while3A_445, %mul3A_447 : i32
          %add3A_449 = vector.broadcast %mul3A_448 : i32 to vector<16xi32>
          %add3A_450 = arith.addi %add3A_449, %iota3A : vector<16xi32>
          %mul3A_451 = arith.constant 16 : i32
          %mul3A_452 = arith.muli %while3A_445, %mul3A_451 : i32
          %get3A_453 = arith.index_cast %mul3A_452 : i32 to index
          %get3A_454 = tpu.vector_load %arg5[%get3A_453] {strides = array<i32>} : memref<32768xf32, #tpu.memory_space<vmem>>, vector<16xf32>,
          %ge3A = vector.broadcast %reduce_max3A_130 : i32 to vector<16xi32>
          %ge3A_455 = arith.cmpi sge, %add3A_450, %ge3A : vector<16xi32>
          %lt3A = vector.broadcast %reduce_max3A_143 : i32 to vector<16xi32>
          %lt3A_456 = arith.cmpi slt, %add3A_450, %lt3A : vector<16xi32>
          %and3A = arith.andi %ge3A_455, %lt3A_456 : vector<16xi1>
          %gt3A_457 = vector.broadcast %sub3A_210 : f32 to vector<16xf32>
          %gt3A_458 = arith.cmpf ogt, %get3A_454, %gt3A_457 : vector<16xf32>
          %and3A_459 = arith.andi %and3A, %gt3A_458 : vector<16xi1>
          %sub3A_460 = vector.broadcast %reduce_max3A_208 : f32 to vector<16xf32>
          %sub3A_461 = arith.subf %get3A_454, %sub3A_460 : vector<16xf32>
          tpu.vector_store_idx %arg6[%while3A_446], %sub3A_461 masked %and3A_459 : memref<32784xf32, #tpu.memory_space<vmem>>[vector<16xi32>], vector<16xf32>, vector<16xi1>
          %jit3A_462 = arith.constant 16 : i32
          %jit3A_463 = arith.constant 0 : i32
          %broadcast_in_dim3A_464 = vector.broadcast %jit3A_462 : i32 to vector<16xi32>
          %broadcast_in_dim3A_465 = vector.broadcast %jit3A_463 : i32 to vector<16xi32>
          %select_n3A_466 = arith.select %and3A_459, %broadcast_in_dim3A_464, %broadcast_in_dim3A_465 : vector<16xi1>, vector<16xi32>
          %add3A_467 = arith.addi %while3A_446, %select_n3A_466 : vector<16xi32>
          scf.yield %add3A_467 : vector<16xi32>
        }
        %while3A_443 = arith.constant 1 : i32
        %while3A_444 = scf.for %while3A_445 = %while3A_440 to %while3A_436 step %while3A_443 iter_args(%while3A_446 = %while3A_442) -> (vector<16xi32>)  : i32 {
          %mul3A_447 = arith.constant 16 : i32
          %mul3A_448 = arith.muli %while3A_445, %mul3A_447 : i32
          %add3A_449 = vector.broadcast %mul3A_448 : i32 to vector<16xi32>
          %add3A_450 = arith.addi %add3A_449, %iota3A : vector<16xi32>
          %mul3A_451 = arith.constant 16 : i32
          %mul3A_452 = arith.muli %while3A_445, %mul3A_451 : i32
          %get3A_453 = arith.index_cast %mul3A_452 : i32 to index
          %get3A_454 = tpu.vector_load %arg5[%get3A_453] {strides = array<i32>} : memref<32768xf32, #tpu.memory_space<vmem>>, vector<16xf32>,
          %ge3A = vector.broadcast %reduce_max3A_130 : i32 to vector<16xi32>
          %ge3A_455 = arith.cmpi sge, %add3A_450, %ge3A : vector<16xi32>
          %lt3A = vector.broadcast %reduce_max3A_143 : i32 to vector<16xi32>
          %lt3A_456 = arith.cmpi slt, %add3A_450, %lt3A : vector<16xi32>
          %and3A = arith.andi %ge3A_455, %lt3A_456 : vector<16xi1>
          %gt3A_457 = vector.broadcast %sub3A_210 : f32 to vector<16xf32>
          %gt3A_458 = arith.cmpf ogt, %get3A_454, %gt3A_457 : vector<16xf32>
          %and3A_459 = arith.andi %and3A, %gt3A_458 : vector<16xi1>
          %sub3A_460 = vector.broadcast %reduce_max3A_208 : f32 to vector<16xf32>
          %sub3A_461 = arith.subf %get3A_454, %sub3A_460 : vector<16xf32>
          tpu.vector_store_idx %arg6[%while3A_446], %sub3A_461 masked %and3A_459 : memref<32784xf32, #tpu.memory_space<vmem>>[vector<16xi32>], vector<16xf32>, vector<16xi1>
          %jit3A_462 = arith.constant 16 : i32
          %jit3A_463 = arith.constant 0 : i32
          %broadcast_in_dim3A_464 = vector.broadcast %jit3A_462 : i32 to vector<16xi32>
          %broadcast_in_dim3A_465 = vector.broadcast %jit3A_463 : i32 to vector<16xi32>
          %select_n3A_466 = arith.select %and3A_459, %broadcast_in_dim3A_464, %broadcast_in_dim3A_465 : vector<16xi1>, vector<16xi32>
          %add3A_467 = arith.addi %while3A_446, %select_n3A_466 : vector<16xi32>
          scf.yield %add3A_467 : vector<16xi32>
        }
      } else {
      }
      %get3A_286 = arith.constant 0 : index
      %get3A_287 = tpu.vector_load %arg6[%get3A_286] {strides = array<i32>} : memref<32784xf32, #tpu.memory_space<vmem>>, vector<16xf32>,
      %scan3A = arith.constant -1.000000e+00 : f32
      %scan3A_288 = arith.constant 0.000000e+00 : f32
      %scan3A_289 = arith.constant 0 : i32
      %scan3A_290 = arith.constant 16 : i32
      %scan3A_291 = arith.addi %scan3A_289, %scan3A_290 : i32
      %scan3A_292 = arith.constant 1 : i32
      %scan3A_293:2 = scf.for %scan3A_391 = %scan3A_289 to %scan3A_291 step %scan3A_292 iter_args(%scan3A_392 = %scan3A, %scan3A_393 = %scan3A_288) -> (f32, f32)  : i32 {
        %add3A_394 = arith.addf %scan3A_392, %scan3A_393 : f32
        %mul3A_395 = arith.constant 5.000000e-01 : f32
        %mul3A_396 = arith.mulf %mul3A_395, %add3A_394 : f32
        %sub3A_397 = vector.broadcast %mul3A_396 : f32 to vector<16xf32>
        %sub3A_398 = arith.subf %get3A_287, %sub3A_397 : vector<16xf32>
        %max3A_399 = arith.constant 0.000000e+00 : f32
        %max3A_400 = vector.broadcast %max3A_399 : f32 to vector<16xf32>
        %max3A_401 = arith.maximumf %sub3A_398, %max3A_400 : vector<16xf32>
        %sub3A_402 = arith.constant 1 : i32
        %sub3A_403 = arith.subi %reduce_max3A_283, %sub3A_402 : i32
        %while3A_404 = arith.constant 0 : i32
        %while3A_405 = arith.subi %sub3A_403, %while3A_404 : i32
        %while3A_406 = arith.addi %while3A_404, %while3A_405 : i32
        %while3A_407 = arith.constant 1 : i32
        %while3A_408 = arith.divsi %while3A_405, %while3A_407 : i32
        %while3A_409 = arith.muli %while3A_408, %while3A_407 : i32
        %while3A_410 = arith.addi %while3A_404, %while3A_409 : i32
        %while3A_411 = arith.constant 1 : i32
        %while3A_412 = scf.for %while3A_424 = %while3A_404 to %while3A_410 step %while3A_411 iter_args(%while3A_425 = %max3A_401) -> (vector<16xf32>)  : i32 {
          %mul3A_426 = arith.constant 16 : i32
          %mul3A_427 = arith.muli %while3A_424, %mul3A_426 : i32
          %add3A_428 = arith.constant 16 : i32
          %add3A_429 = arith.addi %mul3A_427, %add3A_428 : i32
          %get3A_430 = arith.index_cast %add3A_429 : i32 to index
          %get3A_431 = tpu.vector_load %arg6[%get3A_430] {strides = array<i32>} : memref<32784xf32, #tpu.memory_space<vmem>>, vector<16xf32>,
          %sub3A_432 = vector.broadcast %mul3A_396 : f32 to vector<16xf32>
          %sub3A_433 = arith.subf %get3A_431, %sub3A_432 : vector<16xf32>
          %max3A_434 = arith.constant 0.000000e+00 : f32
          %max3A_435 = vector.broadcast %max3A_434 : f32 to vector<16xf32>
          %max3A_436 = arith.maximumf %sub3A_433, %max3A_435 : vector<16xf32>
          %add3A_437 = arith.addf %while3A_425, %max3A_436 : vector<16xf32>
          scf.yield %add3A_437 : vector<16xf32>
        }
        %while3A_413 = arith.constant 1 : i32
        %while3A_414 = scf.for %while3A_424 = %while3A_410 to %while3A_406 step %while3A_413 iter_args(%while3A_425 = %while3A_412) -> (vector<16xf32>)  : i32 {
          %mul3A_426 = arith.constant 16 : i32
          %mul3A_427 = arith.muli %while3A_424, %mul3A_426 : i32
          %add3A_428 = arith.constant 16 : i32
          %add3A_429 = arith.addi %mul3A_427, %add3A_428 : i32
          %get3A_430 = arith.index_cast %add3A_429 : i32 to index
          %get3A_431 = tpu.vector_load %arg6[%get3A_430] {strides = array<i32>} : memref<32784xf32, #tpu.memory_space<vmem>>, vector<16xf32>,
          %sub3A_432 = vector.broadcast %mul3A_396 : f32 to vector<16xf32>
          %sub3A_433 = arith.subf %get3A_431, %sub3A_432 : vector<16xf32>
          %max3A_434 = arith.constant 0.000000e+00 : f32
          %max3A_435 = vector.broadcast %max3A_434 : f32 to vector<16xf32>
          %max3A_436 = arith.maximumf %sub3A_433, %max3A_435 : vector<16xf32>
          %add3A_437 = arith.addf %while3A_425, %max3A_436 : vector<16xf32>
          scf.yield %add3A_437 : vector<16xf32>
        }
        %reduce_sum3A_415 = arith.constant true
        %reduce_sum3A_416 = vector.broadcast %reduce_sum3A_415 : i1 to vector<16xi1>
        %reduce_sum3A_417 = tpu.scan <sum>, %while3A_414 masked %reduce_sum3A_416 : vector<16xf32>, vector<16xi1> -> vector<16xf32>
        %reduce_sum3A_418 = vector.extract %reduce_sum3A_417[15] : f32 from vector<16xf32>
        %sub3A_419 = arith.constant 1.000000e+00 : f32
        %sub3A_420 = arith.subf %reduce_sum3A_418, %sub3A_419 : f32
        %ge3A = arith.constant 0.000000e+00 : f32
        %ge3A_421 = arith.cmpf oge, %sub3A_420, %ge3A : f32
        %select_n3A_422 = arith.select %ge3A_421, %mul3A_396, %scan3A_392 : f32
        %select_n3A_423 = arith.select %ge3A_421, %scan3A_393, %mul3A_396 : f32
        scf.yield %select_n3A_422, %select_n3A_423 : f32, f32
      }
      %scan3A_294 = arith.constant 16 : i32
      %gt3A_295 = vector.broadcast %scan3A_293#0 : f32 to vector<16xf32>
      %gt3A_296 = arith.cmpf ogt, %get3A_287, %gt3A_295 : vector<16xf32>
      %sub3A_297 = arith.constant 1 : i32
      %sub3A_298 = arith.subi %reduce_max3A_283, %sub3A_297 : i32
      %convert_element_type3A_299 = arith.extui %gt3A_296 : vector<16xi1> to vector<16xi32>
      %jit3A_300 = arith.constant 0.000000e+00 : f32
      %broadcast_in_dim3A_301 = vector.broadcast %jit3A_300 : f32 to vector<16xf32>
      %select_n3A_302 = arith.select %gt3A_296, %get3A_287, %broadcast_in_dim3A_301 : vector<16xi1>, vector<16xf32>
      %while3A_303 = arith.constant 0 : i32
      %while3A_304 = arith.subi %sub3A_298, %while3A_303 : i32
      %while3A_305 = arith.addi %while3A_303, %while3A_304 : i32
      %while3A_306 = arith.constant 1 : i32
      %while3A_307 = arith.divsi %while3A_304, %while3A_306 : i32
      %while3A_308 = arith.muli %while3A_307, %while3A_306 : i32
      %while3A_309 = arith.addi %while3A_303, %while3A_308 : i32
      %while3A_310 = arith.constant 1 : i32
      %while3A_311:2 = scf.for %while3A_391 = %while3A_303 to %while3A_309 step %while3A_310 iter_args(%while3A_392 = %convert_element_type3A_299, %while3A_393 = %select_n3A_302) -> (vector<16xi32>, vector<16xf32>)  : i32 {
        %mul3A_394 = arith.constant 16 : i32
        %mul3A_395 = arith.muli %while3A_391, %mul3A_394 : i32
        %add3A_396 = arith.constant 16 : i32
        %add3A_397 = arith.addi %mul3A_395, %add3A_396 : i32
        %get3A_398 = arith.index_cast %add3A_397 : i32 to index
        %get3A_399 = tpu.vector_load %arg6[%get3A_398] {strides = array<i32>} : memref<32784xf32, #tpu.memory_space<vmem>>, vector<16xf32>,
        %gt3A_400 = vector.broadcast %scan3A_293#0 : f32 to vector<16xf32>
        %gt3A_401 = arith.cmpf ogt, %get3A_399, %gt3A_400 : vector<16xf32>
        %convert_element_type3A_402 = arith.extui %gt3A_401 : vector<16xi1> to vector<16xi32>
        %add3A_403 = arith.addi %while3A_392, %convert_element_type3A_402 : vector<16xi32>
        %jit3A_404 = arith.constant 0.000000e+00 : f32
        %broadcast_in_dim3A_405 = vector.broadcast %jit3A_404 : f32 to vector<16xf32>
        %select_n3A_406 = arith.select %gt3A_401, %get3A_399, %broadcast_in_dim3A_405 : vector<16xi1>, vector<16xf32>
        %add3A_407 = arith.addf %while3A_393, %select_n3A_406 : vector<16xf32>
        scf.yield %add3A_403, %add3A_407 : vector<16xi32>, vector<16xf32>
      }
      %while3A_312 = arith.constant 1 : i32
      %while3A_313:2 = scf.for %while3A_391 = %while3A_309 to %while3A_305 step %while3A_312 iter_args(%while3A_392 = %while3A_311#0, %while3A_393 = %while3A_311#1) -> (vector<16xi32>, vector<16xf32>)  : i32 {
        %mul3A_394 = arith.constant 16 : i32
        %mul3A_395 = arith.muli %while3A_391, %mul3A_394 : i32
        %add3A_396 = arith.constant 16 : i32
        %add3A_397 = arith.addi %mul3A_395, %add3A_396 : i32
        %get3A_398 = arith.index_cast %add3A_397 : i32 to index
        %get3A_399 = tpu.vector_load %arg6[%get3A_398] {strides = array<i32>} : memref<32784xf32, #tpu.memory_space<vmem>>, vector<16xf32>,
        %gt3A_400 = vector.broadcast %scan3A_293#0 : f32 to vector<16xf32>
        %gt3A_401 = arith.cmpf ogt, %get3A_399, %gt3A_400 : vector<16xf32>
        %convert_element_type3A_402 = arith.extui %gt3A_401 : vector<16xi1> to vector<16xi32>
        %add3A_403 = arith.addi %while3A_392, %convert_element_type3A_402 : vector<16xi32>
        %jit3A_404 = arith.constant 0.000000e+00 : f32
        %broadcast_in_dim3A_405 = vector.broadcast %jit3A_404 : f32 to vector<16xf32>
        %select_n3A_406 = arith.select %gt3A_401, %get3A_399, %broadcast_in_dim3A_405 : vector<16xi1>, vector<16xf32>
        %add3A_407 = arith.addf %while3A_393, %select_n3A_406 : vector<16xf32>
        scf.yield %add3A_403, %add3A_407 : vector<16xi32>, vector<16xf32>
      }
      %reduce_sum3A_314 = arith.constant true
      %reduce_sum3A_315 = vector.broadcast %reduce_sum3A_314 : i1 to vector<16xi1>
      %reduce_sum3A_316 = tpu.scan <sum>, %while3A_313#0 masked %reduce_sum3A_315 : vector<16xi32>, vector<16xi1> -> vector<16xi32>
      %reduce_sum3A_317 = vector.extract %reduce_sum3A_316[15] : i32 from vector<16xi32>
      %reduce_sum3A_318 = arith.constant true
      %reduce_sum3A_319 = vector.broadcast %reduce_sum3A_318 : i1 to vector<16xi1>
      %reduce_sum3A_320 = tpu.scan <sum>, %while3A_313#1 masked %reduce_sum3A_319 : vector<16xf32>, vector<16xi1> -> vector<16xf32>
      %reduce_sum3A_321 = vector.extract %reduce_sum3A_320[15] : f32 from vector<16xf32>
      %max3A_322 = arith.constant 1 : i32
      %max3A_323 = arith.maxsi %reduce_sum3A_317, %max3A_322 : i32
      %convert_element_type3A_324 = arith.sitofp %max3A_323 : i32 to f32
      %broadcast_in_dim3A_325 = vector.broadcast %reduce_sum3A_321 : f32 to vector<16xf32>
      %sub3A_326 = arith.constant 1.000000e+00 : f32
      %sub3A_327 = vector.broadcast %sub3A_326 : f32 to vector<16xf32>
      %sub3A_328 = arith.subf %broadcast_in_dim3A_325, %sub3A_327 : vector<16xf32>
      %broadcast_in_dim3A_329 = vector.broadcast %convert_element_type3A_324 : f32 to vector<16xf32>
      %div3A = arith.divf %sub3A_328, %broadcast_in_dim3A_329 : vector<16xf32>
      %add3A_330 = vector.broadcast %reduce_max3A_208 : f32 to vector<16xf32>
      %add3A_331 = arith.addf %add3A_330, %div3A : vector<16xf32>
      %max3A_332 = arith.maxsi %reduce_max3A_130, %mul3A_2 : i32
      %add3A_333 = arith.constant 1024 : i32
      %add3A_334 = arith.addi %mul3A_2, %add3A_333 : i32
      %min3A_335 = arith.minsi %reduce_max3A_143, %add3A_334 : i32
      %shift_right_arithmetic3A_336 = arith.constant 4 : i32
      %shift_right_arithmetic3A_337 = arith.shrsi %max3A_332, %shift_right_arithmetic3A_336 : i32
      %add3A_338 = arith.constant 15 : i32
      %add3A_339 = arith.addi %min3A_335, %add3A_338 : i32
      %shift_right_arithmetic3A_340 = arith.constant 4 : i32
      %shift_right_arithmetic3A_341 = arith.shrsi %add3A_339, %shift_right_arithmetic3A_340 : i32
      %add3A_342 = arith.constant 1 : i32
      %add3A_343 = arith.addi %shift_right_arithmetic3A_337, %add3A_342 : i32
      %min3A_344 = arith.minsi %add3A_343, %shift_right_arithmetic3A_341 : i32
      %sub3A_345 = arith.constant 1 : i32
      %sub3A_346 = arith.subi %shift_right_arithmetic3A_341, %sub3A_345 : i32
      %max3A_347 = arith.maxsi %sub3A_346, %min3A_344 : i32
      %sub3A_348 = arith.subi %max3A_347, %min3A_344 : i32
      %shift_right_arithmetic3A_349 = arith.constant 2 : i32
      %shift_right_arithmetic3A_350 = arith.shrsi %sub3A_348, %shift_right_arithmetic3A_349 : i32
      %while3A_351 = arith.constant 0 : i32
      %while3A_352 = arith.subi %min3A_344, %shift_right_arithmetic3A_337 : i32
      %while3A_353 = arith.addi %shift_right_arithmetic3A_337, %while3A_352 : i32
      %while3A_354 = arith.constant 1 : i32
      %while3A_355 = arith.divsi %while3A_352, %while3A_354 : i32
      %while3A_356 = arith.muli %while3A_355, %while3A_354 : i32
      %while3A_357 = arith.addi %shift_right_arithmetic3A_337, %while3A_356 : i32
      %while3A_358 = arith.constant 1 : i32
      scf.for %while3A_391 = %shift_right_arithmetic3A_337 to %while3A_357 step %while3A_358  : i32 {
        %mul3A_392 = arith.constant 16 : i32
        %mul3A_393 = arith.muli %while3A_391, %mul3A_392 : i32
        %add3A_394 = vector.broadcast %mul3A_393 : i32 to vector<16xi32>
        %add3A_395 = arith.addi %add3A_394, %iota3A : vector<16xi32>
        %mul3A_396 = arith.constant 16 : i32
        %mul3A_397 = arith.muli %while3A_391, %mul3A_396 : i32
        %get3A_398 = arith.index_cast %mul3A_397 : i32 to index
        %get3A_399 = tpu.vector_load %arg5[%get3A_398] {strides = array<i32>} : memref<32768xf32, #tpu.memory_space<vmem>>, vector<16xf32>,
        %ge3A = vector.broadcast %max3A_332 : i32 to vector<16xi32>
        %ge3A_400 = arith.cmpi sge, %add3A_395, %ge3A : vector<16xi32>
        %lt3A = vector.broadcast %min3A_335 : i32 to vector<16xi32>
        %lt3A_401 = arith.cmpi slt, %add3A_395, %lt3A : vector<16xi32>
        %and3A = arith.andi %ge3A_400, %lt3A_401 : vector<16xi1>
        %mul3A_402 = arith.constant 16 : i32
        %mul3A_403 = arith.muli %while3A_391, %mul3A_402 : i32
        %sub3A_404 = arith.subi %mul3A_403, %mul3A_2 : i32
        %get3A_405 = arith.index_cast %sub3A_404 : i32 to index
        %get3A_406 = tpu.vector_load %arg7[%get3A_405] {strides = array<i32>} : memref<1024xf32, #tpu.memory_space<vmem>>, vector<16xf32>,
        %sub3A_407 = arith.subf %get3A_399, %add3A_331 : vector<16xf32>
        %max3A_408 = arith.constant 0.000000e+00 : f32
        %max3A_409 = vector.broadcast %max3A_408 : f32 to vector<16xf32>
        %max3A_410 = arith.maximumf %sub3A_407, %max3A_409 : vector<16xf32>
        %select_n3A_411 = arith.select %and3A, %max3A_410, %get3A_406 : vector<16xi1>, vector<16xf32>
        %mul3A_412 = arith.constant 16 : i32
        %mul3A_413 = arith.muli %while3A_391, %mul3A_412 : i32
        %sub3A_414 = arith.subi %mul3A_413, %mul3A_2 : i32
        %swap3A_415 = arith.index_cast %sub3A_414 : i32 to index
        %swap3A_416 = tpu.vector_load %arg7[%swap3A_415] {strides = array<i32>} : memref<1024xf32, #tpu.memory_space<vmem>>, vector<16xf32>,
        tpu.vector_store %arg7[%swap3A_415], %select_n3A_411 {strides = array<i32>} : memref<1024xf32, #tpu.memory_space<vmem>>, vector<16xf32>,
      }
      %while3A_359 = arith.constant 1 : i32
      scf.for %while3A_391 = %while3A_357 to %while3A_353 step %while3A_359  : i32 {
        %mul3A_392 = arith.constant 16 : i32
        %mul3A_393 = arith.muli %while3A_391, %mul3A_392 : i32
        %add3A_394 = vector.broadcast %mul3A_393 : i32 to vector<16xi32>
        %add3A_395 = arith.addi %add3A_394, %iota3A : vector<16xi32>
        %mul3A_396 = arith.constant 16 : i32
        %mul3A_397 = arith.muli %while3A_391, %mul3A_396 : i32
        %get3A_398 = arith.index_cast %mul3A_397 : i32 to index
        %get3A_399 = tpu.vector_load %arg5[%get3A_398] {strides = array<i32>} : memref<32768xf32, #tpu.memory_space<vmem>>, vector<16xf32>,
        %ge3A = vector.broadcast %max3A_332 : i32 to vector<16xi32>
        %ge3A_400 = arith.cmpi sge, %add3A_395, %ge3A : vector<16xi32>
        %lt3A = vector.broadcast %min3A_335 : i32 to vector<16xi32>
        %lt3A_401 = arith.cmpi slt, %add3A_395, %lt3A : vector<16xi32>
        %and3A = arith.andi %ge3A_400, %lt3A_401 : vector<16xi1>
        %mul3A_402 = arith.constant 16 : i32
        %mul3A_403 = arith.muli %while3A_391, %mul3A_402 : i32
        %sub3A_404 = arith.subi %mul3A_403, %mul3A_2 : i32
        %get3A_405 = arith.index_cast %sub3A_404 : i32 to index
        %get3A_406 = tpu.vector_load %arg7[%get3A_405] {strides = array<i32>} : memref<1024xf32, #tpu.memory_space<vmem>>, vector<16xf32>,
        %sub3A_407 = arith.subf %get3A_399, %add3A_331 : vector<16xf32>
        %max3A_408 = arith.constant 0.000000e+00 : f32
        %max3A_409 = vector.broadcast %max3A_408 : f32 to vector<16xf32>
        %max3A_410 = arith.maximumf %sub3A_407, %max3A_409 : vector<16xf32>
        %select_n3A_411 = arith.select %and3A, %max3A_410, %get3A_406 : vector<16xi1>, vector<16xf32>
        %mul3A_412 = arith.constant 16 : i32
        %mul3A_413 = arith.muli %while3A_391, %mul3A_412 : i32
        %sub3A_414 = arith.subi %mul3A_413, %mul3A_2 : i32
        %swap3A_415 = arith.index_cast %sub3A_414 : i32 to index
        %swap3A_416 = tpu.vector_load %arg7[%swap3A_415] {strides = array<i32>} : memref<1024xf32, #tpu.memory_space<vmem>>, vector<16xf32>,
        tpu.vector_store %arg7[%swap3A_415], %select_n3A_411 {strides = array<i32>} : memref<1024xf32, #tpu.memory_space<vmem>>, vector<16xf32>,
      }
      %while3A_360 = arith.constant 0 : i32
      %while3A_361 = arith.constant 0 : i32
      %while3A_362 = arith.subi %shift_right_arithmetic3A_350, %while3A_361 : i32
      %while3A_363 = arith.addi %while3A_361, %while3A_362 : i32
      %while3A_364 = arith.constant 1 : i32
      %while3A_365 = arith.divsi %while3A_362, %while3A_364 : i32
      %while3A_366 = arith.muli %while3A_365, %while3A_364 : i32
      %while3A_367 = arith.addi %while3A_361, %while3A_366 : i32
      %while3A_368 = arith.constant 1 : i32
      scf.for %while3A_391 = %while3A_361 to %while3A_367 step %while3A_368  : i32 {
        %mul3A_392 = arith.constant 4 : i32
        %mul3A_393 = arith.muli %while3A_391, %mul3A_392 : i32
        %add3A_394 = arith.addi %min3A_344, %mul3A_393 : i32
        %mul3A_395 = arith.constant 16 : i32
        %mul3A_396 = arith.muli %add3A_394, %mul3A_395 : i32
        %add3A_397 = arith.constant 0 : i32
        %add3A_398 = arith.addi %mul3A_396, %add3A_397 : i32
        %get3A_399 = arith.index_cast %add3A_398 : i32 to index
        %get3A_400 = tpu.vector_load %arg5[%get3A_399] {strides = array<i32>} : memref<32768xf32, #tpu.memory_space<vmem>>, vector<16xf32>,
        %sub3A_401 = arith.subf %get3A_400, %add3A_331 : vector<16xf32>
        %max3A_402 = arith.constant 0.000000e+00 : f32
        %max3A_403 = vector.broadcast %max3A_402 : f32 to vector<16xf32>
        %max3A_404 = arith.maximumf %sub3A_401, %max3A_403 : vector<16xf32>
        %mul3A_405 = arith.constant 16 : i32
        %mul3A_406 = arith.muli %add3A_394, %mul3A_405 : i32
        %add3A_407 = arith.constant 0 : i32
        %add3A_408 = arith.addi %mul3A_406, %add3A_407 : i32
        %sub3A_409 = arith.subi %add3A_408, %mul3A_2 : i32
        %swap3A_410 = arith.index_cast %sub3A_409 : i32 to index
        %swap3A_411 = tpu.vector_load %arg7[%swap3A_410] {strides = array<i32>} : memref<1024xf32, #tpu.memory_space<vmem>>, vector<16xf32>,
        tpu.vector_store %arg7[%swap3A_410], %max3A_404 {strides = array<i32>} : memref<1024xf32, #tpu.memory_space<vmem>>, vector<16xf32>,
        %mul3A_412 = arith.constant 16 : i32
        %mul3A_413 = arith.muli %add3A_394, %mul3A_412 : i32
        %add3A_414 = arith.constant 16 : i32
        %add3A_415 = arith.addi %mul3A_413, %add3A_414 : i32
        %get3A_416 = arith.index_cast %add3A_415 : i32 to index
        %get3A_417 = tpu.vector_load %arg5[%get3A_416] {strides = array<i32>} : memref<32768xf32, #tpu.memory_space<vmem>>, vector<16xf32>,
        %sub3A_418 = arith.subf %get3A_417, %add3A_331 : vector<16xf32>
        %max3A_419 = arith.constant 0.000000e+00 : f32
        %max3A_420 = vector.broadcast %max3A_419 : f32 to vector<16xf32>
        %max3A_421 = arith.maximumf %sub3A_418, %max3A_420 : vector<16xf32>
        %mul3A_422 = arith.constant 16 : i32
        %mul3A_423 = arith.muli %add3A_394, %mul3A_422 : i32
        %add3A_424 = arith.constant 16 : i32
        %add3A_425 = arith.addi %mul3A_423, %add3A_424 : i32
        %sub3A_426 = arith.subi %add3A_425, %mul3A_2 : i32
        %swap3A_427 = arith.index_cast %sub3A_426 : i32 to index
        %swap3A_428 = tpu.vector_load %arg7[%swap3A_427] {strides = array<i32>} : memref<1024xf32, #tpu.memory_space<vmem>>, vector<16xf32>,
        tpu.vector_store %arg7[%swap3A_427], %max3A_421 {strides = array<i32>} : memref<1024xf32, #tpu.memory_space<vmem>>, vector<16xf32>,
        %mul3A_429 = arith.constant 16 : i32
        %mul3A_430 = arith.muli %add3A_394, %mul3A_429 : i32
        %add3A_431 = arith.constant 32 : i32
        %add3A_432 = arith.addi %mul3A_430, %add3A_431 : i32
        %get3A_433 = arith.index_cast %add3A_432 : i32 to index
        %get3A_434 = tpu.vector_load %arg5[%get3A_433] {strides = array<i32>} : memref<32768xf32, #tpu.memory_space<vmem>>, vector<16xf32>,
        %sub3A_435 = arith.subf %get3A_434, %add3A_331 : vector<16xf32>
        %max3A_436 = arith.constant 0.000000e+00 : f32
        %max3A_437 = vector.broadcast %max3A_436 : f32 to vector<16xf32>
        %max3A_438 = arith.maximumf %sub3A_435, %max3A_437 : vector<16xf32>
        %mul3A_439 = arith.constant 16 : i32
        %mul3A_440 = arith.muli %add3A_394, %mul3A_439 : i32
        %add3A_441 = arith.constant 32 : i32
        %add3A_442 = arith.addi %mul3A_440, %add3A_441 : i32
        %sub3A_443 = arith.subi %add3A_442, %mul3A_2 : i32
        %swap3A_444 = arith.index_cast %sub3A_443 : i32 to index
        %swap3A_445 = tpu.vector_load %arg7[%swap3A_444] {strides = array<i32>} : memref<1024xf32, #tpu.memory_space<vmem>>, vector<16xf32>,
        tpu.vector_store %arg7[%swap3A_444], %max3A_438 {strides = array<i32>} : memref<1024xf32, #tpu.memory_space<vmem>>, vector<16xf32>,
        %mul3A_446 = arith.constant 16 : i32
        %mul3A_447 = arith.muli %add3A_394, %mul3A_446 : i32
        %add3A_448 = arith.constant 48 : i32
        %add3A_449 = arith.addi %mul3A_447, %add3A_448 : i32
        %get3A_450 = arith.index_cast %add3A_449 : i32 to index
        %get3A_451 = tpu.vector_load %arg5[%get3A_450] {strides = array<i32>} : memref<32768xf32, #tpu.memory_space<vmem>>, vector<16xf32>,
        %sub3A_452 = arith.subf %get3A_451, %add3A_331 : vector<16xf32>
        %max3A_453 = arith.constant 0.000000e+00 : f32
        %max3A_454 = vector.broadcast %max3A_453 : f32 to vector<16xf32>
        %max3A_455 = arith.maximumf %sub3A_452, %max3A_454 : vector<16xf32>
        %mul3A_456 = arith.constant 16 : i32
        %mul3A_457 = arith.muli %add3A_394, %mul3A_456 : i32
        %add3A_458 = arith.constant 48 : i32
        %add3A_459 = arith.addi %mul3A_457, %add3A_458 : i32
        %sub3A_460 = arith.subi %add3A_459, %mul3A_2 : i32
        %swap3A_461 = arith.index_cast %sub3A_460 : i32 to index
        %swap3A_462 = tpu.vector_load %arg7[%swap3A_461] {strides = array<i32>} : memref<1024xf32, #tpu.memory_space<vmem>>, vector<16xf32>,
        tpu.vector_store %arg7[%swap3A_461], %max3A_455 {strides = array<i32>} : memref<1024xf32, #tpu.memory_space<vmem>>, vector<16xf32>,
      }
      %while3A_369 = arith.constant 1 : i32
      scf.for %while3A_391 = %while3A_367 to %while3A_363 step %while3A_369  : i32 {
        %mul3A_392 = arith.constant 4 : i32
        %mul3A_393 = arith.muli %while3A_391, %mul3A_392 : i32
        %add3A_394 = arith.addi %min3A_344, %mul3A_393 : i32
        %mul3A_395 = arith.constant 16 : i32
        %mul3A_396 = arith.muli %add3A_394, %mul3A_395 : i32
        %add3A_397 = arith.constant 0 : i32
        %add3A_398 = arith.addi %mul3A_396, %add3A_397 : i32
        %get3A_399 = arith.index_cast %add3A_398 : i32 to index
        %get3A_400 = tpu.vector_load %arg5[%get3A_399] {strides = array<i32>} : memref<32768xf32, #tpu.memory_space<vmem>>, vector<16xf32>,
        %sub3A_401 = arith.subf %get3A_400, %add3A_331 : vector<16xf32>
        %max3A_402 = arith.constant 0.000000e+00 : f32
        %max3A_403 = vector.broadcast %max3A_402 : f32 to vector<16xf32>
        %max3A_404 = arith.maximumf %sub3A_401, %max3A_403 : vector<16xf32>
        %mul3A_405 = arith.constant 16 : i32
        %mul3A_406 = arith.muli %add3A_394, %mul3A_405 : i32
        %add3A_407 = arith.constant 0 : i32
        %add3A_408 = arith.addi %mul3A_406, %add3A_407 : i32
        %sub3A_409 = arith.subi %add3A_408, %mul3A_2 : i32
        %swap3A_410 = arith.index_cast %sub3A_409 : i32 to index
        %swap3A_411 = tpu.vector_load %arg7[%swap3A_410] {strides = array<i32>} : memref<1024xf32, #tpu.memory_space<vmem>>, vector<16xf32>,
        tpu.vector_store %arg7[%swap3A_410], %max3A_404 {strides = array<i32>} : memref<1024xf32, #tpu.memory_space<vmem>>, vector<16xf32>,
        %mul3A_412 = arith.constant 16 : i32
        %mul3A_413 = arith.muli %add3A_394, %mul3A_412 : i32
        %add3A_414 = arith.constant 16 : i32
        %add3A_415 = arith.addi %mul3A_413, %add3A_414 : i32
        %get3A_416 = arith.index_cast %add3A_415 : i32 to index
        %get3A_417 = tpu.vector_load %arg5[%get3A_416] {strides = array<i32>} : memref<32768xf32, #tpu.memory_space<vmem>>, vector<16xf32>,
        %sub3A_418 = arith.subf %get3A_417, %add3A_331 : vector<16xf32>
        %max3A_419 = arith.constant 0.000000e+00 : f32
        %max3A_420 = vector.broadcast %max3A_419 : f32 to vector<16xf32>
        %max3A_421 = arith.maximumf %sub3A_418, %max3A_420 : vector<16xf32>
        %mul3A_422 = arith.constant 16 : i32
        %mul3A_423 = arith.muli %add3A_394, %mul3A_422 : i32
        %add3A_424 = arith.constant 16 : i32
        %add3A_425 = arith.addi %mul3A_423, %add3A_424 : i32
        %sub3A_426 = arith.subi %add3A_425, %mul3A_2 : i32
        %swap3A_427 = arith.index_cast %sub3A_426 : i32 to index
        %swap3A_428 = tpu.vector_load %arg7[%swap3A_427] {strides = array<i32>} : memref<1024xf32, #tpu.memory_space<vmem>>, vector<16xf32>,
        tpu.vector_store %arg7[%swap3A_427], %max3A_421 {strides = array<i32>} : memref<1024xf32, #tpu.memory_space<vmem>>, vector<16xf32>,
        %mul3A_429 = arith.constant 16 : i32
        %mul3A_430 = arith.muli %add3A_394, %mul3A_429 : i32
        %add3A_431 = arith.constant 32 : i32
        %add3A_432 = arith.addi %mul3A_430, %add3A_431 : i32
        %get3A_433 = arith.index_cast %add3A_432 : i32 to index
        %get3A_434 = tpu.vector_load %arg5[%get3A_433] {strides = array<i32>} : memref<32768xf32, #tpu.memory_space<vmem>>, vector<16xf32>,
        %sub3A_435 = arith.subf %get3A_434, %add3A_331 : vector<16xf32>
        %max3A_436 = arith.constant 0.000000e+00 : f32
        %max3A_437 = vector.broadcast %max3A_436 : f32 to vector<16xf32>
        %max3A_438 = arith.maximumf %sub3A_435, %max3A_437 : vector<16xf32>
        %mul3A_439 = arith.constant 16 : i32
        %mul3A_440 = arith.muli %add3A_394, %mul3A_439 : i32
        %add3A_441 = arith.constant 32 : i32
        %add3A_442 = arith.addi %mul3A_440, %add3A_441 : i32
        %sub3A_443 = arith.subi %add3A_442, %mul3A_2 : i32
        %swap3A_444 = arith.index_cast %sub3A_443 : i32 to index
        %swap3A_445 = tpu.vector_load %arg7[%swap3A_444] {strides = array<i32>} : memref<1024xf32, #tpu.memory_space<vmem>>, vector<16xf32>,
        tpu.vector_store %arg7[%swap3A_444], %max3A_438 {strides = array<i32>} : memref<1024xf32, #tpu.memory_space<vmem>>, vector<16xf32>,
        %mul3A_446 = arith.constant 16 : i32
        %mul3A_447 = arith.muli %add3A_394, %mul3A_446 : i32
        %add3A_448 = arith.constant 48 : i32
        %add3A_449 = arith.addi %mul3A_447, %add3A_448 : i32
        %get3A_450 = arith.index_cast %add3A_449 : i32 to index
        %get3A_451 = tpu.vector_load %arg5[%get3A_450] {strides = array<i32>} : memref<32768xf32, #tpu.memory_space<vmem>>, vector<16xf32>,
        %sub3A_452 = arith.subf %get3A_451, %add3A_331 : vector<16xf32>
        %max3A_453 = arith.constant 0.000000e+00 : f32
        %max3A_454 = vector.broadcast %max3A_453 : f32 to vector<16xf32>
        %max3A_455 = arith.maximumf %sub3A_452, %max3A_454 : vector<16xf32>
        %mul3A_456 = arith.constant 16 : i32
        %mul3A_457 = arith.muli %add3A_394, %mul3A_456 : i32
        %add3A_458 = arith.constant 48 : i32
        %add3A_459 = arith.addi %mul3A_457, %add3A_458 : i32
        %sub3A_460 = arith.subi %add3A_459, %mul3A_2 : i32
        %swap3A_461 = arith.index_cast %sub3A_460 : i32 to index
        %swap3A_462 = tpu.vector_load %arg7[%swap3A_461] {strides = array<i32>} : memref<1024xf32, #tpu.memory_space<vmem>>, vector<16xf32>,
        tpu.vector_store %arg7[%swap3A_461], %max3A_455 {strides = array<i32>} : memref<1024xf32, #tpu.memory_space<vmem>>, vector<16xf32>,
      }
      %mul3A_370 = arith.constant 4 : i32
      %mul3A_371 = arith.muli %shift_right_arithmetic3A_350, %mul3A_370 : i32
      %add3A_372 = arith.addi %min3A_344, %mul3A_371 : i32
      %while3A_373 = arith.constant 0 : i32
      %while3A_374 = arith.subi %max3A_347, %add3A_372 : i32
      %while3A_375 = arith.addi %add3A_372, %while3A_374 : i32
      %while3A_376 = arith.constant 1 : i32
      %while3A_377 = arith.divsi %while3A_374, %while3A_376 : i32
      %while3A_378 = arith.muli %while3A_377, %while3A_376 : i32
      %while3A_379 = arith.addi %add3A_372, %while3A_378 : i32
      %while3A_380 = arith.constant 1 : i32
      scf.for %while3A_391 = %add3A_372 to %while3A_379 step %while3A_380  : i32 {
        %mul3A_392 = arith.constant 16 : i32
        %mul3A_393 = arith.muli %while3A_391, %mul3A_392 : i32
        %get3A_394 = arith.index_cast %mul3A_393 : i32 to index
        %get3A_395 = tpu.vector_load %arg5[%get3A_394] {strides = array<i32>} : memref<32768xf32, #tpu.memory_space<vmem>>, vector<16xf32>,
        %sub3A_396 = arith.subf %get3A_395, %add3A_331 : vector<16xf32>
        %max3A_397 = arith.constant 0.000000e+00 : f32
        %max3A_398 = vector.broadcast %max3A_397 : f32 to vector<16xf32>
        %max3A_399 = arith.maximumf %sub3A_396, %max3A_398 : vector<16xf32>
        %mul3A_400 = arith.constant 16 : i32
        %mul3A_401 = arith.muli %while3A_391, %mul3A_400 : i32
        %sub3A_402 = arith.subi %mul3A_401, %mul3A_2 : i32
        %swap3A_403 = arith.index_cast %sub3A_402 : i32 to index
        %swap3A_404 = tpu.vector_load %arg7[%swap3A_403] {strides = array<i32>} : memref<1024xf32, #tpu.memory_space<vmem>>, vector<16xf32>,
        tpu.vector_store %arg7[%swap3A_403], %max3A_399 {strides = array<i32>} : memref<1024xf32, #tpu.memory_space<vmem>>, vector<16xf32>,
      }
      %while3A_381 = arith.constant 1 : i32
      scf.for %while3A_391 = %while3A_379 to %while3A_375 step %while3A_381  : i32 {
        %mul3A_392 = arith.constant 16 : i32
        %mul3A_393 = arith.muli %while3A_391, %mul3A_392 : i32
        %get3A_394 = arith.index_cast %mul3A_393 : i32 to index
        %get3A_395 = tpu.vector_load %arg5[%get3A_394] {strides = array<i32>} : memref<32768xf32, #tpu.memory_space<vmem>>, vector<16xf32>,
        %sub3A_396 = arith.subf %get3A_395, %add3A_331 : vector<16xf32>
        %max3A_397 = arith.constant 0.000000e+00 : f32
        %max3A_398 = vector.broadcast %max3A_397 : f32 to vector<16xf32>
        %max3A_399 = arith.maximumf %sub3A_396, %max3A_398 : vector<16xf32>
        %mul3A_400 = arith.constant 16 : i32
        %mul3A_401 = arith.muli %while3A_391, %mul3A_400 : i32
        %sub3A_402 = arith.subi %mul3A_401, %mul3A_2 : i32
        %swap3A_403 = arith.index_cast %sub3A_402 : i32 to index
        %swap3A_404 = tpu.vector_load %arg7[%swap3A_403] {strides = array<i32>} : memref<1024xf32, #tpu.memory_space<vmem>>, vector<16xf32>,
        tpu.vector_store %arg7[%swap3A_403], %max3A_399 {strides = array<i32>} : memref<1024xf32, #tpu.memory_space<vmem>>, vector<16xf32>,
      }
      %while3A_382 = arith.constant 0 : i32
      %while3A_383 = arith.subi %shift_right_arithmetic3A_341, %max3A_347 : i32
      %while3A_384 = arith.addi %max3A_347, %while3A_383 : i32
      %while3A_385 = arith.constant 1 : i32
      %while3A_386 = arith.divsi %while3A_383, %while3A_385 : i32
      %while3A_387 = arith.muli %while3A_386, %while3A_385 : i32
      %while3A_388 = arith.addi %max3A_347, %while3A_387 : i32
      %while3A_389 = arith.constant 1 : i32
      scf.for %while3A_391 = %max3A_347 to %while3A_388 step %while3A_389  : i32 {
        %mul3A_392 = arith.constant 16 : i32
        %mul3A_393 = arith.muli %while3A_391, %mul3A_392 : i32
        %add3A_394 = vector.broadcast %mul3A_393 : i32 to vector<16xi32>
        %add3A_395 = arith.addi %add3A_394, %iota3A : vector<16xi32>
        %mul3A_396 = arith.constant 16 : i32
        %mul3A_397 = arith.muli %while3A_391, %mul3A_396 : i32
        %get3A_398 = arith.index_cast %mul3A_397 : i32 to index
        %get3A_399 = tpu.vector_load %arg5[%get3A_398] {strides = array<i32>} : memref<32768xf32, #tpu.memory_space<vmem>>, vector<16xf32>,
        %ge3A = vector.broadcast %max3A_332 : i32 to vector<16xi32>
        %ge3A_400 = arith.cmpi sge, %add3A_395, %ge3A : vector<16xi32>
        %lt3A = vector.broadcast %min3A_335 : i32 to vector<16xi32>
        %lt3A_401 = arith.cmpi slt, %add3A_395, %lt3A : vector<16xi32>
        %and3A = arith.andi %ge3A_400, %lt3A_401 : vector<16xi1>
        %mul3A_402 = arith.constant 16 : i32
        %mul3A_403 = arith.muli %while3A_391, %mul3A_402 : i32
        %sub3A_404 = arith.subi %mul3A_403, %mul3A_2 : i32
        %get3A_405 = arith.index_cast %sub3A_404 : i32 to index
        %get3A_406 = tpu.vector_load %arg7[%get3A_405] {strides = array<i32>} : memref<1024xf32, #tpu.memory_space<vmem>>, vector<16xf32>,
        %sub3A_407 = arith.subf %get3A_399, %add3A_331 : vector<16xf32>
        %max3A_408 = arith.constant 0.000000e+00 : f32
        %max3A_409 = vector.broadcast %max3A_408 : f32 to vector<16xf32>
        %max3A_410 = arith.maximumf %sub3A_407, %max3A_409 : vector<16xf32>
        %select_n3A_411 = arith.select %and3A, %max3A_410, %get3A_406 : vector<16xi1>, vector<16xf32>
        %mul3A_412 = arith.constant 16 : i32
        %mul3A_413 = arith.muli %while3A_391, %mul3A_412 : i32
        %sub3A_414 = arith.subi %mul3A_413, %mul3A_2 : i32
        %swap3A_415 = arith.index_cast %sub3A_414 : i32 to index
        %swap3A_416 = tpu.vector_load %arg7[%swap3A_415] {strides = array<i32>} : memref<1024xf32, #tpu.memory_space<vmem>>, vector<16xf32>,
        tpu.vector_store %arg7[%swap3A_415], %select_n3A_411 {strides = array<i32>} : memref<1024xf32, #tpu.memory_space<vmem>>, vector<16xf32>,
      }
      %while3A_390 = arith.constant 1 : i32
      scf.for %while3A_391 = %while3A_388 to %while3A_384 step %while3A_390  : i32 {
        %mul3A_392 = arith.constant 16 : i32
        %mul3A_393 = arith.muli %while3A_391, %mul3A_392 : i32
        %add3A_394 = vector.broadcast %mul3A_393 : i32 to vector<16xi32>
        %add3A_395 = arith.addi %add3A_394, %iota3A : vector<16xi32>
        %mul3A_396 = arith.constant 16 : i32
        %mul3A_397 = arith.muli %while3A_391, %mul3A_396 : i32
        %get3A_398 = arith.index_cast %mul3A_397 : i32 to index
        %get3A_399 = tpu.vector_load %arg5[%get3A_398] {strides = array<i32>} : memref<32768xf32, #tpu.memory_space<vmem>>, vector<16xf32>,
        %ge3A = vector.broadcast %max3A_332 : i32 to vector<16xi32>
        %ge3A_400 = arith.cmpi sge, %add3A_395, %ge3A : vector<16xi32>
        %lt3A = vector.broadcast %min3A_335 : i32 to vector<16xi32>
        %lt3A_401 = arith.cmpi slt, %add3A_395, %lt3A : vector<16xi32>
        %and3A = arith.andi %ge3A_400, %lt3A_401 : vector<16xi1>
        %mul3A_402 = arith.constant 16 : i32
        %mul3A_403 = arith.muli %while3A_391, %mul3A_402 : i32
        %sub3A_404 = arith.subi %mul3A_403, %mul3A_2 : i32
        %get3A_405 = arith.index_cast %sub3A_404 : i32 to index
        %get3A_406 = tpu.vector_load %arg7[%get3A_405] {strides = array<i32>} : memref<1024xf32, #tpu.memory_space<vmem>>, vector<16xf32>,
        %sub3A_407 = arith.subf %get3A_399, %add3A_331 : vector<16xf32>
        %max3A_408 = arith.constant 0.000000e+00 : f32
        %max3A_409 = vector.broadcast %max3A_408 : f32 to vector<16xf32>
        %max3A_410 = arith.maximumf %sub3A_407, %max3A_409 : vector<16xf32>
        %select_n3A_411 = arith.select %and3A, %max3A_410, %get3A_406 : vector<16xi1>, vector<16xf32>
        %mul3A_412 = arith.constant 16 : i32
        %mul3A_413 = arith.muli %while3A_391, %mul3A_412 : i32
        %sub3A_414 = arith.subi %mul3A_413, %mul3A_2 : i32
        %swap3A_415 = arith.index_cast %sub3A_414 : i32 to index
        %swap3A_416 = tpu.vector_load %arg7[%swap3A_415] {strides = array<i32>} : memref<1024xf32, #tpu.memory_space<vmem>>, vector<16xf32>,
        tpu.vector_store %arg7[%swap3A_415], %select_n3A_411 {strides = array<i32>} : memref<1024xf32, #tpu.memory_space<vmem>>, vector<16xf32>,
      }
    }
    %while3A_116 = arith.constant 1 : i32
    scf.for %while3A_117 = %while3A_114 to %while3A_110 step %while3A_116  : i32 {
      %eq3A_118 = vector.broadcast %while3A_117 : i32 to vector<16xi32>
      %eq3A_119 = arith.cmpi eq, %iota3A, %eq3A_118 : vector<16xi32>
      %jit3A_120 = arith.constant 0 : i32
      %broadcast_in_dim3A_121 = vector.broadcast %jit3A_120 : i32 to vector<16xi32>
      %select_n3A_122 = arith.select %eq3A_119, %get3A_17, %broadcast_in_dim3A_121 : vector<16xi1>, vector<16xi32>
      %reduce_max3A_123 = arith.constant true
      %reduce_max3A_124 = vector.broadcast %reduce_max3A_123 : i1 to vector<16xi1>
      %reduce_max3A_125 = arith.constant -2147483648 : i32
      %reduce_max3A_126 = vector.broadcast %reduce_max3A_125 : i32 to vector<16xi32>
      %reduce_max3A_127 = arith.xori %select_n3A_122, %reduce_max3A_126 : vector<16xi32>
      %reduce_max3A_128 = tpu.scan <max>, %reduce_max3A_127 masked %reduce_max3A_124 : vector<16xi32>, vector<16xi1> -> vector<16xi32>
      %reduce_max3A_129 = arith.xori %reduce_max3A_128, %reduce_max3A_126 : vector<16xi32>
      %reduce_max3A_130 = vector.extract %reduce_max3A_129[15] : i32 from vector<16xi32>
      %eq3A_131 = vector.broadcast %while3A_117 : i32 to vector<16xi32>
      %eq3A_132 = arith.cmpi eq, %iota3A, %eq3A_131 : vector<16xi32>
      %jit3A_133 = arith.constant 0 : i32
      %broadcast_in_dim3A_134 = vector.broadcast %jit3A_133 : i32 to vector<16xi32>
      %select_n3A_135 = arith.select %eq3A_132, %get3A_19, %broadcast_in_dim3A_134 : vector<16xi1>, vector<16xi32>
      %reduce_max3A_136 = arith.constant true
      %reduce_max3A_137 = vector.broadcast %reduce_max3A_136 : i1 to vector<16xi1>
      %reduce_max3A_138 = arith.constant -2147483648 : i32
      %reduce_max3A_139 = vector.broadcast %reduce_max3A_138 : i32 to vector<16xi32>
      %reduce_max3A_140 = arith.xori %select_n3A_135, %reduce_max3A_139 : vector<16xi32>
      %reduce_max3A_141 = tpu.scan <max>, %reduce_max3A_140 masked %reduce_max3A_137 : vector<16xi32>, vector<16xi1> -> vector<16xi32>
      %reduce_max3A_142 = arith.xori %reduce_max3A_141, %reduce_max3A_139 : vector<16xi32>
      %reduce_max3A_143 = vector.extract %reduce_max3A_142[15] : i32 from vector<16xi32>
      %shift_right_arithmetic3A_144 = arith.constant 4 : i32
      %shift_right_arithmetic3A_145 = arith.shrsi %reduce_max3A_130, %shift_right_arithmetic3A_144 : i32
      %add3A_146 = arith.constant 15 : i32
      %add3A_147 = arith.addi %reduce_max3A_143, %add3A_146 : i32
      %shift_right_arithmetic3A_148 = arith.constant 4 : i32
      %shift_right_arithmetic3A_149 = arith.shrsi %add3A_147, %shift_right_arithmetic3A_148 : i32
      %add3A_150 = arith.constant 1 : i32
      %add3A_151 = arith.addi %shift_right_arithmetic3A_145, %add3A_150 : i32
      %min3A_152 = arith.minsi %add3A_151, %shift_right_arithmetic3A_149 : i32
      %sub3A_153 = arith.constant 1 : i32
      %sub3A_154 = arith.subi %shift_right_arithmetic3A_149, %sub3A_153 : i32
      %max3A_155 = arith.maxsi %sub3A_154, %min3A_152 : i32
      %sub3A_156 = arith.subi %max3A_155, %min3A_152 : i32
      %shift_right_arithmetic3A_157 = arith.constant 2 : i32
      %shift_right_arithmetic3A_158 = arith.shrsi %sub3A_156, %shift_right_arithmetic3A_157 : i32
      %broadcast_in_dim3A_159 = arith.constant -3.000000e+38 : f32
      %broadcast_in_dim3A_160 = vector.broadcast %broadcast_in_dim3A_159 : f32 to vector<16xf32>
      %while3A_161 = arith.subi %min3A_152, %shift_right_arithmetic3A_145 : i32
      %while3A_162 = arith.addi %shift_right_arithmetic3A_145, %while3A_161 : i32
      %while3A_163 = arith.constant 1 : i32
      %while3A_164 = arith.divsi %while3A_161, %while3A_163 : i32
      %while3A_165 = arith.muli %while3A_164, %while3A_163 : i32
      %while3A_166 = arith.addi %shift_right_arithmetic3A_145, %while3A_165 : i32
      %while3A_167 = arith.constant 1 : i32
      %while3A_168 = scf.for %while3A_391 = %shift_right_arithmetic3A_145 to %while3A_166 step %while3A_167 iter_args(%while3A_392 = %broadcast_in_dim3A_160) -> (vector<16xf32>)  : i32 {
        %mul3A_393 = arith.constant 16 : i32
        %mul3A_394 = arith.muli %while3A_391, %mul3A_393 : i32
        %add3A_395 = vector.broadcast %mul3A_394 : i32 to vector<16xi32>
        %add3A_396 = arith.addi %add3A_395, %iota3A : vector<16xi32>
        %mul3A_397 = arith.constant 16 : i32
        %mul3A_398 = arith.muli %while3A_391, %mul3A_397 : i32
        %get3A_399 = arith.index_cast %mul3A_398 : i32 to index
        %get3A_400 = tpu.vector_load %arg5[%get3A_399] {strides = array<i32>} : memref<32768xf32, #tpu.memory_space<vmem>>, vector<16xf32>,
        %ge3A = vector.broadcast %reduce_max3A_130 : i32 to vector<16xi32>
        %ge3A_401 = arith.cmpi sge, %add3A_396, %ge3A : vector<16xi32>
        %lt3A = vector.broadcast %reduce_max3A_143 : i32 to vector<16xi32>
        %lt3A_402 = arith.cmpi slt, %add3A_396, %lt3A : vector<16xi32>
        %and3A = arith.andi %ge3A_401, %lt3A_402 : vector<16xi1>
        %jit3A_403 = arith.constant -3.000000e+38 : f32
        %broadcast_in_dim3A_404 = vector.broadcast %jit3A_403 : f32 to vector<16xf32>
        %select_n3A_405 = arith.select %and3A, %get3A_400, %broadcast_in_dim3A_404 : vector<16xi1>, vector<16xf32>
        %max3A_406 = arith.maximumf %while3A_392, %select_n3A_405 : vector<16xf32>
        scf.yield %max3A_406 : vector<16xf32>
      }
      %while3A_169 = arith.constant 1 : i32
      %while3A_170 = scf.for %while3A_391 = %while3A_166 to %while3A_162 step %while3A_169 iter_args(%while3A_392 = %while3A_168) -> (vector<16xf32>)  : i32 {
        %mul3A_393 = arith.constant 16 : i32
        %mul3A_394 = arith.muli %while3A_391, %mul3A_393 : i32
        %add3A_395 = vector.broadcast %mul3A_394 : i32 to vector<16xi32>
        %add3A_396 = arith.addi %add3A_395, %iota3A : vector<16xi32>
        %mul3A_397 = arith.constant 16 : i32
        %mul3A_398 = arith.muli %while3A_391, %mul3A_397 : i32
        %get3A_399 = arith.index_cast %mul3A_398 : i32 to index
        %get3A_400 = tpu.vector_load %arg5[%get3A_399] {strides = array<i32>} : memref<32768xf32, #tpu.memory_space<vmem>>, vector<16xf32>,
        %ge3A = vector.broadcast %reduce_max3A_130 : i32 to vector<16xi32>
        %ge3A_401 = arith.cmpi sge, %add3A_396, %ge3A : vector<16xi32>
        %lt3A = vector.broadcast %reduce_max3A_143 : i32 to vector<16xi32>
        %lt3A_402 = arith.cmpi slt, %add3A_396, %lt3A : vector<16xi32>
        %and3A = arith.andi %ge3A_401, %lt3A_402 : vector<16xi1>
        %jit3A_403 = arith.constant -3.000000e+38 : f32
        %broadcast_in_dim3A_404 = vector.broadcast %jit3A_403 : f32 to vector<16xf32>
        %select_n3A_405 = arith.select %and3A, %get3A_400, %broadcast_in_dim3A_404 : vector<16xi1>, vector<16xf32>
        %max3A_406 = arith.maximumf %while3A_392, %select_n3A_405 : vector<16xf32>
        scf.yield %max3A_406 : vector<16xf32>
      }
      %while3A_171 = arith.constant 0 : i32
      %while3A_172 = arith.subi %shift_right_arithmetic3A_158, %while3A_171 : i32
      %while3A_173 = arith.addi %while3A_171, %while3A_172 : i32
      %while3A_174 = arith.constant 1 : i32
      %while3A_175 = arith.divsi %while3A_172, %while3A_174 : i32
      %while3A_176 = arith.muli %while3A_175, %while3A_174 : i32
      %while3A_177 = arith.addi %while3A_171, %while3A_176 : i32
      %while3A_178 = arith.constant 1 : i32
      %while3A_179 = scf.for %while3A_391 = %while3A_171 to %while3A_177 step %while3A_178 iter_args(%while3A_392 = %while3A_170) -> (vector<16xf32>)  : i32 {
        %mul3A_393 = arith.constant 4 : i32
        %mul3A_394 = arith.muli %while3A_391, %mul3A_393 : i32
        %add3A_395 = arith.addi %min3A_152, %mul3A_394 : i32
        %mul3A_396 = arith.constant 16 : i32
        %mul3A_397 = arith.muli %add3A_395, %mul3A_396 : i32
        %get3A_398 = arith.index_cast %mul3A_397 : i32 to index
        %get3A_399 = tpu.vector_load %arg5[%get3A_398] {strides = array<i32>} : memref<32768xf32, #tpu.memory_space<vmem>>, vector<16xf32>,
        %mul3A_400 = arith.constant 16 : i32
        %mul3A_401 = arith.muli %add3A_395, %mul3A_400 : i32
        %add3A_402 = arith.constant 16 : i32
        %add3A_403 = arith.addi %mul3A_401, %add3A_402 : i32
        %get3A_404 = arith.index_cast %add3A_403 : i32 to index
        %get3A_405 = tpu.vector_load %arg5[%get3A_404] {strides = array<i32>} : memref<32768xf32, #tpu.memory_space<vmem>>, vector<16xf32>,
        %max3A_406 = arith.maximumf %get3A_399, %get3A_405 : vector<16xf32>
        %mul3A_407 = arith.constant 16 : i32
        %mul3A_408 = arith.muli %add3A_395, %mul3A_407 : i32
        %add3A_409 = arith.constant 32 : i32
        %add3A_410 = arith.addi %mul3A_408, %add3A_409 : i32
        %get3A_411 = arith.index_cast %add3A_410 : i32 to index
        %get3A_412 = tpu.vector_load %arg5[%get3A_411] {strides = array<i32>} : memref<32768xf32, #tpu.memory_space<vmem>>, vector<16xf32>,
        %mul3A_413 = arith.constant 16 : i32
        %mul3A_414 = arith.muli %add3A_395, %mul3A_413 : i32
        %add3A_415 = arith.constant 48 : i32
        %add3A_416 = arith.addi %mul3A_414, %add3A_415 : i32
        %get3A_417 = arith.index_cast %add3A_416 : i32 to index
        %get3A_418 = tpu.vector_load %arg5[%get3A_417] {strides = array<i32>} : memref<32768xf32, #tpu.memory_space<vmem>>, vector<16xf32>,
        %max3A_419 = arith.maximumf %get3A_412, %get3A_418 : vector<16xf32>
        %max3A_420 = arith.maximumf %max3A_406, %max3A_419 : vector<16xf32>
        %max3A_421 = arith.maximumf %while3A_392, %max3A_420 : vector<16xf32>
        scf.yield %max3A_421 : vector<16xf32>
      }
      %while3A_180 = arith.constant 1 : i32
      %while3A_181 = scf.for %while3A_391 = %while3A_177 to %while3A_173 step %while3A_180 iter_args(%while3A_392 = %while3A_179) -> (vector<16xf32>)  : i32 {
        %mul3A_393 = arith.constant 4 : i32
        %mul3A_394 = arith.muli %while3A_391, %mul3A_393 : i32
        %add3A_395 = arith.addi %min3A_152, %mul3A_394 : i32
        %mul3A_396 = arith.constant 16 : i32
        %mul3A_397 = arith.muli %add3A_395, %mul3A_396 : i32
        %get3A_398 = arith.index_cast %mul3A_397 : i32 to index
        %get3A_399 = tpu.vector_load %arg5[%get3A_398] {strides = array<i32>} : memref<32768xf32, #tpu.memory_space<vmem>>, vector<16xf32>,
        %mul3A_400 = arith.constant 16 : i32
        %mul3A_401 = arith.muli %add3A_395, %mul3A_400 : i32
        %add3A_402 = arith.constant 16 : i32
        %add3A_403 = arith.addi %mul3A_401, %add3A_402 : i32
        %get3A_404 = arith.index_cast %add3A_403 : i32 to index
        %get3A_405 = tpu.vector_load %arg5[%get3A_404] {strides = array<i32>} : memref<32768xf32, #tpu.memory_space<vmem>>, vector<16xf32>,
        %max3A_406 = arith.maximumf %get3A_399, %get3A_405 : vector<16xf32>
        %mul3A_407 = arith.constant 16 : i32
        %mul3A_408 = arith.muli %add3A_395, %mul3A_407 : i32
        %add3A_409 = arith.constant 32 : i32
        %add3A_410 = arith.addi %mul3A_408, %add3A_409 : i32
        %get3A_411 = arith.index_cast %add3A_410 : i32 to index
        %get3A_412 = tpu.vector_load %arg5[%get3A_411] {strides = array<i32>} : memref<32768xf32, #tpu.memory_space<vmem>>, vector<16xf32>,
        %mul3A_413 = arith.constant 16 : i32
        %mul3A_414 = arith.muli %add3A_395, %mul3A_413 : i32
        %add3A_415 = arith.constant 48 : i32
        %add3A_416 = arith.addi %mul3A_414, %add3A_415 : i32
        %get3A_417 = arith.index_cast %add3A_416 : i32 to index
        %get3A_418 = tpu.vector_load %arg5[%get3A_417] {strides = array<i32>} : memref<32768xf32, #tpu.memory_space<vmem>>, vector<16xf32>,
        %max3A_419 = arith.maximumf %get3A_412, %get3A_418 : vector<16xf32>
        %max3A_420 = arith.maximumf %max3A_406, %max3A_419 : vector<16xf32>
        %max3A_421 = arith.maximumf %while3A_392, %max3A_420 : vector<16xf32>
        scf.yield %max3A_421 : vector<16xf32>
      }
      %mul3A_182 = arith.constant 4 : i32
      %mul3A_183 = arith.muli %shift_right_arithmetic3A_158, %mul3A_182 : i32
      %add3A_184 = arith.addi %min3A_152, %mul3A_183 : i32
      %while3A_185 = arith.subi %max3A_155, %add3A_184 : i32
      %while3A_186 = arith.addi %add3A_184, %while3A_185 : i32
      %while3A_187 = arith.constant 1 : i32
      %while3A_188 = arith.divsi %while3A_185, %while3A_187 : i32
      %while3A_189 = arith.muli %while3A_188, %while3A_187 : i32
      %while3A_190 = arith.addi %add3A_184, %while3A_189 : i32
      %while3A_191 = arith.constant 1 : i32
      %while3A_192 = scf.for %while3A_391 = %add3A_184 to %while3A_190 step %while3A_191 iter_args(%while3A_392 = %while3A_181) -> (vector<16xf32>)  : i32 {
        %mul3A_393 = arith.constant 16 : i32
        %mul3A_394 = arith.muli %while3A_391, %mul3A_393 : i32
        %get3A_395 = arith.index_cast %mul3A_394 : i32 to index
        %get3A_396 = tpu.vector_load %arg5[%get3A_395] {strides = array<i32>} : memref<32768xf32, #tpu.memory_space<vmem>>, vector<16xf32>,
        %max3A_397 = arith.maximumf %while3A_392, %get3A_396 : vector<16xf32>
        scf.yield %max3A_397 : vector<16xf32>
      }
      %while3A_193 = arith.constant 1 : i32
      %while3A_194 = scf.for %while3A_391 = %while3A_190 to %while3A_186 step %while3A_193 iter_args(%while3A_392 = %while3A_192) -> (vector<16xf32>)  : i32 {
        %mul3A_393 = arith.constant 16 : i32
        %mul3A_394 = arith.muli %while3A_391, %mul3A_393 : i32
        %get3A_395 = arith.index_cast %mul3A_394 : i32 to index
        %get3A_396 = tpu.vector_load %arg5[%get3A_395] {strides = array<i32>} : memref<32768xf32, #tpu.memory_space<vmem>>, vector<16xf32>,
        %max3A_397 = arith.maximumf %while3A_392, %get3A_396 : vector<16xf32>
        scf.yield %max3A_397 : vector<16xf32>
      }
      %while3A_195 = arith.subi %shift_right_arithmetic3A_149, %max3A_155 : i32
      %while3A_196 = arith.addi %max3A_155, %while3A_195 : i32
      %while3A_197 = arith.constant 1 : i32
      %while3A_198 = arith.divsi %while3A_195, %while3A_197 : i32
      %while3A_199 = arith.muli %while3A_198, %while3A_197 : i32
      %while3A_200 = arith.addi %max3A_155, %while3A_199 : i32
      %while3A_201 = arith.constant 1 : i32
      %while3A_202 = scf.for %while3A_391 = %max3A_155 to %while3A_200 step %while3A_201 iter_args(%while3A_392 = %while3A_194) -> (vector<16xf32>)  : i32 {
        %mul3A_393 = arith.constant 16 : i32
        %mul3A_394 = arith.muli %while3A_391, %mul3A_393 : i32
        %add3A_395 = vector.broadcast %mul3A_394 : i32 to vector<16xi32>
        %add3A_396 = arith.addi %add3A_395, %iota3A : vector<16xi32>
        %mul3A_397 = arith.constant 16 : i32
        %mul3A_398 = arith.muli %while3A_391, %mul3A_397 : i32
        %get3A_399 = arith.index_cast %mul3A_398 : i32 to index
        %get3A_400 = tpu.vector_load %arg5[%get3A_399] {strides = array<i32>} : memref<32768xf32, #tpu.memory_space<vmem>>, vector<16xf32>,
        %ge3A = vector.broadcast %reduce_max3A_130 : i32 to vector<16xi32>
        %ge3A_401 = arith.cmpi sge, %add3A_396, %ge3A : vector<16xi32>
        %lt3A = vector.broadcast %reduce_max3A_143 : i32 to vector<16xi32>
        %lt3A_402 = arith.cmpi slt, %add3A_396, %lt3A : vector<16xi32>
        %and3A = arith.andi %ge3A_401, %lt3A_402 : vector<16xi1>
        %jit3A_403 = arith.constant -3.000000e+38 : f32
        %broadcast_in_dim3A_404 = vector.broadcast %jit3A_403 : f32 to vector<16xf32>
        %select_n3A_405 = arith.select %and3A, %get3A_400, %broadcast_in_dim3A_404 : vector<16xi1>, vector<16xf32>
        %max3A_406 = arith.maximumf %while3A_392, %select_n3A_405 : vector<16xf32>
        scf.yield %max3A_406 : vector<16xf32>
      }
      %while3A_203 = arith.constant 1 : i32
      %while3A_204 = scf.for %while3A_391 = %while3A_200 to %while3A_196 step %while3A_203 iter_args(%while3A_392 = %while3A_202) -> (vector<16xf32>)  : i32 {
        %mul3A_393 = arith.constant 16 : i32
        %mul3A_394 = arith.muli %while3A_391, %mul3A_393 : i32
        %add3A_395 = vector.broadcast %mul3A_394 : i32 to vector<16xi32>
        %add3A_396 = arith.addi %add3A_395, %iota3A : vector<16xi32>
        %mul3A_397 = arith.constant 16 : i32
        %mul3A_398 = arith.muli %while3A_391, %mul3A_397 : i32
        %get3A_399 = arith.index_cast %mul3A_398 : i32 to index
        %get3A_400 = tpu.vector_load %arg5[%get3A_399] {strides = array<i32>} : memref<32768xf32, #tpu.memory_space<vmem>>, vector<16xf32>,
        %ge3A = vector.broadcast %reduce_max3A_130 : i32 to vector<16xi32>
        %ge3A_401 = arith.cmpi sge, %add3A_396, %ge3A : vector<16xi32>
        %lt3A = vector.broadcast %reduce_max3A_143 : i32 to vector<16xi32>
        %lt3A_402 = arith.cmpi slt, %add3A_396, %lt3A : vector<16xi32>
        %and3A = arith.andi %ge3A_401, %lt3A_402 : vector<16xi1>
        %jit3A_403 = arith.constant -3.000000e+38 : f32
        %broadcast_in_dim3A_404 = vector.broadcast %jit3A_403 : f32 to vector<16xf32>
        %select_n3A_405 = arith.select %and3A, %get3A_400, %broadcast_in_dim3A_404 : vector<16xi1>, vector<16xf32>
        %max3A_406 = arith.maximumf %while3A_392, %select_n3A_405 : vector<16xf32>
        scf.yield %max3A_406 : vector<16xf32>
      }
      %reduce_max3A_205 = arith.constant true
      %reduce_max3A_206 = vector.broadcast %reduce_max3A_205 : i1 to vector<16xi1>
      %reduce_max3A_207 = tpu.scan <max>, %while3A_204 masked %reduce_max3A_206 : vector<16xf32>, vector<16xi1> -> vector<16xf32>
      %reduce_max3A_208 = vector.extract %reduce_max3A_207[15] : f32 from vector<16xf32>
      %sub3A_209 = arith.constant 1.000000e+00 : f32
      %sub3A_210 = arith.subf %reduce_max3A_208, %sub3A_209 : f32
      %broadcast_in_dim3A_211 = arith.constant -2.000000e+00 : f32
      %broadcast_in_dim3A_212 = vector.broadcast %broadcast_in_dim3A_211 : f32 to vector<16xf32>
      %swap3A = arith.constant 0 : index
      %swap3A_213 = tpu.vector_load %arg6[%swap3A] {strides = array<i32>} : memref<32784xf32, #tpu.memory_space<vmem>>, vector<16xf32>,
      tpu.vector_store %arg6[%swap3A], %broadcast_in_dim3A_212 {strides = array<i32>} : memref<32784xf32, #tpu.memory_space<vmem>>, vector<16xf32>,
      %swap3A_214 = arith.constant 16 : index
      %swap3A_215 = tpu.vector_load %arg6[%swap3A_214] {strides = array<i32>} : memref<32784xf32, #tpu.memory_space<vmem>>, vector<16xf32>,
      tpu.vector_store %arg6[%swap3A_214], %broadcast_in_dim3A_212 {strides = array<i32>} : memref<32784xf32, #tpu.memory_space<vmem>>, vector<16xf32>,
      %swap3A_216 = arith.constant 32 : index
      %swap3A_217 = tpu.vector_load %arg6[%swap3A_216] {strides = array<i32>} : memref<32784xf32, #tpu.memory_space<vmem>>, vector<16xf32>,
      tpu.vector_store %arg6[%swap3A_216], %broadcast_in_dim3A_212 {strides = array<i32>} : memref<32784xf32, #tpu.memory_space<vmem>>, vector<16xf32>,
      %swap3A_218 = arith.constant 48 : index
      %swap3A_219 = tpu.vector_load %arg6[%swap3A_218] {strides = array<i32>} : memref<32784xf32, #tpu.memory_space<vmem>>, vector<16xf32>,
      tpu.vector_store %arg6[%swap3A_218], %broadcast_in_dim3A_212 {strides = array<i32>} : memref<32784xf32, #tpu.memory_space<vmem>>, vector<16xf32>,
      %swap3A_220 = arith.constant 64 : index
      %swap3A_221 = tpu.vector_load %arg6[%swap3A_220] {strides = array<i32>} : memref<32784xf32, #tpu.memory_space<vmem>>, vector<16xf32>,
      tpu.vector_store %arg6[%swap3A_220], %broadcast_in_dim3A_212 {strides = array<i32>} : memref<32784xf32, #tpu.memory_space<vmem>>, vector<16xf32>,
      %swap3A_222 = arith.constant 80 : index
      %swap3A_223 = tpu.vector_load %arg6[%swap3A_222] {strides = array<i32>} : memref<32784xf32, #tpu.memory_space<vmem>>, vector<16xf32>,
      tpu.vector_store %arg6[%swap3A_222], %broadcast_in_dim3A_212 {strides = array<i32>} : memref<32784xf32, #tpu.memory_space<vmem>>, vector<16xf32>,
      %swap3A_224 = arith.constant 96 : index
      %swap3A_225 = tpu.vector_load %arg6[%swap3A_224] {strides = array<i32>} : memref<32784xf32, #tpu.memory_space<vmem>>, vector<16xf32>,
      tpu.vector_store %arg6[%swap3A_224], %broadcast_in_dim3A_212 {strides = array<i32>} : memref<32784xf32, #tpu.memory_space<vmem>>, vector<16xf32>,
      %swap3A_226 = arith.constant 112 : index
      %swap3A_227 = tpu.vector_load %arg6[%swap3A_226] {strides = array<i32>} : memref<32784xf32, #tpu.memory_space<vmem>>, vector<16xf32>,
      tpu.vector_store %arg6[%swap3A_226], %broadcast_in_dim3A_212 {strides = array<i32>} : memref<32784xf32, #tpu.memory_space<vmem>>, vector<16xf32>,
      %while3A_228 = arith.subi %min3A_152, %shift_right_arithmetic3A_145 : i32
      %while3A_229 = arith.addi %shift_right_arithmetic3A_145, %while3A_228 : i32
      %while3A_230 = arith.constant 1 : i32
      %while3A_231 = arith.divsi %while3A_228, %while3A_230 : i32
      %while3A_232 = arith.muli %while3A_231, %while3A_230 : i32
      %while3A_233 = arith.addi %shift_right_arithmetic3A_145, %while3A_232 : i32
      %while3A_234 = arith.constant 1 : i32
      %while3A_235 = scf.for %while3A_391 = %shift_right_arithmetic3A_145 to %while3A_233 step %while3A_234 iter_args(%while3A_392 = %iota3A) -> (vector<16xi32>)  : i32 {
        %mul3A_393 = arith.constant 16 : i32
        %mul3A_394 = arith.muli %while3A_391, %mul3A_393 : i32
        %add3A_395 = vector.broadcast %mul3A_394 : i32 to vector<16xi32>
        %add3A_396 = arith.addi %add3A_395, %iota3A : vector<16xi32>
        %mul3A_397 = arith.constant 16 : i32
        %mul3A_398 = arith.muli %while3A_391, %mul3A_397 : i32
        %get3A_399 = arith.index_cast %mul3A_398 : i32 to index
        %get3A_400 = tpu.vector_load %arg5[%get3A_399] {strides = array<i32>} : memref<32768xf32, #tpu.memory_space<vmem>>, vector<16xf32>,
        %ge3A = vector.broadcast %reduce_max3A_130 : i32 to vector<16xi32>
        %ge3A_401 = arith.cmpi sge, %add3A_396, %ge3A : vector<16xi32>
        %lt3A = vector.broadcast %reduce_max3A_143 : i32 to vector<16xi32>
        %lt3A_402 = arith.cmpi slt, %add3A_396, %lt3A : vector<16xi32>
        %and3A = arith.andi %ge3A_401, %lt3A_402 : vector<16xi1>
        %gt3A_403 = vector.broadcast %sub3A_210 : f32 to vector<16xf32>
        %gt3A_404 = arith.cmpf ogt, %get3A_400, %gt3A_403 : vector<16xf32>
        %and3A_405 = arith.andi %and3A, %gt3A_404 : vector<16xi1>
        %sub3A_406 = vector.broadcast %reduce_max3A_208 : f32 to vector<16xf32>
        %sub3A_407 = arith.subf %get3A_400, %sub3A_406 : vector<16xf32>
        tpu.vector_store_idx %arg6[%while3A_392], %sub3A_407 masked %and3A_405 : memref<32784xf32, #tpu.memory_space<vmem>>[vector<16xi32>], vector<16xf32>, vector<16xi1>
        %jit3A_408 = arith.constant 16 : i32
        %jit3A_409 = arith.constant 0 : i32
        %broadcast_in_dim3A_410 = vector.broadcast %jit3A_408 : i32 to vector<16xi32>
        %broadcast_in_dim3A_411 = vector.broadcast %jit3A_409 : i32 to vector<16xi32>
        %select_n3A_412 = arith.select %and3A_405, %broadcast_in_dim3A_410, %broadcast_in_dim3A_411 : vector<16xi1>, vector<16xi32>
        %add3A_413 = arith.addi %while3A_392, %select_n3A_412 : vector<16xi32>
        scf.yield %add3A_413 : vector<16xi32>
      }
      %while3A_236 = arith.constant 1 : i32
      %while3A_237 = scf.for %while3A_391 = %while3A_233 to %while3A_229 step %while3A_236 iter_args(%while3A_392 = %while3A_235) -> (vector<16xi32>)  : i32 {
        %mul3A_393 = arith.constant 16 : i32
        %mul3A_394 = arith.muli %while3A_391, %mul3A_393 : i32
        %add3A_395 = vector.broadcast %mul3A_394 : i32 to vector<16xi32>
        %add3A_396 = arith.addi %add3A_395, %iota3A : vector<16xi32>
        %mul3A_397 = arith.constant 16 : i32
        %mul3A_398 = arith.muli %while3A_391, %mul3A_397 : i32
        %get3A_399 = arith.index_cast %mul3A_398 : i32 to index
        %get3A_400 = tpu.vector_load %arg5[%get3A_399] {strides = array<i32>} : memref<32768xf32, #tpu.memory_space<vmem>>, vector<16xf32>,
        %ge3A = vector.broadcast %reduce_max3A_130 : i32 to vector<16xi32>
        %ge3A_401 = arith.cmpi sge, %add3A_396, %ge3A : vector<16xi32>
        %lt3A = vector.broadcast %reduce_max3A_143 : i32 to vector<16xi32>
        %lt3A_402 = arith.cmpi slt, %add3A_396, %lt3A : vector<16xi32>
        %and3A = arith.andi %ge3A_401, %lt3A_402 : vector<16xi1>
        %gt3A_403 = vector.broadcast %sub3A_210 : f32 to vector<16xf32>
        %gt3A_404 = arith.cmpf ogt, %get3A_400, %gt3A_403 : vector<16xf32>
        %and3A_405 = arith.andi %and3A, %gt3A_404 : vector<16xi1>
        %sub3A_406 = vector.broadcast %reduce_max3A_208 : f32 to vector<16xf32>
        %sub3A_407 = arith.subf %get3A_400, %sub3A_406 : vector<16xf32>
        tpu.vector_store_idx %arg6[%while3A_392], %sub3A_407 masked %and3A_405 : memref<32784xf32, #tpu.memory_space<vmem>>[vector<16xi32>], vector<16xf32>, vector<16xi1>
        %jit3A_408 = arith.constant 16 : i32
        %jit3A_409 = arith.constant 0 : i32
        %broadcast_in_dim3A_410 = vector.broadcast %jit3A_408 : i32 to vector<16xi32>
        %broadcast_in_dim3A_411 = vector.broadcast %jit3A_409 : i32 to vector<16xi32>
        %select_n3A_412 = arith.select %and3A_405, %broadcast_in_dim3A_410, %broadcast_in_dim3A_411 : vector<16xi1>, vector<16xi32>
        %add3A_413 = arith.addi %while3A_392, %select_n3A_412 : vector<16xi32>
        scf.yield %add3A_413 : vector<16xi32>
      }
      %while3A_238 = arith.constant 0 : i32
      %while3A_239 = arith.subi %shift_right_arithmetic3A_158, %while3A_238 : i32
      %while3A_240 = arith.addi %while3A_238, %while3A_239 : i32
      %while3A_241 = arith.constant 1 : i32
      %while3A_242 = arith.divsi %while3A_239, %while3A_241 : i32
      %while3A_243 = arith.muli %while3A_242, %while3A_241 : i32
      %while3A_244 = arith.addi %while3A_238, %while3A_243 : i32
      %while3A_245 = arith.constant 1 : i32
      %while3A_246 = scf.for %while3A_391 = %while3A_238 to %while3A_244 step %while3A_245 iter_args(%while3A_392 = %while3A_237) -> (vector<16xi32>)  : i32 {
        %mul3A_393 = arith.constant 4 : i32
        %mul3A_394 = arith.muli %while3A_391, %mul3A_393 : i32
        %add3A_395 = arith.addi %min3A_152, %mul3A_394 : i32
        %mul3A_396 = arith.constant 16 : i32
        %mul3A_397 = arith.muli %add3A_395, %mul3A_396 : i32
        %add3A_398 = arith.constant 0 : i32
        %add3A_399 = arith.addi %mul3A_397, %add3A_398 : i32
        %get3A_400 = arith.index_cast %add3A_399 : i32 to index
        %get3A_401 = tpu.vector_load %arg5[%get3A_400] {strides = array<i32>} : memref<32768xf32, #tpu.memory_space<vmem>>, vector<16xf32>,
        %gt3A_402 = vector.broadcast %sub3A_210 : f32 to vector<16xf32>
        %gt3A_403 = arith.cmpf ogt, %get3A_401, %gt3A_402 : vector<16xf32>
        %sub3A_404 = vector.broadcast %reduce_max3A_208 : f32 to vector<16xf32>
        %sub3A_405 = arith.subf %get3A_401, %sub3A_404 : vector<16xf32>
        tpu.vector_store_idx %arg6[%while3A_392], %sub3A_405 masked %gt3A_403 : memref<32784xf32, #tpu.memory_space<vmem>>[vector<16xi32>], vector<16xf32>, vector<16xi1>
        %jit3A_406 = arith.constant 16 : i32
        %jit3A_407 = arith.constant 0 : i32
        %broadcast_in_dim3A_408 = vector.broadcast %jit3A_406 : i32 to vector<16xi32>
        %broadcast_in_dim3A_409 = vector.broadcast %jit3A_407 : i32 to vector<16xi32>
        %select_n3A_410 = arith.select %gt3A_403, %broadcast_in_dim3A_408, %broadcast_in_dim3A_409 : vector<16xi1>, vector<16xi32>
        %add3A_411 = arith.addi %while3A_392, %select_n3A_410 : vector<16xi32>
        %mul3A_412 = arith.constant 16 : i32
        %mul3A_413 = arith.muli %add3A_395, %mul3A_412 : i32
        %add3A_414 = arith.constant 16 : i32
        %add3A_415 = arith.addi %mul3A_413, %add3A_414 : i32
        %get3A_416 = arith.index_cast %add3A_415 : i32 to index
        %get3A_417 = tpu.vector_load %arg5[%get3A_416] {strides = array<i32>} : memref<32768xf32, #tpu.memory_space<vmem>>, vector<16xf32>,
        %gt3A_418 = vector.broadcast %sub3A_210 : f32 to vector<16xf32>
        %gt3A_419 = arith.cmpf ogt, %get3A_417, %gt3A_418 : vector<16xf32>
        %sub3A_420 = vector.broadcast %reduce_max3A_208 : f32 to vector<16xf32>
        %sub3A_421 = arith.subf %get3A_417, %sub3A_420 : vector<16xf32>
        tpu.vector_store_idx %arg6[%add3A_411], %sub3A_421 masked %gt3A_419 : memref<32784xf32, #tpu.memory_space<vmem>>[vector<16xi32>], vector<16xf32>, vector<16xi1>
        %jit3A_422 = arith.constant 16 : i32
        %jit3A_423 = arith.constant 0 : i32
        %broadcast_in_dim3A_424 = vector.broadcast %jit3A_422 : i32 to vector<16xi32>
        %broadcast_in_dim3A_425 = vector.broadcast %jit3A_423 : i32 to vector<16xi32>
        %select_n3A_426 = arith.select %gt3A_419, %broadcast_in_dim3A_424, %broadcast_in_dim3A_425 : vector<16xi1>, vector<16xi32>
        %add3A_427 = arith.addi %add3A_411, %select_n3A_426 : vector<16xi32>
        %mul3A_428 = arith.constant 16 : i32
        %mul3A_429 = arith.muli %add3A_395, %mul3A_428 : i32
        %add3A_430 = arith.constant 32 : i32
        %add3A_431 = arith.addi %mul3A_429, %add3A_430 : i32
        %get3A_432 = arith.index_cast %add3A_431 : i32 to index
        %get3A_433 = tpu.vector_load %arg5[%get3A_432] {strides = array<i32>} : memref<32768xf32, #tpu.memory_space<vmem>>, vector<16xf32>,
        %gt3A_434 = vector.broadcast %sub3A_210 : f32 to vector<16xf32>
        %gt3A_435 = arith.cmpf ogt, %get3A_433, %gt3A_434 : vector<16xf32>
        %sub3A_436 = vector.broadcast %reduce_max3A_208 : f32 to vector<16xf32>
        %sub3A_437 = arith.subf %get3A_433, %sub3A_436 : vector<16xf32>
        tpu.vector_store_idx %arg6[%add3A_427], %sub3A_437 masked %gt3A_435 : memref<32784xf32, #tpu.memory_space<vmem>>[vector<16xi32>], vector<16xf32>, vector<16xi1>
        %jit3A_438 = arith.constant 16 : i32
        %jit3A_439 = arith.constant 0 : i32
        %broadcast_in_dim3A_440 = vector.broadcast %jit3A_438 : i32 to vector<16xi32>
        %broadcast_in_dim3A_441 = vector.broadcast %jit3A_439 : i32 to vector<16xi32>
        %select_n3A_442 = arith.select %gt3A_435, %broadcast_in_dim3A_440, %broadcast_in_dim3A_441 : vector<16xi1>, vector<16xi32>
        %add3A_443 = arith.addi %add3A_427, %select_n3A_442 : vector<16xi32>
        %mul3A_444 = arith.constant 16 : i32
        %mul3A_445 = arith.muli %add3A_395, %mul3A_444 : i32
        %add3A_446 = arith.constant 48 : i32
        %add3A_447 = arith.addi %mul3A_445, %add3A_446 : i32
        %get3A_448 = arith.index_cast %add3A_447 : i32 to index
        %get3A_449 = tpu.vector_load %arg5[%get3A_448] {strides = array<i32>} : memref<32768xf32, #tpu.memory_space<vmem>>, vector<16xf32>,
        %gt3A_450 = vector.broadcast %sub3A_210 : f32 to vector<16xf32>
        %gt3A_451 = arith.cmpf ogt, %get3A_449, %gt3A_450 : vector<16xf32>
        %sub3A_452 = vector.broadcast %reduce_max3A_208 : f32 to vector<16xf32>
        %sub3A_453 = arith.subf %get3A_449, %sub3A_452 : vector<16xf32>
        tpu.vector_store_idx %arg6[%add3A_443], %sub3A_453 masked %gt3A_451 : memref<32784xf32, #tpu.memory_space<vmem>>[vector<16xi32>], vector<16xf32>, vector<16xi1>
        %jit3A_454 = arith.constant 16 : i32
        %jit3A_455 = arith.constant 0 : i32
        %broadcast_in_dim3A_456 = vector.broadcast %jit3A_454 : i32 to vector<16xi32>
        %broadcast_in_dim3A_457 = vector.broadcast %jit3A_455 : i32 to vector<16xi32>
        %select_n3A_458 = arith.select %gt3A_451, %broadcast_in_dim3A_456, %broadcast_in_dim3A_457 : vector<16xi1>, vector<16xi32>
        %add3A_459 = arith.addi %add3A_443, %select_n3A_458 : vector<16xi32>
        scf.yield %add3A_459 : vector<16xi32>
      }
      %while3A_247 = arith.constant 1 : i32
      %while3A_248 = scf.for %while3A_391 = %while3A_244 to %while3A_240 step %while3A_247 iter_args(%while3A_392 = %while3A_246) -> (vector<16xi32>)  : i32 {
        %mul3A_393 = arith.constant 4 : i32
        %mul3A_394 = arith.muli %while3A_391, %mul3A_393 : i32
        %add3A_395 = arith.addi %min3A_152, %mul3A_394 : i32
        %mul3A_396 = arith.constant 16 : i32
        %mul3A_397 = arith.muli %add3A_395, %mul3A_396 : i32
        %add3A_398 = arith.constant 0 : i32
        %add3A_399 = arith.addi %mul3A_397, %add3A_398 : i32
        %get3A_400 = arith.index_cast %add3A_399 : i32 to index
        %get3A_401 = tpu.vector_load %arg5[%get3A_400] {strides = array<i32>} : memref<32768xf32, #tpu.memory_space<vmem>>, vector<16xf32>,
        %gt3A_402 = vector.broadcast %sub3A_210 : f32 to vector<16xf32>
        %gt3A_403 = arith.cmpf ogt, %get3A_401, %gt3A_402 : vector<16xf32>
        %sub3A_404 = vector.broadcast %reduce_max3A_208 : f32 to vector<16xf32>
        %sub3A_405 = arith.subf %get3A_401, %sub3A_404 : vector<16xf32>
        tpu.vector_store_idx %arg6[%while3A_392], %sub3A_405 masked %gt3A_403 : memref<32784xf32, #tpu.memory_space<vmem>>[vector<16xi32>], vector<16xf32>, vector<16xi1>
        %jit3A_406 = arith.constant 16 : i32
        %jit3A_407 = arith.constant 0 : i32
        %broadcast_in_dim3A_408 = vector.broadcast %jit3A_406 : i32 to vector<16xi32>
        %broadcast_in_dim3A_409 = vector.broadcast %jit3A_407 : i32 to vector<16xi32>
        %select_n3A_410 = arith.select %gt3A_403, %broadcast_in_dim3A_408, %broadcast_in_dim3A_409 : vector<16xi1>, vector<16xi32>
        %add3A_411 = arith.addi %while3A_392, %select_n3A_410 : vector<16xi32>
        %mul3A_412 = arith.constant 16 : i32
        %mul3A_413 = arith.muli %add3A_395, %mul3A_412 : i32
        %add3A_414 = arith.constant 16 : i32
        %add3A_415 = arith.addi %mul3A_413, %add3A_414 : i32
        %get3A_416 = arith.index_cast %add3A_415 : i32 to index
        %get3A_417 = tpu.vector_load %arg5[%get3A_416] {strides = array<i32>} : memref<32768xf32, #tpu.memory_space<vmem>>, vector<16xf32>,
        %gt3A_418 = vector.broadcast %sub3A_210 : f32 to vector<16xf32>
        %gt3A_419 = arith.cmpf ogt, %get3A_417, %gt3A_418 : vector<16xf32>
        %sub3A_420 = vector.broadcast %reduce_max3A_208 : f32 to vector<16xf32>
        %sub3A_421 = arith.subf %get3A_417, %sub3A_420 : vector<16xf32>
        tpu.vector_store_idx %arg6[%add3A_411], %sub3A_421 masked %gt3A_419 : memref<32784xf32, #tpu.memory_space<vmem>>[vector<16xi32>], vector<16xf32>, vector<16xi1>
        %jit3A_422 = arith.constant 16 : i32
        %jit3A_423 = arith.constant 0 : i32
        %broadcast_in_dim3A_424 = vector.broadcast %jit3A_422 : i32 to vector<16xi32>
        %broadcast_in_dim3A_425 = vector.broadcast %jit3A_423 : i32 to vector<16xi32>
        %select_n3A_426 = arith.select %gt3A_419, %broadcast_in_dim3A_424, %broadcast_in_dim3A_425 : vector<16xi1>, vector<16xi32>
        %add3A_427 = arith.addi %add3A_411, %select_n3A_426 : vector<16xi32>
        %mul3A_428 = arith.constant 16 : i32
        %mul3A_429 = arith.muli %add3A_395, %mul3A_428 : i32
        %add3A_430 = arith.constant 32 : i32
        %add3A_431 = arith.addi %mul3A_429, %add3A_430 : i32
        %get3A_432 = arith.index_cast %add3A_431 : i32 to index
        %get3A_433 = tpu.vector_load %arg5[%get3A_432] {strides = array<i32>} : memref<32768xf32, #tpu.memory_space<vmem>>, vector<16xf32>,
        %gt3A_434 = vector.broadcast %sub3A_210 : f32 to vector<16xf32>
        %gt3A_435 = arith.cmpf ogt, %get3A_433, %gt3A_434 : vector<16xf32>
        %sub3A_436 = vector.broadcast %reduce_max3A_208 : f32 to vector<16xf32>
        %sub3A_437 = arith.subf %get3A_433, %sub3A_436 : vector<16xf32>
        tpu.vector_store_idx %arg6[%add3A_427], %sub3A_437 masked %gt3A_435 : memref<32784xf32, #tpu.memory_space<vmem>>[vector<16xi32>], vector<16xf32>, vector<16xi1>
        %jit3A_438 = arith.constant 16 : i32
        %jit3A_439 = arith.constant 0 : i32
        %broadcast_in_dim3A_440 = vector.broadcast %jit3A_438 : i32 to vector<16xi32>
        %broadcast_in_dim3A_441 = vector.broadcast %jit3A_439 : i32 to vector<16xi32>
        %select_n3A_442 = arith.select %gt3A_435, %broadcast_in_dim3A_440, %broadcast_in_dim3A_441 : vector<16xi1>, vector<16xi32>
        %add3A_443 = arith.addi %add3A_427, %select_n3A_442 : vector<16xi32>
        %mul3A_444 = arith.constant 16 : i32
        %mul3A_445 = arith.muli %add3A_395, %mul3A_444 : i32
        %add3A_446 = arith.constant 48 : i32
        %add3A_447 = arith.addi %mul3A_445, %add3A_446 : i32
        %get3A_448 = arith.index_cast %add3A_447 : i32 to index
        %get3A_449 = tpu.vector_load %arg5[%get3A_448] {strides = array<i32>} : memref<32768xf32, #tpu.memory_space<vmem>>, vector<16xf32>,
        %gt3A_450 = vector.broadcast %sub3A_210 : f32 to vector<16xf32>
        %gt3A_451 = arith.cmpf ogt, %get3A_449, %gt3A_450 : vector<16xf32>
        %sub3A_452 = vector.broadcast %reduce_max3A_208 : f32 to vector<16xf32>
        %sub3A_453 = arith.subf %get3A_449, %sub3A_452 : vector<16xf32>
        tpu.vector_store_idx %arg6[%add3A_443], %sub3A_453 masked %gt3A_451 : memref<32784xf32, #tpu.memory_space<vmem>>[vector<16xi32>], vector<16xf32>, vector<16xi1>
        %jit3A_454 = arith.constant 16 : i32
        %jit3A_455 = arith.constant 0 : i32
        %broadcast_in_dim3A_456 = vector.broadcast %jit3A_454 : i32 to vector<16xi32>
        %broadcast_in_dim3A_457 = vector.broadcast %jit3A_455 : i32 to vector<16xi32>
        %select_n3A_458 = arith.select %gt3A_451, %broadcast_in_dim3A_456, %broadcast_in_dim3A_457 : vector<16xi1>, vector<16xi32>
        %add3A_459 = arith.addi %add3A_443, %select_n3A_458 : vector<16xi32>
        scf.yield %add3A_459 : vector<16xi32>
      }
      %mul3A_249 = arith.constant 4 : i32
      %mul3A_250 = arith.muli %shift_right_arithmetic3A_158, %mul3A_249 : i32
      %add3A_251 = arith.addi %min3A_152, %mul3A_250 : i32
      %while3A_252 = arith.subi %max3A_155, %add3A_251 : i32
      %while3A_253 = arith.addi %add3A_251, %while3A_252 : i32
      %while3A_254 = arith.constant 1 : i32
      %while3A_255 = arith.divsi %while3A_252, %while3A_254 : i32
      %while3A_256 = arith.muli %while3A_255, %while3A_254 : i32
      %while3A_257 = arith.addi %add3A_251, %while3A_256 : i32
      %while3A_258 = arith.constant 1 : i32
      %while3A_259 = scf.for %while3A_391 = %add3A_251 to %while3A_257 step %while3A_258 iter_args(%while3A_392 = %while3A_248) -> (vector<16xi32>)  : i32 {
        %mul3A_393 = arith.constant 16 : i32
        %mul3A_394 = arith.muli %while3A_391, %mul3A_393 : i32
        %get3A_395 = arith.index_cast %mul3A_394 : i32 to index
        %get3A_396 = tpu.vector_load %arg5[%get3A_395] {strides = array<i32>} : memref<32768xf32, #tpu.memory_space<vmem>>, vector<16xf32>,
        %gt3A_397 = vector.broadcast %sub3A_210 : f32 to vector<16xf32>
        %gt3A_398 = arith.cmpf ogt, %get3A_396, %gt3A_397 : vector<16xf32>
        %sub3A_399 = vector.broadcast %reduce_max3A_208 : f32 to vector<16xf32>
        %sub3A_400 = arith.subf %get3A_396, %sub3A_399 : vector<16xf32>
        tpu.vector_store_idx %arg6[%while3A_392], %sub3A_400 masked %gt3A_398 : memref<32784xf32, #tpu.memory_space<vmem>>[vector<16xi32>], vector<16xf32>, vector<16xi1>
        %jit3A_401 = arith.constant 16 : i32
        %jit3A_402 = arith.constant 0 : i32
        %broadcast_in_dim3A_403 = vector.broadcast %jit3A_401 : i32 to vector<16xi32>
        %broadcast_in_dim3A_404 = vector.broadcast %jit3A_402 : i32 to vector<16xi32>
        %select_n3A_405 = arith.select %gt3A_398, %broadcast_in_dim3A_403, %broadcast_in_dim3A_404 : vector<16xi1>, vector<16xi32>
        %add3A_406 = arith.addi %while3A_392, %select_n3A_405 : vector<16xi32>
        scf.yield %add3A_406 : vector<16xi32>
      }
      %while3A_260 = arith.constant 1 : i32
      %while3A_261 = scf.for %while3A_391 = %while3A_257 to %while3A_253 step %while3A_260 iter_args(%while3A_392 = %while3A_259) -> (vector<16xi32>)  : i32 {
        %mul3A_393 = arith.constant 16 : i32
        %mul3A_394 = arith.muli %while3A_391, %mul3A_393 : i32
        %get3A_395 = arith.index_cast %mul3A_394 : i32 to index
        %get3A_396 = tpu.vector_load %arg5[%get3A_395] {strides = array<i32>} : memref<32768xf32, #tpu.memory_space<vmem>>, vector<16xf32>,
        %gt3A_397 = vector.broadcast %sub3A_210 : f32 to vector<16xf32>
        %gt3A_398 = arith.cmpf ogt, %get3A_396, %gt3A_397 : vector<16xf32>
        %sub3A_399 = vector.broadcast %reduce_max3A_208 : f32 to vector<16xf32>
        %sub3A_400 = arith.subf %get3A_396, %sub3A_399 : vector<16xf32>
        tpu.vector_store_idx %arg6[%while3A_392], %sub3A_400 masked %gt3A_398 : memref<32784xf32, #tpu.memory_space<vmem>>[vector<16xi32>], vector<16xf32>, vector<16xi1>
        %jit3A_401 = arith.constant 16 : i32
        %jit3A_402 = arith.constant 0 : i32
        %broadcast_in_dim3A_403 = vector.broadcast %jit3A_401 : i32 to vector<16xi32>
        %broadcast_in_dim3A_404 = vector.broadcast %jit3A_402 : i32 to vector<16xi32>
        %select_n3A_405 = arith.select %gt3A_398, %broadcast_in_dim3A_403, %broadcast_in_dim3A_404 : vector<16xi1>, vector<16xi32>
        %add3A_406 = arith.addi %while3A_392, %select_n3A_405 : vector<16xi32>
        scf.yield %add3A_406 : vector<16xi32>
      }
      %while3A_262 = arith.subi %shift_right_arithmetic3A_149, %max3A_155 : i32
      %while3A_263 = arith.addi %max3A_155, %while3A_262 : i32
      %while3A_264 = arith.constant 1 : i32
      %while3A_265 = arith.divsi %while3A_262, %while3A_264 : i32
      %while3A_266 = arith.muli %while3A_265, %while3A_264 : i32
      %while3A_267 = arith.addi %max3A_155, %while3A_266 : i32
      %while3A_268 = arith.constant 1 : i32
      %while3A_269 = scf.for %while3A_391 = %max3A_155 to %while3A_267 step %while3A_268 iter_args(%while3A_392 = %while3A_261) -> (vector<16xi32>)  : i32 {
        %mul3A_393 = arith.constant 16 : i32
        %mul3A_394 = arith.muli %while3A_391, %mul3A_393 : i32
        %add3A_395 = vector.broadcast %mul3A_394 : i32 to vector<16xi32>
        %add3A_396 = arith.addi %add3A_395, %iota3A : vector<16xi32>
        %mul3A_397 = arith.constant 16 : i32
        %mul3A_398 = arith.muli %while3A_391, %mul3A_397 : i32
        %get3A_399 = arith.index_cast %mul3A_398 : i32 to index
        %get3A_400 = tpu.vector_load %arg5[%get3A_399] {strides = array<i32>} : memref<32768xf32, #tpu.memory_space<vmem>>, vector<16xf32>,
        %ge3A = vector.broadcast %reduce_max3A_130 : i32 to vector<16xi32>
        %ge3A_401 = arith.cmpi sge, %add3A_396, %ge3A : vector<16xi32>
        %lt3A = vector.broadcast %reduce_max3A_143 : i32 to vector<16xi32>
        %lt3A_402 = arith.cmpi slt, %add3A_396, %lt3A : vector<16xi32>
        %and3A = arith.andi %ge3A_401, %lt3A_402 : vector<16xi1>
        %gt3A_403 = vector.broadcast %sub3A_210 : f32 to vector<16xf32>
        %gt3A_404 = arith.cmpf ogt, %get3A_400, %gt3A_403 : vector<16xf32>
        %and3A_405 = arith.andi %and3A, %gt3A_404 : vector<16xi1>
        %sub3A_406 = vector.broadcast %reduce_max3A_208 : f32 to vector<16xf32>
        %sub3A_407 = arith.subf %get3A_400, %sub3A_406 : vector<16xf32>
        tpu.vector_store_idx %arg6[%while3A_392], %sub3A_407 masked %and3A_405 : memref<32784xf32, #tpu.memory_space<vmem>>[vector<16xi32>], vector<16xf32>, vector<16xi1>
        %jit3A_408 = arith.constant 16 : i32
        %jit3A_409 = arith.constant 0 : i32
        %broadcast_in_dim3A_410 = vector.broadcast %jit3A_408 : i32 to vector<16xi32>
        %broadcast_in_dim3A_411 = vector.broadcast %jit3A_409 : i32 to vector<16xi32>
        %select_n3A_412 = arith.select %and3A_405, %broadcast_in_dim3A_410, %broadcast_in_dim3A_411 : vector<16xi1>, vector<16xi32>
        %add3A_413 = arith.addi %while3A_392, %select_n3A_412 : vector<16xi32>
        scf.yield %add3A_413 : vector<16xi32>
      }
      %while3A_270 = arith.constant 1 : i32
      %while3A_271 = scf.for %while3A_391 = %while3A_267 to %while3A_263 step %while3A_270 iter_args(%while3A_392 = %while3A_269) -> (vector<16xi32>)  : i32 {
        %mul3A_393 = arith.constant 16 : i32
        %mul3A_394 = arith.muli %while3A_391, %mul3A_393 : i32
        %add3A_395 = vector.broadcast %mul3A_394 : i32 to vector<16xi32>
        %add3A_396 = arith.addi %add3A_395, %iota3A : vector<16xi32>
        %mul3A_397 = arith.constant 16 : i32
        %mul3A_398 = arith.muli %while3A_391, %mul3A_397 : i32
        %get3A_399 = arith.index_cast %mul3A_398 : i32 to index
        %get3A_400 = tpu.vector_load %arg5[%get3A_399] {strides = array<i32>} : memref<32768xf32, #tpu.memory_space<vmem>>, vector<16xf32>,
        %ge3A = vector.broadcast %reduce_max3A_130 : i32 to vector<16xi32>
        %ge3A_401 = arith.cmpi sge, %add3A_396, %ge3A : vector<16xi32>
        %lt3A = vector.broadcast %reduce_max3A_143 : i32 to vector<16xi32>
        %lt3A_402 = arith.cmpi slt, %add3A_396, %lt3A : vector<16xi32>
        %and3A = arith.andi %ge3A_401, %lt3A_402 : vector<16xi1>
        %gt3A_403 = vector.broadcast %sub3A_210 : f32 to vector<16xf32>
        %gt3A_404 = arith.cmpf ogt, %get3A_400, %gt3A_403 : vector<16xf32>
        %and3A_405 = arith.andi %and3A, %gt3A_404 : vector<16xi1>
        %sub3A_406 = vector.broadcast %reduce_max3A_208 : f32 to vector<16xf32>
        %sub3A_407 = arith.subf %get3A_400, %sub3A_406 : vector<16xf32>
        tpu.vector_store_idx %arg6[%while3A_392], %sub3A_407 masked %and3A_405 : memref<32784xf32, #tpu.memory_space<vmem>>[vector<16xi32>], vector<16xf32>, vector<16xi1>
        %jit3A_408 = arith.constant 16 : i32
        %jit3A_409 = arith.constant 0 : i32
        %broadcast_in_dim3A_410 = vector.broadcast %jit3A_408 : i32 to vector<16xi32>
        %broadcast_in_dim3A_411 = vector.broadcast %jit3A_409 : i32 to vector<16xi32>
        %select_n3A_412 = arith.select %and3A_405, %broadcast_in_dim3A_410, %broadcast_in_dim3A_411 : vector<16xi1>, vector<16xi32>
        %add3A_413 = arith.addi %while3A_392, %select_n3A_412 : vector<16xi32>
        scf.yield %add3A_413 : vector<16xi32>
      }
      %sub3A_272 = arith.subi %while3A_271, %iota3A : vector<16xi32>
      %shift_right_arithmetic3A_273 = arith.constant 4 : i32
      %shift_right_arithmetic3A_274 = vector.broadcast %shift_right_arithmetic3A_273 : i32 to vector<16xi32>
      %shift_right_arithmetic3A_275 = arith.shrsi %sub3A_272, %shift_right_arithmetic3A_274 : vector<16xi32>
      %reduce_max3A_276 = arith.constant true
      %reduce_max3A_277 = vector.broadcast %reduce_max3A_276 : i1 to vector<16xi1>
      %reduce_max3A_278 = arith.constant -2147483648 : i32
      %reduce_max3A_279 = vector.broadcast %reduce_max3A_278 : i32 to vector<16xi32>
      %reduce_max3A_280 = arith.xori %shift_right_arithmetic3A_275, %reduce_max3A_279 : vector<16xi32>
      %reduce_max3A_281 = tpu.scan <max>, %reduce_max3A_280 masked %reduce_max3A_277 : vector<16xi32>, vector<16xi1> -> vector<16xi32>
      %reduce_max3A_282 = arith.xori %reduce_max3A_281, %reduce_max3A_279 : vector<16xi32>
      %reduce_max3A_283 = vector.extract %reduce_max3A_282[15] : i32 from vector<16xi32>
      %gt3A = arith.constant 8 : i32
      %gt3A_284 = arith.cmpi sgt, %reduce_max3A_283, %gt3A : i32
      %convert_element_type3A = arith.extui %gt3A_284 : i1 to i32
      %cond3A = arith.constant 0 : i32
      %cond3A_285 = arith.cmpi ne, %convert_element_type3A, %cond3A : i32
      scf.if %cond3A_285 {
        %while3A_391 = arith.constant 0 : i32
        %while3A_392 = arith.constant 0 : i32
        %while3A_393 = arith.subi %reduce_max3A_283, %while3A_392 : i32
        %while3A_394 = arith.addi %while3A_392, %while3A_393 : i32
        %while3A_395 = arith.constant 1 : i32
        %while3A_396 = arith.divsi %while3A_393, %while3A_395 : i32
        %while3A_397 = arith.muli %while3A_396, %while3A_395 : i32
        %while3A_398 = arith.addi %while3A_392, %while3A_397 : i32
        %while3A_399 = arith.constant 1 : i32
        scf.for %while3A_445 = %while3A_392 to %while3A_398 step %while3A_399  : i32 {
          %mul3A_446 = arith.constant 16 : i32
          %mul3A_447 = arith.muli %while3A_445, %mul3A_446 : i32
          %swap3A_448 = arith.index_cast %mul3A_447 : i32 to index
          %swap3A_449 = tpu.vector_load %arg6[%swap3A_448] {strides = array<i32>} : memref<32784xf32, #tpu.memory_space<vmem>>, vector<16xf32>,
          tpu.vector_store %arg6[%swap3A_448], %broadcast_in_dim3A_212 {strides = array<i32>} : memref<32784xf32, #tpu.memory_space<vmem>>, vector<16xf32>,
        }
        %while3A_400 = arith.constant 1 : i32
        scf.for %while3A_445 = %while3A_398 to %while3A_394 step %while3A_400  : i32 {
          %mul3A_446 = arith.constant 16 : i32
          %mul3A_447 = arith.muli %while3A_445, %mul3A_446 : i32
          %swap3A_448 = arith.index_cast %mul3A_447 : i32 to index
          %swap3A_449 = tpu.vector_load %arg6[%swap3A_448] {strides = array<i32>} : memref<32784xf32, #tpu.memory_space<vmem>>, vector<16xf32>,
          tpu.vector_store %arg6[%swap3A_448], %broadcast_in_dim3A_212 {strides = array<i32>} : memref<32784xf32, #tpu.memory_space<vmem>>, vector<16xf32>,
        }
        %while3A_401 = arith.subi %min3A_152, %shift_right_arithmetic3A_145 : i32
        %while3A_402 = arith.addi %shift_right_arithmetic3A_145, %while3A_401 : i32
        %while3A_403 = arith.constant 1 : i32
        %while3A_404 = arith.divsi %while3A_401, %while3A_403 : i32
        %while3A_405 = arith.muli %while3A_404, %while3A_403 : i32
        %while3A_406 = arith.addi %shift_right_arithmetic3A_145, %while3A_405 : i32
        %while3A_407 = arith.constant 1 : i32
        %while3A_408 = scf.for %while3A_445 = %shift_right_arithmetic3A_145 to %while3A_406 step %while3A_407 iter_args(%while3A_446 = %iota3A) -> (vector<16xi32>)  : i32 {
          %mul3A_447 = arith.constant 16 : i32
          %mul3A_448 = arith.muli %while3A_445, %mul3A_447 : i32
          %add3A_449 = vector.broadcast %mul3A_448 : i32 to vector<16xi32>
          %add3A_450 = arith.addi %add3A_449, %iota3A : vector<16xi32>
          %mul3A_451 = arith.constant 16 : i32
          %mul3A_452 = arith.muli %while3A_445, %mul3A_451 : i32
          %get3A_453 = arith.index_cast %mul3A_452 : i32 to index
          %get3A_454 = tpu.vector_load %arg5[%get3A_453] {strides = array<i32>} : memref<32768xf32, #tpu.memory_space<vmem>>, vector<16xf32>,
          %ge3A = vector.broadcast %reduce_max3A_130 : i32 to vector<16xi32>
          %ge3A_455 = arith.cmpi sge, %add3A_450, %ge3A : vector<16xi32>
          %lt3A = vector.broadcast %reduce_max3A_143 : i32 to vector<16xi32>
          %lt3A_456 = arith.cmpi slt, %add3A_450, %lt3A : vector<16xi32>
          %and3A = arith.andi %ge3A_455, %lt3A_456 : vector<16xi1>
          %gt3A_457 = vector.broadcast %sub3A_210 : f32 to vector<16xf32>
          %gt3A_458 = arith.cmpf ogt, %get3A_454, %gt3A_457 : vector<16xf32>
          %and3A_459 = arith.andi %and3A, %gt3A_458 : vector<16xi1>
          %sub3A_460 = vector.broadcast %reduce_max3A_208 : f32 to vector<16xf32>
          %sub3A_461 = arith.subf %get3A_454, %sub3A_460 : vector<16xf32>
          tpu.vector_store_idx %arg6[%while3A_446], %sub3A_461 masked %and3A_459 : memref<32784xf32, #tpu.memory_space<vmem>>[vector<16xi32>], vector<16xf32>, vector<16xi1>
          %jit3A_462 = arith.constant 16 : i32
          %jit3A_463 = arith.constant 0 : i32
          %broadcast_in_dim3A_464 = vector.broadcast %jit3A_462 : i32 to vector<16xi32>
          %broadcast_in_dim3A_465 = vector.broadcast %jit3A_463 : i32 to vector<16xi32>
          %select_n3A_466 = arith.select %and3A_459, %broadcast_in_dim3A_464, %broadcast_in_dim3A_465 : vector<16xi1>, vector<16xi32>
          %add3A_467 = arith.addi %while3A_446, %select_n3A_466 : vector<16xi32>
          scf.yield %add3A_467 : vector<16xi32>
        }
        %while3A_409 = arith.constant 1 : i32
        %while3A_410 = scf.for %while3A_445 = %while3A_406 to %while3A_402 step %while3A_409 iter_args(%while3A_446 = %while3A_408) -> (vector<16xi32>)  : i32 {
          %mul3A_447 = arith.constant 16 : i32
          %mul3A_448 = arith.muli %while3A_445, %mul3A_447 : i32
          %add3A_449 = vector.broadcast %mul3A_448 : i32 to vector<16xi32>
          %add3A_450 = arith.addi %add3A_449, %iota3A : vector<16xi32>
          %mul3A_451 = arith.constant 16 : i32
          %mul3A_452 = arith.muli %while3A_445, %mul3A_451 : i32
          %get3A_453 = arith.index_cast %mul3A_452 : i32 to index
          %get3A_454 = tpu.vector_load %arg5[%get3A_453] {strides = array<i32>} : memref<32768xf32, #tpu.memory_space<vmem>>, vector<16xf32>,
          %ge3A = vector.broadcast %reduce_max3A_130 : i32 to vector<16xi32>
          %ge3A_455 = arith.cmpi sge, %add3A_450, %ge3A : vector<16xi32>
          %lt3A = vector.broadcast %reduce_max3A_143 : i32 to vector<16xi32>
          %lt3A_456 = arith.cmpi slt, %add3A_450, %lt3A : vector<16xi32>
          %and3A = arith.andi %ge3A_455, %lt3A_456 : vector<16xi1>
          %gt3A_457 = vector.broadcast %sub3A_210 : f32 to vector<16xf32>
          %gt3A_458 = arith.cmpf ogt, %get3A_454, %gt3A_457 : vector<16xf32>
          %and3A_459 = arith.andi %and3A, %gt3A_458 : vector<16xi1>
          %sub3A_460 = vector.broadcast %reduce_max3A_208 : f32 to vector<16xf32>
          %sub3A_461 = arith.subf %get3A_454, %sub3A_460 : vector<16xf32>
          tpu.vector_store_idx %arg6[%while3A_446], %sub3A_461 masked %and3A_459 : memref<32784xf32, #tpu.memory_space<vmem>>[vector<16xi32>], vector<16xf32>, vector<16xi1>
          %jit3A_462 = arith.constant 16 : i32
          %jit3A_463 = arith.constant 0 : i32
          %broadcast_in_dim3A_464 = vector.broadcast %jit3A_462 : i32 to vector<16xi32>
          %broadcast_in_dim3A_465 = vector.broadcast %jit3A_463 : i32 to vector<16xi32>
          %select_n3A_466 = arith.select %and3A_459, %broadcast_in_dim3A_464, %broadcast_in_dim3A_465 : vector<16xi1>, vector<16xi32>
          %add3A_467 = arith.addi %while3A_446, %select_n3A_466 : vector<16xi32>
          scf.yield %add3A_467 : vector<16xi32>
        }
        %while3A_411 = arith.constant 0 : i32
        %while3A_412 = arith.subi %shift_right_arithmetic3A_158, %while3A_411 : i32
        %while3A_413 = arith.addi %while3A_411, %while3A_412 : i32
        %while3A_414 = arith.constant 1 : i32
        %while3A_415 = arith.divsi %while3A_412, %while3A_414 : i32
        %while3A_416 = arith.muli %while3A_415, %while3A_414 : i32
        %while3A_417 = arith.addi %while3A_411, %while3A_416 : i32
        %while3A_418 = arith.constant 1 : i32
        %while3A_419 = scf.for %while3A_445 = %while3A_411 to %while3A_417 step %while3A_418 iter_args(%while3A_446 = %while3A_410) -> (vector<16xi32>)  : i32 {
          %mul3A_447 = arith.constant 4 : i32
          %mul3A_448 = arith.muli %while3A_445, %mul3A_447 : i32
          %add3A_449 = arith.addi %min3A_152, %mul3A_448 : i32
          %mul3A_450 = arith.constant 16 : i32
          %mul3A_451 = arith.muli %add3A_449, %mul3A_450 : i32
          %add3A_452 = arith.constant 0 : i32
          %add3A_453 = arith.addi %mul3A_451, %add3A_452 : i32
          %get3A_454 = arith.index_cast %add3A_453 : i32 to index
          %get3A_455 = tpu.vector_load %arg5[%get3A_454] {strides = array<i32>} : memref<32768xf32, #tpu.memory_space<vmem>>, vector<16xf32>,
          %gt3A_456 = vector.broadcast %sub3A_210 : f32 to vector<16xf32>
          %gt3A_457 = arith.cmpf ogt, %get3A_455, %gt3A_456 : vector<16xf32>
          %sub3A_458 = vector.broadcast %reduce_max3A_208 : f32 to vector<16xf32>
          %sub3A_459 = arith.subf %get3A_455, %sub3A_458 : vector<16xf32>
          tpu.vector_store_idx %arg6[%while3A_446], %sub3A_459 masked %gt3A_457 : memref<32784xf32, #tpu.memory_space<vmem>>[vector<16xi32>], vector<16xf32>, vector<16xi1>
          %jit3A_460 = arith.constant 16 : i32
          %jit3A_461 = arith.constant 0 : i32
          %broadcast_in_dim3A_462 = vector.broadcast %jit3A_460 : i32 to vector<16xi32>
          %broadcast_in_dim3A_463 = vector.broadcast %jit3A_461 : i32 to vector<16xi32>
          %select_n3A_464 = arith.select %gt3A_457, %broadcast_in_dim3A_462, %broadcast_in_dim3A_463 : vector<16xi1>, vector<16xi32>
          %add3A_465 = arith.addi %while3A_446, %select_n3A_464 : vector<16xi32>
          %mul3A_466 = arith.constant 16 : i32
          %mul3A_467 = arith.muli %add3A_449, %mul3A_466 : i32
          %add3A_468 = arith.constant 16 : i32
          %add3A_469 = arith.addi %mul3A_467, %add3A_468 : i32
          %get3A_470 = arith.index_cast %add3A_469 : i32 to index
          %get3A_471 = tpu.vector_load %arg5[%get3A_470] {strides = array<i32>} : memref<32768xf32, #tpu.memory_space<vmem>>, vector<16xf32>,
          %gt3A_472 = vector.broadcast %sub3A_210 : f32 to vector<16xf32>
          %gt3A_473 = arith.cmpf ogt, %get3A_471, %gt3A_472 : vector<16xf32>
          %sub3A_474 = vector.broadcast %reduce_max3A_208 : f32 to vector<16xf32>
          %sub3A_475 = arith.subf %get3A_471, %sub3A_474 : vector<16xf32>
          tpu.vector_store_idx %arg6[%add3A_465], %sub3A_475 masked %gt3A_473 : memref<32784xf32, #tpu.memory_space<vmem>>[vector<16xi32>], vector<16xf32>, vector<16xi1>
          %jit3A_476 = arith.constant 16 : i32
          %jit3A_477 = arith.constant 0 : i32
          %broadcast_in_dim3A_478 = vector.broadcast %jit3A_476 : i32 to vector<16xi32>
          %broadcast_in_dim3A_479 = vector.broadcast %jit3A_477 : i32 to vector<16xi32>
          %select_n3A_480 = arith.select %gt3A_473, %broadcast_in_dim3A_478, %broadcast_in_dim3A_479 : vector<16xi1>, vector<16xi32>
          %add3A_481 = arith.addi %add3A_465, %select_n3A_480 : vector<16xi32>
          %mul3A_482 = arith.constant 16 : i32
          %mul3A_483 = arith.muli %add3A_449, %mul3A_482 : i32
          %add3A_484 = arith.constant 32 : i32
          %add3A_485 = arith.addi %mul3A_483, %add3A_484 : i32
          %get3A_486 = arith.index_cast %add3A_485 : i32 to index
          %get3A_487 = tpu.vector_load %arg5[%get3A_486] {strides = array<i32>} : memref<32768xf32, #tpu.memory_space<vmem>>, vector<16xf32>,
          %gt3A_488 = vector.broadcast %sub3A_210 : f32 to vector<16xf32>
          %gt3A_489 = arith.cmpf ogt, %get3A_487, %gt3A_488 : vector<16xf32>
          %sub3A_490 = vector.broadcast %reduce_max3A_208 : f32 to vector<16xf32>
          %sub3A_491 = arith.subf %get3A_487, %sub3A_490 : vector<16xf32>
          tpu.vector_store_idx %arg6[%add3A_481], %sub3A_491 masked %gt3A_489 : memref<32784xf32, #tpu.memory_space<vmem>>[vector<16xi32>], vector<16xf32>, vector<16xi1>
          %jit3A_492 = arith.constant 16 : i32
          %jit3A_493 = arith.constant 0 : i32
          %broadcast_in_dim3A_494 = vector.broadcast %jit3A_492 : i32 to vector<16xi32>
          %broadcast_in_dim3A_495 = vector.broadcast %jit3A_493 : i32 to vector<16xi32>
          %select_n3A_496 = arith.select %gt3A_489, %broadcast_in_dim3A_494, %broadcast_in_dim3A_495 : vector<16xi1>, vector<16xi32>
          %add3A_497 = arith.addi %add3A_481, %select_n3A_496 : vector<16xi32>
          %mul3A_498 = arith.constant 16 : i32
          %mul3A_499 = arith.muli %add3A_449, %mul3A_498 : i32
          %add3A_500 = arith.constant 48 : i32
          %add3A_501 = arith.addi %mul3A_499, %add3A_500 : i32
          %get3A_502 = arith.index_cast %add3A_501 : i32 to index
          %get3A_503 = tpu.vector_load %arg5[%get3A_502] {strides = array<i32>} : memref<32768xf32, #tpu.memory_space<vmem>>, vector<16xf32>,
          %gt3A_504 = vector.broadcast %sub3A_210 : f32 to vector<16xf32>
          %gt3A_505 = arith.cmpf ogt, %get3A_503, %gt3A_504 : vector<16xf32>
          %sub3A_506 = vector.broadcast %reduce_max3A_208 : f32 to vector<16xf32>
          %sub3A_507 = arith.subf %get3A_503, %sub3A_506 : vector<16xf32>
          tpu.vector_store_idx %arg6[%add3A_497], %sub3A_507 masked %gt3A_505 : memref<32784xf32, #tpu.memory_space<vmem>>[vector<16xi32>], vector<16xf32>, vector<16xi1>
          %jit3A_508 = arith.constant 16 : i32
          %jit3A_509 = arith.constant 0 : i32
          %broadcast_in_dim3A_510 = vector.broadcast %jit3A_508 : i32 to vector<16xi32>
          %broadcast_in_dim3A_511 = vector.broadcast %jit3A_509 : i32 to vector<16xi32>
          %select_n3A_512 = arith.select %gt3A_505, %broadcast_in_dim3A_510, %broadcast_in_dim3A_511 : vector<16xi1>, vector<16xi32>
          %add3A_513 = arith.addi %add3A_497, %select_n3A_512 : vector<16xi32>
          scf.yield %add3A_513 : vector<16xi32>
        }
        %while3A_420 = arith.constant 1 : i32
        %while3A_421 = scf.for %while3A_445 = %while3A_417 to %while3A_413 step %while3A_420 iter_args(%while3A_446 = %while3A_419) -> (vector<16xi32>)  : i32 {
          %mul3A_447 = arith.constant 4 : i32
          %mul3A_448 = arith.muli %while3A_445, %mul3A_447 : i32
          %add3A_449 = arith.addi %min3A_152, %mul3A_448 : i32
          %mul3A_450 = arith.constant 16 : i32
          %mul3A_451 = arith.muli %add3A_449, %mul3A_450 : i32
          %add3A_452 = arith.constant 0 : i32
          %add3A_453 = arith.addi %mul3A_451, %add3A_452 : i32
          %get3A_454 = arith.index_cast %add3A_453 : i32 to index
          %get3A_455 = tpu.vector_load %arg5[%get3A_454] {strides = array<i32>} : memref<32768xf32, #tpu.memory_space<vmem>>, vector<16xf32>,
          %gt3A_456 = vector.broadcast %sub3A_210 : f32 to vector<16xf32>
          %gt3A_457 = arith.cmpf ogt, %get3A_455, %gt3A_456 : vector<16xf32>
          %sub3A_458 = vector.broadcast %reduce_max3A_208 : f32 to vector<16xf32>
          %sub3A_459 = arith.subf %get3A_455, %sub3A_458 : vector<16xf32>
          tpu.vector_store_idx %arg6[%while3A_446], %sub3A_459 masked %gt3A_457 : memref<32784xf32, #tpu.memory_space<vmem>>[vector<16xi32>], vector<16xf32>, vector<16xi1>
          %jit3A_460 = arith.constant 16 : i32
          %jit3A_461 = arith.constant 0 : i32
          %broadcast_in_dim3A_462 = vector.broadcast %jit3A_460 : i32 to vector<16xi32>
          %broadcast_in_dim3A_463 = vector.broadcast %jit3A_461 : i32 to vector<16xi32>
          %select_n3A_464 = arith.select %gt3A_457, %broadcast_in_dim3A_462, %broadcast_in_dim3A_463 : vector<16xi1>, vector<16xi32>
          %add3A_465 = arith.addi %while3A_446, %select_n3A_464 : vector<16xi32>
          %mul3A_466 = arith.constant 16 : i32
          %mul3A_467 = arith.muli %add3A_449, %mul3A_466 : i32
          %add3A_468 = arith.constant 16 : i32
          %add3A_469 = arith.addi %mul3A_467, %add3A_468 : i32
          %get3A_470 = arith.index_cast %add3A_469 : i32 to index
          %get3A_471 = tpu.vector_load %arg5[%get3A_470] {strides = array<i32>} : memref<32768xf32, #tpu.memory_space<vmem>>, vector<16xf32>,
          %gt3A_472 = vector.broadcast %sub3A_210 : f32 to vector<16xf32>
          %gt3A_473 = arith.cmpf ogt, %get3A_471, %gt3A_472 : vector<16xf32>
          %sub3A_474 = vector.broadcast %reduce_max3A_208 : f32 to vector<16xf32>
          %sub3A_475 = arith.subf %get3A_471, %sub3A_474 : vector<16xf32>
          tpu.vector_store_idx %arg6[%add3A_465], %sub3A_475 masked %gt3A_473 : memref<32784xf32, #tpu.memory_space<vmem>>[vector<16xi32>], vector<16xf32>, vector<16xi1>
          %jit3A_476 = arith.constant 16 : i32
          %jit3A_477 = arith.constant 0 : i32
          %broadcast_in_dim3A_478 = vector.broadcast %jit3A_476 : i32 to vector<16xi32>
          %broadcast_in_dim3A_479 = vector.broadcast %jit3A_477 : i32 to vector<16xi32>
          %select_n3A_480 = arith.select %gt3A_473, %broadcast_in_dim3A_478, %broadcast_in_dim3A_479 : vector<16xi1>, vector<16xi32>
          %add3A_481 = arith.addi %add3A_465, %select_n3A_480 : vector<16xi32>
          %mul3A_482 = arith.constant 16 : i32
          %mul3A_483 = arith.muli %add3A_449, %mul3A_482 : i32
          %add3A_484 = arith.constant 32 : i32
          %add3A_485 = arith.addi %mul3A_483, %add3A_484 : i32
          %get3A_486 = arith.index_cast %add3A_485 : i32 to index
          %get3A_487 = tpu.vector_load %arg5[%get3A_486] {strides = array<i32>} : memref<32768xf32, #tpu.memory_space<vmem>>, vector<16xf32>,
          %gt3A_488 = vector.broadcast %sub3A_210 : f32 to vector<16xf32>
          %gt3A_489 = arith.cmpf ogt, %get3A_487, %gt3A_488 : vector<16xf32>
          %sub3A_490 = vector.broadcast %reduce_max3A_208 : f32 to vector<16xf32>
          %sub3A_491 = arith.subf %get3A_487, %sub3A_490 : vector<16xf32>
          tpu.vector_store_idx %arg6[%add3A_481], %sub3A_491 masked %gt3A_489 : memref<32784xf32, #tpu.memory_space<vmem>>[vector<16xi32>], vector<16xf32>, vector<16xi1>
          %jit3A_492 = arith.constant 16 : i32
          %jit3A_493 = arith.constant 0 : i32
          %broadcast_in_dim3A_494 = vector.broadcast %jit3A_492 : i32 to vector<16xi32>
          %broadcast_in_dim3A_495 = vector.broadcast %jit3A_493 : i32 to vector<16xi32>
          %select_n3A_496 = arith.select %gt3A_489, %broadcast_in_dim3A_494, %broadcast_in_dim3A_495 : vector<16xi1>, vector<16xi32>
          %add3A_497 = arith.addi %add3A_481, %select_n3A_496 : vector<16xi32>
          %mul3A_498 = arith.constant 16 : i32
          %mul3A_499 = arith.muli %add3A_449, %mul3A_498 : i32
          %add3A_500 = arith.constant 48 : i32
          %add3A_501 = arith.addi %mul3A_499, %add3A_500 : i32
          %get3A_502 = arith.index_cast %add3A_501 : i32 to index
          %get3A_503 = tpu.vector_load %arg5[%get3A_502] {strides = array<i32>} : memref<32768xf32, #tpu.memory_space<vmem>>, vector<16xf32>,
          %gt3A_504 = vector.broadcast %sub3A_210 : f32 to vector<16xf32>
          %gt3A_505 = arith.cmpf ogt, %get3A_503, %gt3A_504 : vector<16xf32>
          %sub3A_506 = vector.broadcast %reduce_max3A_208 : f32 to vector<16xf32>
          %sub3A_507 = arith.subf %get3A_503, %sub3A_506 : vector<16xf32>
          tpu.vector_store_idx %arg6[%add3A_497], %sub3A_507 masked %gt3A_505 : memref<32784xf32, #tpu.memory_space<vmem>>[vector<16xi32>], vector<16xf32>, vector<16xi1>
          %jit3A_508 = arith.constant 16 : i32
          %jit3A_509 = arith.constant 0 : i32
          %broadcast_in_dim3A_510 = vector.broadcast %jit3A_508 : i32 to vector<16xi32>
          %broadcast_in_dim3A_511 = vector.broadcast %jit3A_509 : i32 to vector<16xi32>
          %select_n3A_512 = arith.select %gt3A_505, %broadcast_in_dim3A_510, %broadcast_in_dim3A_511 : vector<16xi1>, vector<16xi32>
          %add3A_513 = arith.addi %add3A_497, %select_n3A_512 : vector<16xi32>
          scf.yield %add3A_513 : vector<16xi32>
        }
        %mul3A_422 = arith.constant 4 : i32
        %mul3A_423 = arith.muli %shift_right_arithmetic3A_158, %mul3A_422 : i32
        %add3A_424 = arith.addi %min3A_152, %mul3A_423 : i32
        %while3A_425 = arith.subi %max3A_155, %add3A_424 : i32
        %while3A_426 = arith.addi %add3A_424, %while3A_425 : i32
        %while3A_427 = arith.constant 1 : i32
        %while3A_428 = arith.divsi %while3A_425, %while3A_427 : i32
        %while3A_429 = arith.muli %while3A_428, %while3A_427 : i32
        %while3A_430 = arith.addi %add3A_424, %while3A_429 : i32
        %while3A_431 = arith.constant 1 : i32
        %while3A_432 = scf.for %while3A_445 = %add3A_424 to %while3A_430 step %while3A_431 iter_args(%while3A_446 = %while3A_421) -> (vector<16xi32>)  : i32 {
          %mul3A_447 = arith.constant 16 : i32
          %mul3A_448 = arith.muli %while3A_445, %mul3A_447 : i32
          %get3A_449 = arith.index_cast %mul3A_448 : i32 to index
          %get3A_450 = tpu.vector_load %arg5[%get3A_449] {strides = array<i32>} : memref<32768xf32, #tpu.memory_space<vmem>>, vector<16xf32>,
          %gt3A_451 = vector.broadcast %sub3A_210 : f32 to vector<16xf32>
          %gt3A_452 = arith.cmpf ogt, %get3A_450, %gt3A_451 : vector<16xf32>
          %sub3A_453 = vector.broadcast %reduce_max3A_208 : f32 to vector<16xf32>
          %sub3A_454 = arith.subf %get3A_450, %sub3A_453 : vector<16xf32>
          tpu.vector_store_idx %arg6[%while3A_446], %sub3A_454 masked %gt3A_452 : memref<32784xf32, #tpu.memory_space<vmem>>[vector<16xi32>], vector<16xf32>, vector<16xi1>
          %jit3A_455 = arith.constant 16 : i32
          %jit3A_456 = arith.constant 0 : i32
          %broadcast_in_dim3A_457 = vector.broadcast %jit3A_455 : i32 to vector<16xi32>
          %broadcast_in_dim3A_458 = vector.broadcast %jit3A_456 : i32 to vector<16xi32>
          %select_n3A_459 = arith.select %gt3A_452, %broadcast_in_dim3A_457, %broadcast_in_dim3A_458 : vector<16xi1>, vector<16xi32>
          %add3A_460 = arith.addi %while3A_446, %select_n3A_459 : vector<16xi32>
          scf.yield %add3A_460 : vector<16xi32>
        }
        %while3A_433 = arith.constant 1 : i32
        %while3A_434 = scf.for %while3A_445 = %while3A_430 to %while3A_426 step %while3A_433 iter_args(%while3A_446 = %while3A_432) -> (vector<16xi32>)  : i32 {
          %mul3A_447 = arith.constant 16 : i32
          %mul3A_448 = arith.muli %while3A_445, %mul3A_447 : i32
          %get3A_449 = arith.index_cast %mul3A_448 : i32 to index
          %get3A_450 = tpu.vector_load %arg5[%get3A_449] {strides = array<i32>} : memref<32768xf32, #tpu.memory_space<vmem>>, vector<16xf32>,
          %gt3A_451 = vector.broadcast %sub3A_210 : f32 to vector<16xf32>
          %gt3A_452 = arith.cmpf ogt, %get3A_450, %gt3A_451 : vector<16xf32>
          %sub3A_453 = vector.broadcast %reduce_max3A_208 : f32 to vector<16xf32>
          %sub3A_454 = arith.subf %get3A_450, %sub3A_453 : vector<16xf32>
          tpu.vector_store_idx %arg6[%while3A_446], %sub3A_454 masked %gt3A_452 : memref<32784xf32, #tpu.memory_space<vmem>>[vector<16xi32>], vector<16xf32>, vector<16xi1>
          %jit3A_455 = arith.constant 16 : i32
          %jit3A_456 = arith.constant 0 : i32
          %broadcast_in_dim3A_457 = vector.broadcast %jit3A_455 : i32 to vector<16xi32>
          %broadcast_in_dim3A_458 = vector.broadcast %jit3A_456 : i32 to vector<16xi32>
          %select_n3A_459 = arith.select %gt3A_452, %broadcast_in_dim3A_457, %broadcast_in_dim3A_458 : vector<16xi1>, vector<16xi32>
          %add3A_460 = arith.addi %while3A_446, %select_n3A_459 : vector<16xi32>
          scf.yield %add3A_460 : vector<16xi32>
        }
        %while3A_435 = arith.subi %shift_right_arithmetic3A_149, %max3A_155 : i32
        %while3A_436 = arith.addi %max3A_155, %while3A_435 : i32
        %while3A_437 = arith.constant 1 : i32
        %while3A_438 = arith.divsi %while3A_435, %while3A_437 : i32
        %while3A_439 = arith.muli %while3A_438, %while3A_437 : i32
        %while3A_440 = arith.addi %max3A_155, %while3A_439 : i32
        %while3A_441 = arith.constant 1 : i32
        %while3A_442 = scf.for %while3A_445 = %max3A_155 to %while3A_440 step %while3A_441 iter_args(%while3A_446 = %while3A_434) -> (vector<16xi32>)  : i32 {
          %mul3A_447 = arith.constant 16 : i32
          %mul3A_448 = arith.muli %while3A_445, %mul3A_447 : i32
          %add3A_449 = vector.broadcast %mul3A_448 : i32 to vector<16xi32>
          %add3A_450 = arith.addi %add3A_449, %iota3A : vector<16xi32>
          %mul3A_451 = arith.constant 16 : i32
          %mul3A_452 = arith.muli %while3A_445, %mul3A_451 : i32
          %get3A_453 = arith.index_cast %mul3A_452 : i32 to index
          %get3A_454 = tpu.vector_load %arg5[%get3A_453] {strides = array<i32>} : memref<32768xf32, #tpu.memory_space<vmem>>, vector<16xf32>,
          %ge3A = vector.broadcast %reduce_max3A_130 : i32 to vector<16xi32>
          %ge3A_455 = arith.cmpi sge, %add3A_450, %ge3A : vector<16xi32>
          %lt3A = vector.broadcast %reduce_max3A_143 : i32 to vector<16xi32>
          %lt3A_456 = arith.cmpi slt, %add3A_450, %lt3A : vector<16xi32>
          %and3A = arith.andi %ge3A_455, %lt3A_456 : vector<16xi1>
          %gt3A_457 = vector.broadcast %sub3A_210 : f32 to vector<16xf32>
          %gt3A_458 = arith.cmpf ogt, %get3A_454, %gt3A_457 : vector<16xf32>
          %and3A_459 = arith.andi %and3A, %gt3A_458 : vector<16xi1>
          %sub3A_460 = vector.broadcast %reduce_max3A_208 : f32 to vector<16xf32>
          %sub3A_461 = arith.subf %get3A_454, %sub3A_460 : vector<16xf32>
          tpu.vector_store_idx %arg6[%while3A_446], %sub3A_461 masked %and3A_459 : memref<32784xf32, #tpu.memory_space<vmem>>[vector<16xi32>], vector<16xf32>, vector<16xi1>
          %jit3A_462 = arith.constant 16 : i32
          %jit3A_463 = arith.constant 0 : i32
          %broadcast_in_dim3A_464 = vector.broadcast %jit3A_462 : i32 to vector<16xi32>
          %broadcast_in_dim3A_465 = vector.broadcast %jit3A_463 : i32 to vector<16xi32>
          %select_n3A_466 = arith.select %and3A_459, %broadcast_in_dim3A_464, %broadcast_in_dim3A_465 : vector<16xi1>, vector<16xi32>
          %add3A_467 = arith.addi %while3A_446, %select_n3A_466 : vector<16xi32>
          scf.yield %add3A_467 : vector<16xi32>
        }
        %while3A_443 = arith.constant 1 : i32
        %while3A_444 = scf.for %while3A_445 = %while3A_440 to %while3A_436 step %while3A_443 iter_args(%while3A_446 = %while3A_442) -> (vector<16xi32>)  : i32 {
          %mul3A_447 = arith.constant 16 : i32
          %mul3A_448 = arith.muli %while3A_445, %mul3A_447 : i32
          %add3A_449 = vector.broadcast %mul3A_448 : i32 to vector<16xi32>
          %add3A_450 = arith.addi %add3A_449, %iota3A : vector<16xi32>
          %mul3A_451 = arith.constant 16 : i32
          %mul3A_452 = arith.muli %while3A_445, %mul3A_451 : i32
          %get3A_453 = arith.index_cast %mul3A_452 : i32 to index
          %get3A_454 = tpu.vector_load %arg5[%get3A_453] {strides = array<i32>} : memref<32768xf32, #tpu.memory_space<vmem>>, vector<16xf32>,
          %ge3A = vector.broadcast %reduce_max3A_130 : i32 to vector<16xi32>
          %ge3A_455 = arith.cmpi sge, %add3A_450, %ge3A : vector<16xi32>
          %lt3A = vector.broadcast %reduce_max3A_143 : i32 to vector<16xi32>
          %lt3A_456 = arith.cmpi slt, %add3A_450, %lt3A : vector<16xi32>
          %and3A = arith.andi %ge3A_455, %lt3A_456 : vector<16xi1>
          %gt3A_457 = vector.broadcast %sub3A_210 : f32 to vector<16xf32>
          %gt3A_458 = arith.cmpf ogt, %get3A_454, %gt3A_457 : vector<16xf32>
          %and3A_459 = arith.andi %and3A, %gt3A_458 : vector<16xi1>
          %sub3A_460 = vector.broadcast %reduce_max3A_208 : f32 to vector<16xf32>
          %sub3A_461 = arith.subf %get3A_454, %sub3A_460 : vector<16xf32>
          tpu.vector_store_idx %arg6[%while3A_446], %sub3A_461 masked %and3A_459 : memref<32784xf32, #tpu.memory_space<vmem>>[vector<16xi32>], vector<16xf32>, vector<16xi1>
          %jit3A_462 = arith.constant 16 : i32
          %jit3A_463 = arith.constant 0 : i32
          %broadcast_in_dim3A_464 = vector.broadcast %jit3A_462 : i32 to vector<16xi32>
          %broadcast_in_dim3A_465 = vector.broadcast %jit3A_463 : i32 to vector<16xi32>
          %select_n3A_466 = arith.select %and3A_459, %broadcast_in_dim3A_464, %broadcast_in_dim3A_465 : vector<16xi1>, vector<16xi32>
          %add3A_467 = arith.addi %while3A_446, %select_n3A_466 : vector<16xi32>
          scf.yield %add3A_467 : vector<16xi32>
        }
      } else {
      }
      %get3A_286 = arith.constant 0 : index
      %get3A_287 = tpu.vector_load %arg6[%get3A_286] {strides = array<i32>} : memref<32784xf32, #tpu.memory_space<vmem>>, vector<16xf32>,
      %scan3A = arith.constant -1.000000e+00 : f32
      %scan3A_288 = arith.constant 0.000000e+00 : f32
      %scan3A_289 = arith.constant 0 : i32
      %scan3A_290 = arith.constant 16 : i32
      %scan3A_291 = arith.addi %scan3A_289, %scan3A_290 : i32
      %scan3A_292 = arith.constant 1 : i32
      %scan3A_293:2 = scf.for %scan3A_391 = %scan3A_289 to %scan3A_291 step %scan3A_292 iter_args(%scan3A_392 = %scan3A, %scan3A_393 = %scan3A_288) -> (f32, f32)  : i32 {
        %add3A_394 = arith.addf %scan3A_392, %scan3A_393 : f32
        %mul3A_395 = arith.constant 5.000000e-01 : f32
        %mul3A_396 = arith.mulf %mul3A_395, %add3A_394 : f32
        %sub3A_397 = vector.broadcast %mul3A_396 : f32 to vector<16xf32>
        %sub3A_398 = arith.subf %get3A_287, %sub3A_397 : vector<16xf32>
        %max3A_399 = arith.constant 0.000000e+00 : f32
        %max3A_400 = vector.broadcast %max3A_399 : f32 to vector<16xf32>
        %max3A_401 = arith.maximumf %sub3A_398, %max3A_400 : vector<16xf32>
        %sub3A_402 = arith.constant 1 : i32
        %sub3A_403 = arith.subi %reduce_max3A_283, %sub3A_402 : i32
        %while3A_404 = arith.constant 0 : i32
        %while3A_405 = arith.subi %sub3A_403, %while3A_404 : i32
        %while3A_406 = arith.addi %while3A_404, %while3A_405 : i32
        %while3A_407 = arith.constant 1 : i32
        %while3A_408 = arith.divsi %while3A_405, %while3A_407 : i32
        %while3A_409 = arith.muli %while3A_408, %while3A_407 : i32
        %while3A_410 = arith.addi %while3A_404, %while3A_409 : i32
        %while3A_411 = arith.constant 1 : i32
        %while3A_412 = scf.for %while3A_424 = %while3A_404 to %while3A_410 step %while3A_411 iter_args(%while3A_425 = %max3A_401) -> (vector<16xf32>)  : i32 {
          %mul3A_426 = arith.constant 16 : i32
          %mul3A_427 = arith.muli %while3A_424, %mul3A_426 : i32
          %add3A_428 = arith.constant 16 : i32
          %add3A_429 = arith.addi %mul3A_427, %add3A_428 : i32
          %get3A_430 = arith.index_cast %add3A_429 : i32 to index
          %get3A_431 = tpu.vector_load %arg6[%get3A_430] {strides = array<i32>} : memref<32784xf32, #tpu.memory_space<vmem>>, vector<16xf32>,
          %sub3A_432 = vector.broadcast %mul3A_396 : f32 to vector<16xf32>
          %sub3A_433 = arith.subf %get3A_431, %sub3A_432 : vector<16xf32>
          %max3A_434 = arith.constant 0.000000e+00 : f32
          %max3A_435 = vector.broadcast %max3A_434 : f32 to vector<16xf32>
          %max3A_436 = arith.maximumf %sub3A_433, %max3A_435 : vector<16xf32>
          %add3A_437 = arith.addf %while3A_425, %max3A_436 : vector<16xf32>
          scf.yield %add3A_437 : vector<16xf32>
        }
        %while3A_413 = arith.constant 1 : i32
        %while3A_414 = scf.for %while3A_424 = %while3A_410 to %while3A_406 step %while3A_413 iter_args(%while3A_425 = %while3A_412) -> (vector<16xf32>)  : i32 {
          %mul3A_426 = arith.constant 16 : i32
          %mul3A_427 = arith.muli %while3A_424, %mul3A_426 : i32
          %add3A_428 = arith.constant 16 : i32
          %add3A_429 = arith.addi %mul3A_427, %add3A_428 : i32
          %get3A_430 = arith.index_cast %add3A_429 : i32 to index
          %get3A_431 = tpu.vector_load %arg6[%get3A_430] {strides = array<i32>} : memref<32784xf32, #tpu.memory_space<vmem>>, vector<16xf32>,
          %sub3A_432 = vector.broadcast %mul3A_396 : f32 to vector<16xf32>
          %sub3A_433 = arith.subf %get3A_431, %sub3A_432 : vector<16xf32>
          %max3A_434 = arith.constant 0.000000e+00 : f32
          %max3A_435 = vector.broadcast %max3A_434 : f32 to vector<16xf32>
          %max3A_436 = arith.maximumf %sub3A_433, %max3A_435 : vector<16xf32>
          %add3A_437 = arith.addf %while3A_425, %max3A_436 : vector<16xf32>
          scf.yield %add3A_437 : vector<16xf32>
        }
        %reduce_sum3A_415 = arith.constant true
        %reduce_sum3A_416 = vector.broadcast %reduce_sum3A_415 : i1 to vector<16xi1>
        %reduce_sum3A_417 = tpu.scan <sum>, %while3A_414 masked %reduce_sum3A_416 : vector<16xf32>, vector<16xi1> -> vector<16xf32>
        %reduce_sum3A_418 = vector.extract %reduce_sum3A_417[15] : f32 from vector<16xf32>
        %sub3A_419 = arith.constant 1.000000e+00 : f32
        %sub3A_420 = arith.subf %reduce_sum3A_418, %sub3A_419 : f32
        %ge3A = arith.constant 0.000000e+00 : f32
        %ge3A_421 = arith.cmpf oge, %sub3A_420, %ge3A : f32
        %select_n3A_422 = arith.select %ge3A_421, %mul3A_396, %scan3A_392 : f32
        %select_n3A_423 = arith.select %ge3A_421, %scan3A_393, %mul3A_396 : f32
        scf.yield %select_n3A_422, %select_n3A_423 : f32, f32
      }
      %scan3A_294 = arith.constant 16 : i32
      %gt3A_295 = vector.broadcast %scan3A_293#0 : f32 to vector<16xf32>
      %gt3A_296 = arith.cmpf ogt, %get3A_287, %gt3A_295 : vector<16xf32>
      %sub3A_297 = arith.constant 1 : i32
      %sub3A_298 = arith.subi %reduce_max3A_283, %sub3A_297 : i32
      %convert_element_type3A_299 = arith.extui %gt3A_296 : vector<16xi1> to vector<16xi32>
      %jit3A_300 = arith.constant 0.000000e+00 : f32
      %broadcast_in_dim3A_301 = vector.broadcast %jit3A_300 : f32 to vector<16xf32>
      %select_n3A_302 = arith.select %gt3A_296, %get3A_287, %broadcast_in_dim3A_301 : vector<16xi1>, vector<16xf32>
      %while3A_303 = arith.constant 0 : i32
      %while3A_304 = arith.subi %sub3A_298, %while3A_303 : i32
      %while3A_305 = arith.addi %while3A_303, %while3A_304 : i32
      %while3A_306 = arith.constant 1 : i32
      %while3A_307 = arith.divsi %while3A_304, %while3A_306 : i32
      %while3A_308 = arith.muli %while3A_307, %while3A_306 : i32
      %while3A_309 = arith.addi %while3A_303, %while3A_308 : i32
      %while3A_310 = arith.constant 1 : i32
      %while3A_311:2 = scf.for %while3A_391 = %while3A_303 to %while3A_309 step %while3A_310 iter_args(%while3A_392 = %convert_element_type3A_299, %while3A_393 = %select_n3A_302) -> (vector<16xi32>, vector<16xf32>)  : i32 {
        %mul3A_394 = arith.constant 16 : i32
        %mul3A_395 = arith.muli %while3A_391, %mul3A_394 : i32
        %add3A_396 = arith.constant 16 : i32
        %add3A_397 = arith.addi %mul3A_395, %add3A_396 : i32
        %get3A_398 = arith.index_cast %add3A_397 : i32 to index
        %get3A_399 = tpu.vector_load %arg6[%get3A_398] {strides = array<i32>} : memref<32784xf32, #tpu.memory_space<vmem>>, vector<16xf32>,
        %gt3A_400 = vector.broadcast %scan3A_293#0 : f32 to vector<16xf32>
        %gt3A_401 = arith.cmpf ogt, %get3A_399, %gt3A_400 : vector<16xf32>
        %convert_element_type3A_402 = arith.extui %gt3A_401 : vector<16xi1> to vector<16xi32>
        %add3A_403 = arith.addi %while3A_392, %convert_element_type3A_402 : vector<16xi32>
        %jit3A_404 = arith.constant 0.000000e+00 : f32
        %broadcast_in_dim3A_405 = vector.broadcast %jit3A_404 : f32 to vector<16xf32>
        %select_n3A_406 = arith.select %gt3A_401, %get3A_399, %broadcast_in_dim3A_405 : vector<16xi1>, vector<16xf32>
        %add3A_407 = arith.addf %while3A_393, %select_n3A_406 : vector<16xf32>
        scf.yield %add3A_403, %add3A_407 : vector<16xi32>, vector<16xf32>
      }
      %while3A_312 = arith.constant 1 : i32
      %while3A_313:2 = scf.for %while3A_391 = %while3A_309 to %while3A_305 step %while3A_312 iter_args(%while3A_392 = %while3A_311#0, %while3A_393 = %while3A_311#1) -> (vector<16xi32>, vector<16xf32>)  : i32 {
        %mul3A_394 = arith.constant 16 : i32
        %mul3A_395 = arith.muli %while3A_391, %mul3A_394 : i32
        %add3A_396 = arith.constant 16 : i32
        %add3A_397 = arith.addi %mul3A_395, %add3A_396 : i32
        %get3A_398 = arith.index_cast %add3A_397 : i32 to index
        %get3A_399 = tpu.vector_load %arg6[%get3A_398] {strides = array<i32>} : memref<32784xf32, #tpu.memory_space<vmem>>, vector<16xf32>,
        %gt3A_400 = vector.broadcast %scan3A_293#0 : f32 to vector<16xf32>
        %gt3A_401 = arith.cmpf ogt, %get3A_399, %gt3A_400 : vector<16xf32>
        %convert_element_type3A_402 = arith.extui %gt3A_401 : vector<16xi1> to vector<16xi32>
        %add3A_403 = arith.addi %while3A_392, %convert_element_type3A_402 : vector<16xi32>
        %jit3A_404 = arith.constant 0.000000e+00 : f32
        %broadcast_in_dim3A_405 = vector.broadcast %jit3A_404 : f32 to vector<16xf32>
        %select_n3A_406 = arith.select %gt3A_401, %get3A_399, %broadcast_in_dim3A_405 : vector<16xi1>, vector<16xf32>
        %add3A_407 = arith.addf %while3A_393, %select_n3A_406 : vector<16xf32>
        scf.yield %add3A_403, %add3A_407 : vector<16xi32>, vector<16xf32>
      }
      %reduce_sum3A_314 = arith.constant true
      %reduce_sum3A_315 = vector.broadcast %reduce_sum3A_314 : i1 to vector<16xi1>
      %reduce_sum3A_316 = tpu.scan <sum>, %while3A_313#0 masked %reduce_sum3A_315 : vector<16xi32>, vector<16xi1> -> vector<16xi32>
      %reduce_sum3A_317 = vector.extract %reduce_sum3A_316[15] : i32 from vector<16xi32>
      %reduce_sum3A_318 = arith.constant true
      %reduce_sum3A_319 = vector.broadcast %reduce_sum3A_318 : i1 to vector<16xi1>
      %reduce_sum3A_320 = tpu.scan <sum>, %while3A_313#1 masked %reduce_sum3A_319 : vector<16xf32>, vector<16xi1> -> vector<16xf32>
      %reduce_sum3A_321 = vector.extract %reduce_sum3A_320[15] : f32 from vector<16xf32>
      %max3A_322 = arith.constant 1 : i32
      %max3A_323 = arith.maxsi %reduce_sum3A_317, %max3A_322 : i32
      %convert_element_type3A_324 = arith.sitofp %max3A_323 : i32 to f32
      %broadcast_in_dim3A_325 = vector.broadcast %reduce_sum3A_321 : f32 to vector<16xf32>
      %sub3A_326 = arith.constant 1.000000e+00 : f32
      %sub3A_327 = vector.broadcast %sub3A_326 : f32 to vector<16xf32>
      %sub3A_328 = arith.subf %broadcast_in_dim3A_325, %sub3A_327 : vector<16xf32>
      %broadcast_in_dim3A_329 = vector.broadcast %convert_element_type3A_324 : f32 to vector<16xf32>
      %div3A = arith.divf %sub3A_328, %broadcast_in_dim3A_329 : vector<16xf32>
      %add3A_330 = vector.broadcast %reduce_max3A_208 : f32 to vector<16xf32>
      %add3A_331 = arith.addf %add3A_330, %div3A : vector<16xf32>
      %max3A_332 = arith.maxsi %reduce_max3A_130, %mul3A_2 : i32
      %add3A_333 = arith.constant 1024 : i32
      %add3A_334 = arith.addi %mul3A_2, %add3A_333 : i32
      %min3A_335 = arith.minsi %reduce_max3A_143, %add3A_334 : i32
      %shift_right_arithmetic3A_336 = arith.constant 4 : i32
      %shift_right_arithmetic3A_337 = arith.shrsi %max3A_332, %shift_right_arithmetic3A_336 : i32
      %add3A_338 = arith.constant 15 : i32
      %add3A_339 = arith.addi %min3A_335, %add3A_338 : i32
      %shift_right_arithmetic3A_340 = arith.constant 4 : i32
      %shift_right_arithmetic3A_341 = arith.shrsi %add3A_339, %shift_right_arithmetic3A_340 : i32
      %add3A_342 = arith.constant 1 : i32
      %add3A_343 = arith.addi %shift_right_arithmetic3A_337, %add3A_342 : i32
      %min3A_344 = arith.minsi %add3A_343, %shift_right_arithmetic3A_341 : i32
      %sub3A_345 = arith.constant 1 : i32
      %sub3A_346 = arith.subi %shift_right_arithmetic3A_341, %sub3A_345 : i32
      %max3A_347 = arith.maxsi %sub3A_346, %min3A_344 : i32
      %sub3A_348 = arith.subi %max3A_347, %min3A_344 : i32
      %shift_right_arithmetic3A_349 = arith.constant 2 : i32
      %shift_right_arithmetic3A_350 = arith.shrsi %sub3A_348, %shift_right_arithmetic3A_349 : i32
      %while3A_351 = arith.constant 0 : i32
      %while3A_352 = arith.subi %min3A_344, %shift_right_arithmetic3A_337 : i32
      %while3A_353 = arith.addi %shift_right_arithmetic3A_337, %while3A_352 : i32
      %while3A_354 = arith.constant 1 : i32
      %while3A_355 = arith.divsi %while3A_352, %while3A_354 : i32
      %while3A_356 = arith.muli %while3A_355, %while3A_354 : i32
      %while3A_357 = arith.addi %shift_right_arithmetic3A_337, %while3A_356 : i32
      %while3A_358 = arith.constant 1 : i32
      scf.for %while3A_391 = %shift_right_arithmetic3A_337 to %while3A_357 step %while3A_358  : i32 {
        %mul3A_392 = arith.constant 16 : i32
        %mul3A_393 = arith.muli %while3A_391, %mul3A_392 : i32
        %add3A_394 = vector.broadcast %mul3A_393 : i32 to vector<16xi32>
        %add3A_395 = arith.addi %add3A_394, %iota3A : vector<16xi32>
        %mul3A_396 = arith.constant 16 : i32
        %mul3A_397 = arith.muli %while3A_391, %mul3A_396 : i32
        %get3A_398 = arith.index_cast %mul3A_397 : i32 to index
        %get3A_399 = tpu.vector_load %arg5[%get3A_398] {strides = array<i32>} : memref<32768xf32, #tpu.memory_space<vmem>>, vector<16xf32>,
        %ge3A = vector.broadcast %max3A_332 : i32 to vector<16xi32>
        %ge3A_400 = arith.cmpi sge, %add3A_395, %ge3A : vector<16xi32>
        %lt3A = vector.broadcast %min3A_335 : i32 to vector<16xi32>
        %lt3A_401 = arith.cmpi slt, %add3A_395, %lt3A : vector<16xi32>
        %and3A = arith.andi %ge3A_400, %lt3A_401 : vector<16xi1>
        %mul3A_402 = arith.constant 16 : i32
        %mul3A_403 = arith.muli %while3A_391, %mul3A_402 : i32
        %sub3A_404 = arith.subi %mul3A_403, %mul3A_2 : i32
        %get3A_405 = arith.index_cast %sub3A_404 : i32 to index
        %get3A_406 = tpu.vector_load %arg7[%get3A_405] {strides = array<i32>} : memref<1024xf32, #tpu.memory_space<vmem>>, vector<16xf32>,
        %sub3A_407 = arith.subf %get3A_399, %add3A_331 : vector<16xf32>
        %max3A_408 = arith.constant 0.000000e+00 : f32
        %max3A_409 = vector.broadcast %max3A_408 : f32 to vector<16xf32>
        %max3A_410 = arith.maximumf %sub3A_407, %max3A_409 : vector<16xf32>
        %select_n3A_411 = arith.select %and3A, %max3A_410, %get3A_406 : vector<16xi1>, vector<16xf32>
        %mul3A_412 = arith.constant 16 : i32
        %mul3A_413 = arith.muli %while3A_391, %mul3A_412 : i32
        %sub3A_414 = arith.subi %mul3A_413, %mul3A_2 : i32
        %swap3A_415 = arith.index_cast %sub3A_414 : i32 to index
        %swap3A_416 = tpu.vector_load %arg7[%swap3A_415] {strides = array<i32>} : memref<1024xf32, #tpu.memory_space<vmem>>, vector<16xf32>,
        tpu.vector_store %arg7[%swap3A_415], %select_n3A_411 {strides = array<i32>} : memref<1024xf32, #tpu.memory_space<vmem>>, vector<16xf32>,
      }
      %while3A_359 = arith.constant 1 : i32
      scf.for %while3A_391 = %while3A_357 to %while3A_353 step %while3A_359  : i32 {
        %mul3A_392 = arith.constant 16 : i32
        %mul3A_393 = arith.muli %while3A_391, %mul3A_392 : i32
        %add3A_394 = vector.broadcast %mul3A_393 : i32 to vector<16xi32>
        %add3A_395 = arith.addi %add3A_394, %iota3A : vector<16xi32>
        %mul3A_396 = arith.constant 16 : i32
        %mul3A_397 = arith.muli %while3A_391, %mul3A_396 : i32
        %get3A_398 = arith.index_cast %mul3A_397 : i32 to index
        %get3A_399 = tpu.vector_load %arg5[%get3A_398] {strides = array<i32>} : memref<32768xf32, #tpu.memory_space<vmem>>, vector<16xf32>,
        %ge3A = vector.broadcast %max3A_332 : i32 to vector<16xi32>
        %ge3A_400 = arith.cmpi sge, %add3A_395, %ge3A : vector<16xi32>
        %lt3A = vector.broadcast %min3A_335 : i32 to vector<16xi32>
        %lt3A_401 = arith.cmpi slt, %add3A_395, %lt3A : vector<16xi32>
        %and3A = arith.andi %ge3A_400, %lt3A_401 : vector<16xi1>
        %mul3A_402 = arith.constant 16 : i32
        %mul3A_403 = arith.muli %while3A_391, %mul3A_402 : i32
        %sub3A_404 = arith.subi %mul3A_403, %mul3A_2 : i32
        %get3A_405 = arith.index_cast %sub3A_404 : i32 to index
        %get3A_406 = tpu.vector_load %arg7[%get3A_405] {strides = array<i32>} : memref<1024xf32, #tpu.memory_space<vmem>>, vector<16xf32>,
        %sub3A_407 = arith.subf %get3A_399, %add3A_331 : vector<16xf32>
        %max3A_408 = arith.constant 0.000000e+00 : f32
        %max3A_409 = vector.broadcast %max3A_408 : f32 to vector<16xf32>
        %max3A_410 = arith.maximumf %sub3A_407, %max3A_409 : vector<16xf32>
        %select_n3A_411 = arith.select %and3A, %max3A_410, %get3A_406 : vector<16xi1>, vector<16xf32>
        %mul3A_412 = arith.constant 16 : i32
        %mul3A_413 = arith.muli %while3A_391, %mul3A_412 : i32
        %sub3A_414 = arith.subi %mul3A_413, %mul3A_2 : i32
        %swap3A_415 = arith.index_cast %sub3A_414 : i32 to index
        %swap3A_416 = tpu.vector_load %arg7[%swap3A_415] {strides = array<i32>} : memref<1024xf32, #tpu.memory_space<vmem>>, vector<16xf32>,
        tpu.vector_store %arg7[%swap3A_415], %select_n3A_411 {strides = array<i32>} : memref<1024xf32, #tpu.memory_space<vmem>>, vector<16xf32>,
      }
      %while3A_360 = arith.constant 0 : i32
      %while3A_361 = arith.constant 0 : i32
      %while3A_362 = arith.subi %shift_right_arithmetic3A_350, %while3A_361 : i32
      %while3A_363 = arith.addi %while3A_361, %while3A_362 : i32
      %while3A_364 = arith.constant 1 : i32
      %while3A_365 = arith.divsi %while3A_362, %while3A_364 : i32
      %while3A_366 = arith.muli %while3A_365, %while3A_364 : i32
      %while3A_367 = arith.addi %while3A_361, %while3A_366 : i32
      %while3A_368 = arith.constant 1 : i32
      scf.for %while3A_391 = %while3A_361 to %while3A_367 step %while3A_368  : i32 {
        %mul3A_392 = arith.constant 4 : i32
        %mul3A_393 = arith.muli %while3A_391, %mul3A_392 : i32
        %add3A_394 = arith.addi %min3A_344, %mul3A_393 : i32
        %mul3A_395 = arith.constant 16 : i32
        %mul3A_396 = arith.muli %add3A_394, %mul3A_395 : i32
        %add3A_397 = arith.constant 0 : i32
        %add3A_398 = arith.addi %mul3A_396, %add3A_397 : i32
        %get3A_399 = arith.index_cast %add3A_398 : i32 to index
        %get3A_400 = tpu.vector_load %arg5[%get3A_399] {strides = array<i32>} : memref<32768xf32, #tpu.memory_space<vmem>>, vector<16xf32>,
        %sub3A_401 = arith.subf %get3A_400, %add3A_331 : vector<16xf32>
        %max3A_402 = arith.constant 0.000000e+00 : f32
        %max3A_403 = vector.broadcast %max3A_402 : f32 to vector<16xf32>
        %max3A_404 = arith.maximumf %sub3A_401, %max3A_403 : vector<16xf32>
        %mul3A_405 = arith.constant 16 : i32
        %mul3A_406 = arith.muli %add3A_394, %mul3A_405 : i32
        %add3A_407 = arith.constant 0 : i32
        %add3A_408 = arith.addi %mul3A_406, %add3A_407 : i32
        %sub3A_409 = arith.subi %add3A_408, %mul3A_2 : i32
        %swap3A_410 = arith.index_cast %sub3A_409 : i32 to index
        %swap3A_411 = tpu.vector_load %arg7[%swap3A_410] {strides = array<i32>} : memref<1024xf32, #tpu.memory_space<vmem>>, vector<16xf32>,
        tpu.vector_store %arg7[%swap3A_410], %max3A_404 {strides = array<i32>} : memref<1024xf32, #tpu.memory_space<vmem>>, vector<16xf32>,
        %mul3A_412 = arith.constant 16 : i32
        %mul3A_413 = arith.muli %add3A_394, %mul3A_412 : i32
        %add3A_414 = arith.constant 16 : i32
        %add3A_415 = arith.addi %mul3A_413, %add3A_414 : i32
        %get3A_416 = arith.index_cast %add3A_415 : i32 to index
        %get3A_417 = tpu.vector_load %arg5[%get3A_416] {strides = array<i32>} : memref<32768xf32, #tpu.memory_space<vmem>>, vector<16xf32>,
        %sub3A_418 = arith.subf %get3A_417, %add3A_331 : vector<16xf32>
        %max3A_419 = arith.constant 0.000000e+00 : f32
        %max3A_420 = vector.broadcast %max3A_419 : f32 to vector<16xf32>
        %max3A_421 = arith.maximumf %sub3A_418, %max3A_420 : vector<16xf32>
        %mul3A_422 = arith.constant 16 : i32
        %mul3A_423 = arith.muli %add3A_394, %mul3A_422 : i32
        %add3A_424 = arith.constant 16 : i32
        %add3A_425 = arith.addi %mul3A_423, %add3A_424 : i32
        %sub3A_426 = arith.subi %add3A_425, %mul3A_2 : i32
        %swap3A_427 = arith.index_cast %sub3A_426 : i32 to index
        %swap3A_428 = tpu.vector_load %arg7[%swap3A_427] {strides = array<i32>} : memref<1024xf32, #tpu.memory_space<vmem>>, vector<16xf32>,
        tpu.vector_store %arg7[%swap3A_427], %max3A_421 {strides = array<i32>} : memref<1024xf32, #tpu.memory_space<vmem>>, vector<16xf32>,
        %mul3A_429 = arith.constant 16 : i32
        %mul3A_430 = arith.muli %add3A_394, %mul3A_429 : i32
        %add3A_431 = arith.constant 32 : i32
        %add3A_432 = arith.addi %mul3A_430, %add3A_431 : i32
        %get3A_433 = arith.index_cast %add3A_432 : i32 to index
        %get3A_434 = tpu.vector_load %arg5[%get3A_433] {strides = array<i32>} : memref<32768xf32, #tpu.memory_space<vmem>>, vector<16xf32>,
        %sub3A_435 = arith.subf %get3A_434, %add3A_331 : vector<16xf32>
        %max3A_436 = arith.constant 0.000000e+00 : f32
        %max3A_437 = vector.broadcast %max3A_436 : f32 to vector<16xf32>
        %max3A_438 = arith.maximumf %sub3A_435, %max3A_437 : vector<16xf32>
        %mul3A_439 = arith.constant 16 : i32
        %mul3A_440 = arith.muli %add3A_394, %mul3A_439 : i32
        %add3A_441 = arith.constant 32 : i32
        %add3A_442 = arith.addi %mul3A_440, %add3A_441 : i32
        %sub3A_443 = arith.subi %add3A_442, %mul3A_2 : i32
        %swap3A_444 = arith.index_cast %sub3A_443 : i32 to index
        %swap3A_445 = tpu.vector_load %arg7[%swap3A_444] {strides = array<i32>} : memref<1024xf32, #tpu.memory_space<vmem>>, vector<16xf32>,
        tpu.vector_store %arg7[%swap3A_444], %max3A_438 {strides = array<i32>} : memref<1024xf32, #tpu.memory_space<vmem>>, vector<16xf32>,
        %mul3A_446 = arith.constant 16 : i32
        %mul3A_447 = arith.muli %add3A_394, %mul3A_446 : i32
        %add3A_448 = arith.constant 48 : i32
        %add3A_449 = arith.addi %mul3A_447, %add3A_448 : i32
        %get3A_450 = arith.index_cast %add3A_449 : i32 to index
        %get3A_451 = tpu.vector_load %arg5[%get3A_450] {strides = array<i32>} : memref<32768xf32, #tpu.memory_space<vmem>>, vector<16xf32>,
        %sub3A_452 = arith.subf %get3A_451, %add3A_331 : vector<16xf32>
        %max3A_453 = arith.constant 0.000000e+00 : f32
        %max3A_454 = vector.broadcast %max3A_453 : f32 to vector<16xf32>
        %max3A_455 = arith.maximumf %sub3A_452, %max3A_454 : vector<16xf32>
        %mul3A_456 = arith.constant 16 : i32
        %mul3A_457 = arith.muli %add3A_394, %mul3A_456 : i32
        %add3A_458 = arith.constant 48 : i32
        %add3A_459 = arith.addi %mul3A_457, %add3A_458 : i32
        %sub3A_460 = arith.subi %add3A_459, %mul3A_2 : i32
        %swap3A_461 = arith.index_cast %sub3A_460 : i32 to index
        %swap3A_462 = tpu.vector_load %arg7[%swap3A_461] {strides = array<i32>} : memref<1024xf32, #tpu.memory_space<vmem>>, vector<16xf32>,
        tpu.vector_store %arg7[%swap3A_461], %max3A_455 {strides = array<i32>} : memref<1024xf32, #tpu.memory_space<vmem>>, vector<16xf32>,
      }
      %while3A_369 = arith.constant 1 : i32
      scf.for %while3A_391 = %while3A_367 to %while3A_363 step %while3A_369  : i32 {
        %mul3A_392 = arith.constant 4 : i32
        %mul3A_393 = arith.muli %while3A_391, %mul3A_392 : i32
        %add3A_394 = arith.addi %min3A_344, %mul3A_393 : i32
        %mul3A_395 = arith.constant 16 : i32
        %mul3A_396 = arith.muli %add3A_394, %mul3A_395 : i32
        %add3A_397 = arith.constant 0 : i32
        %add3A_398 = arith.addi %mul3A_396, %add3A_397 : i32
        %get3A_399 = arith.index_cast %add3A_398 : i32 to index
        %get3A_400 = tpu.vector_load %arg5[%get3A_399] {strides = array<i32>} : memref<32768xf32, #tpu.memory_space<vmem>>, vector<16xf32>,
        %sub3A_401 = arith.subf %get3A_400, %add3A_331 : vector<16xf32>
        %max3A_402 = arith.constant 0.000000e+00 : f32
        %max3A_403 = vector.broadcast %max3A_402 : f32 to vector<16xf32>
        %max3A_404 = arith.maximumf %sub3A_401, %max3A_403 : vector<16xf32>
        %mul3A_405 = arith.constant 16 : i32
        %mul3A_406 = arith.muli %add3A_394, %mul3A_405 : i32
        %add3A_407 = arith.constant 0 : i32
        %add3A_408 = arith.addi %mul3A_406, %add3A_407 : i32
        %sub3A_409 = arith.subi %add3A_408, %mul3A_2 : i32
        %swap3A_410 = arith.index_cast %sub3A_409 : i32 to index
        %swap3A_411 = tpu.vector_load %arg7[%swap3A_410] {strides = array<i32>} : memref<1024xf32, #tpu.memory_space<vmem>>, vector<16xf32>,
        tpu.vector_store %arg7[%swap3A_410], %max3A_404 {strides = array<i32>} : memref<1024xf32, #tpu.memory_space<vmem>>, vector<16xf32>,
        %mul3A_412 = arith.constant 16 : i32
        %mul3A_413 = arith.muli %add3A_394, %mul3A_412 : i32
        %add3A_414 = arith.constant 16 : i32
        %add3A_415 = arith.addi %mul3A_413, %add3A_414 : i32
        %get3A_416 = arith.index_cast %add3A_415 : i32 to index
        %get3A_417 = tpu.vector_load %arg5[%get3A_416] {strides = array<i32>} : memref<32768xf32, #tpu.memory_space<vmem>>, vector<16xf32>,
        %sub3A_418 = arith.subf %get3A_417, %add3A_331 : vector<16xf32>
        %max3A_419 = arith.constant 0.000000e+00 : f32
        %max3A_420 = vector.broadcast %max3A_419 : f32 to vector<16xf32>
        %max3A_421 = arith.maximumf %sub3A_418, %max3A_420 : vector<16xf32>
        %mul3A_422 = arith.constant 16 : i32
        %mul3A_423 = arith.muli %add3A_394, %mul3A_422 : i32
        %add3A_424 = arith.constant 16 : i32
        %add3A_425 = arith.addi %mul3A_423, %add3A_424 : i32
        %sub3A_426 = arith.subi %add3A_425, %mul3A_2 : i32
        %swap3A_427 = arith.index_cast %sub3A_426 : i32 to index
        %swap3A_428 = tpu.vector_load %arg7[%swap3A_427] {strides = array<i32>} : memref<1024xf32, #tpu.memory_space<vmem>>, vector<16xf32>,
        tpu.vector_store %arg7[%swap3A_427], %max3A_421 {strides = array<i32>} : memref<1024xf32, #tpu.memory_space<vmem>>, vector<16xf32>,
        %mul3A_429 = arith.constant 16 : i32
        %mul3A_430 = arith.muli %add3A_394, %mul3A_429 : i32
        %add3A_431 = arith.constant 32 : i32
        %add3A_432 = arith.addi %mul3A_430, %add3A_431 : i32
        %get3A_433 = arith.index_cast %add3A_432 : i32 to index
        %get3A_434 = tpu.vector_load %arg5[%get3A_433] {strides = array<i32>} : memref<32768xf32, #tpu.memory_space<vmem>>, vector<16xf32>,
        %sub3A_435 = arith.subf %get3A_434, %add3A_331 : vector<16xf32>
        %max3A_436 = arith.constant 0.000000e+00 : f32
        %max3A_437 = vector.broadcast %max3A_436 : f32 to vector<16xf32>
        %max3A_438 = arith.maximumf %sub3A_435, %max3A_437 : vector<16xf32>
        %mul3A_439 = arith.constant 16 : i32
        %mul3A_440 = arith.muli %add3A_394, %mul3A_439 : i32
        %add3A_441 = arith.constant 32 : i32
        %add3A_442 = arith.addi %mul3A_440, %add3A_441 : i32
        %sub3A_443 = arith.subi %add3A_442, %mul3A_2 : i32
        %swap3A_444 = arith.index_cast %sub3A_443 : i32 to index
        %swap3A_445 = tpu.vector_load %arg7[%swap3A_444] {strides = array<i32>} : memref<1024xf32, #tpu.memory_space<vmem>>, vector<16xf32>,
        tpu.vector_store %arg7[%swap3A_444], %max3A_438 {strides = array<i32>} : memref<1024xf32, #tpu.memory_space<vmem>>, vector<16xf32>,
        %mul3A_446 = arith.constant 16 : i32
        %mul3A_447 = arith.muli %add3A_394, %mul3A_446 : i32
        %add3A_448 = arith.constant 48 : i32
        %add3A_449 = arith.addi %mul3A_447, %add3A_448 : i32
        %get3A_450 = arith.index_cast %add3A_449 : i32 to index
        %get3A_451 = tpu.vector_load %arg5[%get3A_450] {strides = array<i32>} : memref<32768xf32, #tpu.memory_space<vmem>>, vector<16xf32>,
        %sub3A_452 = arith.subf %get3A_451, %add3A_331 : vector<16xf32>
        %max3A_453 = arith.constant 0.000000e+00 : f32
        %max3A_454 = vector.broadcast %max3A_453 : f32 to vector<16xf32>
        %max3A_455 = arith.maximumf %sub3A_452, %max3A_454 : vector<16xf32>
        %mul3A_456 = arith.constant 16 : i32
        %mul3A_457 = arith.muli %add3A_394, %mul3A_456 : i32
        %add3A_458 = arith.constant 48 : i32
        %add3A_459 = arith.addi %mul3A_457, %add3A_458 : i32
        %sub3A_460 = arith.subi %add3A_459, %mul3A_2 : i32
        %swap3A_461 = arith.index_cast %sub3A_460 : i32 to index
        %swap3A_462 = tpu.vector_load %arg7[%swap3A_461] {strides = array<i32>} : memref<1024xf32, #tpu.memory_space<vmem>>, vector<16xf32>,
        tpu.vector_store %arg7[%swap3A_461], %max3A_455 {strides = array<i32>} : memref<1024xf32, #tpu.memory_space<vmem>>, vector<16xf32>,
      }
      %mul3A_370 = arith.constant 4 : i32
      %mul3A_371 = arith.muli %shift_right_arithmetic3A_350, %mul3A_370 : i32
      %add3A_372 = arith.addi %min3A_344, %mul3A_371 : i32
      %while3A_373 = arith.constant 0 : i32
      %while3A_374 = arith.subi %max3A_347, %add3A_372 : i32
      %while3A_375 = arith.addi %add3A_372, %while3A_374 : i32
      %while3A_376 = arith.constant 1 : i32
      %while3A_377 = arith.divsi %while3A_374, %while3A_376 : i32
      %while3A_378 = arith.muli %while3A_377, %while3A_376 : i32
      %while3A_379 = arith.addi %add3A_372, %while3A_378 : i32
      %while3A_380 = arith.constant 1 : i32
      scf.for %while3A_391 = %add3A_372 to %while3A_379 step %while3A_380  : i32 {
        %mul3A_392 = arith.constant 16 : i32
        %mul3A_393 = arith.muli %while3A_391, %mul3A_392 : i32
        %get3A_394 = arith.index_cast %mul3A_393 : i32 to index
        %get3A_395 = tpu.vector_load %arg5[%get3A_394] {strides = array<i32>} : memref<32768xf32, #tpu.memory_space<vmem>>, vector<16xf32>,
        %sub3A_396 = arith.subf %get3A_395, %add3A_331 : vector<16xf32>
        %max3A_397 = arith.constant 0.000000e+00 : f32
        %max3A_398 = vector.broadcast %max3A_397 : f32 to vector<16xf32>
        %max3A_399 = arith.maximumf %sub3A_396, %max3A_398 : vector<16xf32>
        %mul3A_400 = arith.constant 16 : i32
        %mul3A_401 = arith.muli %while3A_391, %mul3A_400 : i32
        %sub3A_402 = arith.subi %mul3A_401, %mul3A_2 : i32
        %swap3A_403 = arith.index_cast %sub3A_402 : i32 to index
        %swap3A_404 = tpu.vector_load %arg7[%swap3A_403] {strides = array<i32>} : memref<1024xf32, #tpu.memory_space<vmem>>, vector<16xf32>,
        tpu.vector_store %arg7[%swap3A_403], %max3A_399 {strides = array<i32>} : memref<1024xf32, #tpu.memory_space<vmem>>, vector<16xf32>,
      }
      %while3A_381 = arith.constant 1 : i32
      scf.for %while3A_391 = %while3A_379 to %while3A_375 step %while3A_381  : i32 {
        %mul3A_392 = arith.constant 16 : i32
        %mul3A_393 = arith.muli %while3A_391, %mul3A_392 : i32
        %get3A_394 = arith.index_cast %mul3A_393 : i32 to index
        %get3A_395 = tpu.vector_load %arg5[%get3A_394] {strides = array<i32>} : memref<32768xf32, #tpu.memory_space<vmem>>, vector<16xf32>,
        %sub3A_396 = arith.subf %get3A_395, %add3A_331 : vector<16xf32>
        %max3A_397 = arith.constant 0.000000e+00 : f32
        %max3A_398 = vector.broadcast %max3A_397 : f32 to vector<16xf32>
        %max3A_399 = arith.maximumf %sub3A_396, %max3A_398 : vector<16xf32>
        %mul3A_400 = arith.constant 16 : i32
        %mul3A_401 = arith.muli %while3A_391, %mul3A_400 : i32
        %sub3A_402 = arith.subi %mul3A_401, %mul3A_2 : i32
        %swap3A_403 = arith.index_cast %sub3A_402 : i32 to index
        %swap3A_404 = tpu.vector_load %arg7[%swap3A_403] {strides = array<i32>} : memref<1024xf32, #tpu.memory_space<vmem>>, vector<16xf32>,
        tpu.vector_store %arg7[%swap3A_403], %max3A_399 {strides = array<i32>} : memref<1024xf32, #tpu.memory_space<vmem>>, vector<16xf32>,
      }
      %while3A_382 = arith.constant 0 : i32
      %while3A_383 = arith.subi %shift_right_arithmetic3A_341, %max3A_347 : i32
      %while3A_384 = arith.addi %max3A_347, %while3A_383 : i32
      %while3A_385 = arith.constant 1 : i32
      %while3A_386 = arith.divsi %while3A_383, %while3A_385 : i32
      %while3A_387 = arith.muli %while3A_386, %while3A_385 : i32
      %while3A_388 = arith.addi %max3A_347, %while3A_387 : i32
      %while3A_389 = arith.constant 1 : i32
      scf.for %while3A_391 = %max3A_347 to %while3A_388 step %while3A_389  : i32 {
        %mul3A_392 = arith.constant 16 : i32
        %mul3A_393 = arith.muli %while3A_391, %mul3A_392 : i32
        %add3A_394 = vector.broadcast %mul3A_393 : i32 to vector<16xi32>
        %add3A_395 = arith.addi %add3A_394, %iota3A : vector<16xi32>
        %mul3A_396 = arith.constant 16 : i32
        %mul3A_397 = arith.muli %while3A_391, %mul3A_396 : i32
        %get3A_398 = arith.index_cast %mul3A_397 : i32 to index
        %get3A_399 = tpu.vector_load %arg5[%get3A_398] {strides = array<i32>} : memref<32768xf32, #tpu.memory_space<vmem>>, vector<16xf32>,
        %ge3A = vector.broadcast %max3A_332 : i32 to vector<16xi32>
        %ge3A_400 = arith.cmpi sge, %add3A_395, %ge3A : vector<16xi32>
        %lt3A = vector.broadcast %min3A_335 : i32 to vector<16xi32>
        %lt3A_401 = arith.cmpi slt, %add3A_395, %lt3A : vector<16xi32>
        %and3A = arith.andi %ge3A_400, %lt3A_401 : vector<16xi1>
        %mul3A_402 = arith.constant 16 : i32
        %mul3A_403 = arith.muli %while3A_391, %mul3A_402 : i32
        %sub3A_404 = arith.subi %mul3A_403, %mul3A_2 : i32
        %get3A_405 = arith.index_cast %sub3A_404 : i32 to index
        %get3A_406 = tpu.vector_load %arg7[%get3A_405] {strides = array<i32>} : memref<1024xf32, #tpu.memory_space<vmem>>, vector<16xf32>,
        %sub3A_407 = arith.subf %get3A_399, %add3A_331 : vector<16xf32>
        %max3A_408 = arith.constant 0.000000e+00 : f32
        %max3A_409 = vector.broadcast %max3A_408 : f32 to vector<16xf32>
        %max3A_410 = arith.maximumf %sub3A_407, %max3A_409 : vector<16xf32>
        %select_n3A_411 = arith.select %and3A, %max3A_410, %get3A_406 : vector<16xi1>, vector<16xf32>
        %mul3A_412 = arith.constant 16 : i32
        %mul3A_413 = arith.muli %while3A_391, %mul3A_412 : i32
        %sub3A_414 = arith.subi %mul3A_413, %mul3A_2 : i32
        %swap3A_415 = arith.index_cast %sub3A_414 : i32 to index
        %swap3A_416 = tpu.vector_load %arg7[%swap3A_415] {strides = array<i32>} : memref<1024xf32, #tpu.memory_space<vmem>>, vector<16xf32>,
        tpu.vector_store %arg7[%swap3A_415], %select_n3A_411 {strides = array<i32>} : memref<1024xf32, #tpu.memory_space<vmem>>, vector<16xf32>,
      }
      %while3A_390 = arith.constant 1 : i32
      scf.for %while3A_391 = %while3A_388 to %while3A_384 step %while3A_390  : i32 {
        %mul3A_392 = arith.constant 16 : i32
        %mul3A_393 = arith.muli %while3A_391, %mul3A_392 : i32
        %add3A_394 = vector.broadcast %mul3A_393 : i32 to vector<16xi32>
        %add3A_395 = arith.addi %add3A_394, %iota3A : vector<16xi32>
        %mul3A_396 = arith.constant 16 : i32
        %mul3A_397 = arith.muli %while3A_391, %mul3A_396 : i32
        %get3A_398 = arith.index_cast %mul3A_397 : i32 to index
        %get3A_399 = tpu.vector_load %arg5[%get3A_398] {strides = array<i32>} : memref<32768xf32, #tpu.memory_space<vmem>>, vector<16xf32>,
        %ge3A = vector.broadcast %max3A_332 : i32 to vector<16xi32>
        %ge3A_400 = arith.cmpi sge, %add3A_395, %ge3A : vector<16xi32>
        %lt3A = vector.broadcast %min3A_335 : i32 to vector<16xi32>
        %lt3A_401 = arith.cmpi slt, %add3A_395, %lt3A : vector<16xi32>
        %and3A = arith.andi %ge3A_400, %lt3A_401 : vector<16xi1>
        %mul3A_402 = arith.constant 16 : i32
        %mul3A_403 = arith.muli %while3A_391, %mul3A_402 : i32
        %sub3A_404 = arith.subi %mul3A_403, %mul3A_2 : i32
        %get3A_405 = arith.index_cast %sub3A_404 : i32 to index
        %get3A_406 = tpu.vector_load %arg7[%get3A_405] {strides = array<i32>} : memref<1024xf32, #tpu.memory_space<vmem>>, vector<16xf32>,
        %sub3A_407 = arith.subf %get3A_399, %add3A_331 : vector<16xf32>
        %max3A_408 = arith.constant 0.000000e+00 : f32
        %max3A_409 = vector.broadcast %max3A_408 : f32 to vector<16xf32>
        %max3A_410 = arith.maximumf %sub3A_407, %max3A_409 : vector<16xf32>
        %select_n3A_411 = arith.select %and3A, %max3A_410, %get3A_406 : vector<16xi1>, vector<16xf32>
        %mul3A_412 = arith.constant 16 : i32
        %mul3A_413 = arith.muli %while3A_391, %mul3A_412 : i32
        %sub3A_414 = arith.subi %mul3A_413, %mul3A_2 : i32
        %swap3A_415 = arith.index_cast %sub3A_414 : i32 to index
        %swap3A_416 = tpu.vector_load %arg7[%swap3A_415] {strides = array<i32>} : memref<1024xf32, #tpu.memory_space<vmem>>, vector<16xf32>,
        tpu.vector_store %arg7[%swap3A_415], %select_n3A_411 {strides = array<i32>} : memref<1024xf32, #tpu.memory_space<vmem>>, vector<16xf32>,
      }
    }
    "tpu.region"() ({
      %run_scoped3A = tpu.sem_alloc : memref<!tpu.dma_semaphore, #tpu.memory_space<semaphore_mem>>
      %dma_start3A = tpu.memref_slice %arg4[%mul3A_2] : memref<32768xf32, #tpu.memory_space<hbm>> -> memref<1024xf32, #tpu.memory_space<hbm>>
      %dma_start3A_117 = tpu.memref_slice %arg4[%mul3A_2] : memref<32768xf32, #tpu.memory_space<hbm>> -> memref<1024xf32, #tpu.memory_space<hbm>>
      tpu.enqueue_dma source(%arg7 : memref<1024xf32, #tpu.memory_space<vmem>>) target(%dma_start3A_117 : memref<1024xf32, #tpu.memory_space<hbm>>) target_semaphore(%run_scoped3A : memref<!tpu.dma_semaphore, #tpu.memory_space<semaphore_mem>>)
      %dma_wait3A = tpu.memref_slice %arg4[%mul3A_2] : memref<32768xf32, #tpu.memory_space<hbm>> -> memref<1024xf32, #tpu.memory_space<hbm>>
      %dma_wait3A_118 = tpu.memref_slice %arg4[%mul3A_2] : memref<32768xf32, #tpu.memory_space<hbm>> -> memref<1024xf32, #tpu.memory_space<hbm>>
      tpu.wait_dma2 semaphore(%run_scoped3A : memref<!tpu.dma_semaphore, #tpu.memory_space<semaphore_mem>>) src(%arg7 : memref<1024xf32, #tpu.memory_space<vmem>>) dst(%dma_wait3A_118 : memref<1024xf32, #tpu.memory_space<hbm>>)
      tpu.yield
    }) : () -> ()
    return
  }
}

</mosaic_0001>

<sc_bundles>
// kernel: _run.3.cloned.1.call-start
scs
__scs_entry_jumppad:
0x0: {  	(pc) =	sbr.rel $0x88, $3  }
0x1: {  	(tag) =	ssettag $0x0;
	lr =	simm.s32 $0x1  }
0x2: {  	[smem:$0x3F9F] =	sst lr;
	_ =	strace $0xD0000000  }
0x3: {  	_ = 	snop  }
0x4: {  	_ = 	snop  }
0x5: {  	_ = 	snop  }
0x6: {  	_ = 	snop  }
0x7: {  	_ = 	snop  }
__scs_overlays_trampoline_lowered:
0x8: {  	[smem:$0x3FAE] =	sst s0  }
0x9: {  	[smem:$0x3FAF] =	sst s1  }
0xa: {  	[smem:$0x3FB0] =	sst s2  }
0xb: {  	[smem:$0x3FB1] =	sst s3  }
0xc: {  	[smem:$0x3FB2] =	sst s4  }
0xd: {  	[smem:$0x3FB3] =	sst s5  }
0xe: {  	[smem:$0x3FB4] =	sst s6  }
0xf: {  	[smem:$0x3FB5] =	sst s7  }
0x10: {  	[smem:$0x3FB6] =	sst s8  }
0x11: {  	[smem:$0x3FB7] =	sst s9;
	s0 =	simm.s32 @!p0 $0x0  }
0x12: {  	s1 =	sld [smem:$0x3F9D];
	s0 =	simm.s32 @p0 $0x1  }
0x13: {  	[smem:$0x3FB8] =	sst s0;
	s0 =	simm.s32 @!p1 $0x0  }
0x14: {  	s2 =	sld [smem:$0x3F9C];
	s0 =	simm.s32 @p1 $0x1  }
0x15: {  	[smem:$0x3FB9] =	sst s0;
	s0 =	simm.s32 @!p2 $0x0  }
0x16: {  	s3 =	sld [smem:$0x3FDB];
	s0 =	simm.s32 @p2 $0x1  }
0x17: {  	s4 =	simm.s32 $0x1BF5;
	[smem:$0x3FBB] =	sst s0  }
0x18: {  	s0 =	sld [smem:$0x3F9E];
	_ =	swait.ge [sflag:s4], $0x0  }
0x19: {  	s7 =	sld [smem:$0x3F9F]  }
0x1a: {  	s8 =	sadd.s32 $0xFFFFE003, lr  }
0x1b: {  	s9 =	sadd.s32 $0xFFFFFEF7, lr;
	s5 =	simm.s32 $0xFFFFFFFF;
	p2 =	slt.u32 s8, $0xFFFFF086  }
0x1c: {  	p1 =	slt.u32 s9, $0xF7A;
	s5 =	simm.s32 @!p2 $0x0  }
0x1d: {  	s5 =	simm.s32 @p1 $0x1;
	p0 =	seq.s32 s7, s2  }
0x1e: {  	s7 =	smul.u32 @!p0 $0xF7A, s2;
	p2 =	seq.s32 @!p0 s5, $0x0  }
0x1f: {  	s9 =	smul.u32 $0xF7A, s1;
	s8 =	simm.s32 @!p0 $0x1BF5;
	p2 =	por !p2, p0  }
0x20: {  	[sflag:s8] =	ssyncset.s32 @!p0 $0xFFFFF086;
	s6 =	sadd.s32 @!p0 s3, s7;
	s7 =	simm.s32 @!p0 $0x108  }
0x21: {  	s3 =	sadd.s32 s3, s9;
	s6 =	sadd.s32 @!p0 $0x88, s6;
	s7 =	simm.s32 @p2 $0x1082  }
0x22: {  	[simem:s7], [sflag:s8] =	dma.local @!p0 [hbm:s6], $0xF7A  }
0x23: {  	s9 =	sor.u32 $0xD0000000, s2;
	s6 =	simm.s32 $0x108;
	_ =	swait.ge @!p0 [sflag:s8], $0x0  }
0x24: {  	s3 =	sadd.s32 $0x88, s3;
	s6 =	simm.s32 @!p1 $0x1082;
	[sflag:s4] =	ssyncset.s32 $0xFFFFF086  }
0x25: {  	[simem:s6], [sflag:s4] =	dma.local [hbm:s3], $0xF7A  }
0x26: {  	[smem:$0x3F9F] =	sst s1;
	(tag) =	ssettag s2;
	_ =	strace s9  }
0x27: {  	s1 =	sld [smem:$0x3FAF]  }
0x28: {  	s2 =	sld [smem:$0x3FB0]  }
0x29: {  	s4 =	sld [smem:$0x3FB2]  }
0x2a: {  	p0 =	seq.s32 s5, $0x0;
	s5 =	sld [smem:$0x3FB3]  }
0x2b: {  	s6 =	sld [smem:$0x3FB4]  }
0x2c: {  	s7 =	sld [smem:$0x3FB5]  }
0x2d: {  	s3 =	simm.s32 $0x108;
	s8 =	sld [smem:$0x3FB6]  }
0x2e: {  	s3 =	simm.s32 @!p0 $0x1082;
	s9 =	sld [smem:$0x3FB7]  }
0x2f: {  	lr =	sadd.s32 s0, s3;
	s0 =	sld [smem:$0x3FAE]  }
0x30: {  	s3 =	sld [smem:$0x3FB1]  }
0x31: {  	[smem:$0x3FBA] =	sst s10  }
0x32: {  	s10 =	sld [smem:$0x3FB8];
	_ =	sdelay $0x3  }
0x33: {  	p0 =	seq.s32 s10, $0x1;
	s10 =	sld [smem:$0x3FBA];
	_ =	sdelay $0x3  }
0x34: {  	[smem:$0x3FBA] =	sst s10  }
0x35: {  	s10 =	sld [smem:$0x3FB9];
	_ =	sdelay $0x3  }
0x36: {  	p1 =	seq.s32 s10, $0x1;
	s10 =	sld [smem:$0x3FBA];
	_ =	sdelay $0x3  }
0x37: {  	[smem:$0x3FBA] =	sst s10  }
0x38: {  	s10 =	sld [smem:$0x3FBB]  }
0x39: {  	_ = 	snop;
	(pc) =	sbr.ind lr, $3  }
0x3a: {  	_ = 	snop  }
0x3b: {  	_ = 	snop  }
0x3c: {  	p2 =	seq.s32 s10, $0x1;
	s10 =	sld [smem:$0x3FBA]  }
0x3d: {  	_ =	shalt  }
0x3e: {  	_ =	shalt  }
0x3f: {  	_ =	shalt  }
0x40: {  	_ =	shalt  }
0x41: {  	_ =	shalt  }
0x42: {  	_ =	shalt  }
0x43: {  	_ =	shalt  }
0x44: {  	_ =	shalt  }
0x45: {  	_ =	shalt  }
0x46: {  	_ =	shalt  }
0x47: {  	_ =	shalt  }
0x48: {  	_ =	shalt  }
0x49: {  	_ =	shalt  }
0x4a: {  	_ =	shalt  }
0x4b: {  	_ =	shalt  }
0x4c: {  	_ =	shalt  }
0x4d: {  	_ =	shalt  }
0x4e: {  	_ =	shalt  }
0x4f: {  	_ =	shalt  }
0x50: {  	_ =	shalt  }
0x51: {  	_ =	shalt  }
0x52: {  	_ =	shalt  }
0x53: {  	_ =	shalt  }
0x54: {  	_ =	shalt  }
0x55: {  	_ =	shalt  }
0x56: {  	_ =	shalt  }
0x57: {  	_ =	shalt  }
0x58: {  	_ =	shalt  }
0x59: {  	_ =	shalt  }
0x5a: {  	_ =	shalt  }
0x5b: {  	_ =	shalt  }
0x5c: {  	_ =	shalt  }
0x5d: {  	_ =	shalt  }
0x5e: {  	_ =	shalt  }
0x5f: {  	_ =	shalt  }
0x60: {  	_ =	shalt  }
0x61: {  	_ =	shalt  }
0x62: {  	_ =	shalt  }
0x63: {  	_ =	shalt  }
0x64: {  	_ =	shalt  }
0x65: {  	_ =	shalt  }
0x66: {  	_ =	shalt  }
0x67: {  	_ =	shalt  }
0x68: {  	_ =	shalt  }
0x69: {  	_ =	shalt  }
0x6a: {  	_ =	shalt  }
0x6b: {  	_ =	shalt  }
0x6c: {  	_ =	shalt  }
0x6d: {  	_ =	shalt  }
0x6e: {  	_ =	shalt  }
0x6f: {  	_ =	shalt  }
0x70: {  	_ =	shalt  }
0x71: {  	_ =	shalt  }
0x72: {  	_ =	shalt  }
0x73: {  	_ =	shalt  }
0x74: {  	_ =	shalt  }
0x75: {  	_ =	shalt  }
0x76: {  	_ =	shalt  }
0x77: {  	_ =	shalt  }
0x78: {  	_ =	shalt  }
0x79: {  	_ =	shalt  }
0x7a: {  	_ =	shalt  }
0x7b: {  	_ =	shalt  }
0x7c: {  	_ =	shalt  }
0x7d: {  	_ =	shalt  }
0x7e: {  	_ =	shalt  }
0x7f: {  	_ =	shalt  }
0x80: {  	_ =	shalt  }
0x81: {  	_ =	shalt  }
0x82: {  	_ =	shalt  }
0x83: {  	_ =	shalt  }
0x84: {  	_ =	shalt  }
0x85: {  	_ =	shalt  }
0x86: {  	_ =	shalt  }
0x87: {  	_ =	shalt  }
.Lfunc_end0:
.L_simem_size_0:
called_computation_lowered:
.L_overlay_start_0:
0x88: {  	s2 =	sld [smem:$0x3FD9]  }
0x89: {  	s3 =	sld [smem:$0x3FFE];
	_ =	sdelay $0x1  }
0x8a: {  	s1 =	srdreg.scid  }
0x8b: {  	s0 =	sand.u32 $0x1, s1  }
0x8c: {  	s18 =	sshll.u32 s0, $0xA;
	s2 =	sadd.s32 s3, s2  }
0x8d: {  	s2 =	sadd.s32 s2, s18  }
0x8e: {  	[smem:$0x3FC6] =	sst s2  }
0x8f: {  	_ = 	snop  }
0x90: {  	s2 =	sld [smem:$0x3FC9]  }
0x91: {  	s19 =	sld [smem:$0x3FC8]  }
0x92: {  	s4 =	sld [smem:$0x3FD0];
	(tm) =	ssettm $0x1  }
0x93: {  	s5 =	sld [smem:$0x3FFB];
	_ =	sdelay $0x3  }
0x94: {  	_ =	strace s5  }
0x95: {  	s5 =	sld [smem:$0x3FFC];
	_ =	sdelay $0x3  }
0x96: {  	_ =	strace s5  }
0x97: {  	s5 =	sld [smem:$0x3FFD];
	_ =	sdelay $0x3  }
0x98: {  	_ =	strace s5  }
0x99: {  	_ =	strace $0x8FFFFFFF  }
0x9a: {  	s20 =	sld [smem:$0x3FDB];
	_ =	sdelay $0x1  }
0x9b: {  	s6 =	simm.s32 $_scs_section_size  }
0x9c: {  	s7 =	simm.s32 $_size__tile_overlayer_lowered;
	s8 =	simm.s32 $_tile_overlayer_lowered  }
0x9d: {  	s23 =	simm.s32 $0x1BFF;
	s22 =	sshll.u32 s8, $0x1;
	s5 =	sadd.s32 s6, s20  }
0x9e: {  	s9 =	simm.s32 $0x0;
	s21 =	sshll.u32 s7, $0x1;
	s7 =	sadd.s32 s22, s5  }
0x9f: {  	[timem:s9], [sflag:s23] =	dma.local [hbm:s7], s21  }
0xa0: {  	_ =	swait.ge [sflag:s23], s21  }
0xa1: {  	s6 =	ssub.s32 $0x0, s21;
	[sflag:s23] =	ssyncset.done $0x0  }
0xa2: {  	[sflag:s23] =	ssyncadd.s32 s6;
	_ =	sdelay $0x1  }
0xa3: {  	s24 =	simm.s32 $0x1B8B  }
0xa4: {  	_ =	swait.ge [sflag:s24], $0x1  }
0xa5: {  	[sflag:s24] =	ssyncset.done $0x0  }
0xa6: {  	s25 =	simm.s32 $0x1B8E;
	[sflag:s24] =	ssyncadd.s32 $0xFFFFFFFF  }
0xa7: {  	s26 =	simm.s32 $execute0_lowered;
	[smem:$0x3FD2] =	sst s25  }
0xa8: {  	s6 =	sshll.u32 s26, $0x1;
	_ =	strace $0x80000046;
	[dreg:$0x1] =	wrdreg $0xFFFFFFFF  }
0xa9: {  	s28 =	simm.s32 $_size_execute0_lowered;
	s5 =	sadd.s32 s5, s6;
	[dreg:$0x0] =	wrdreg $0x0  }
0xaa: {  	s6 =	sshll.u32 s28, $0x1;
	[dreg:$0x2] =	wrdreg s5  }
0xab: {  	[dreg:$0x3] =	wrdreg s6  }
0xac: {  	[dreg:$0x4] =	wrdreg $0xC0  }
0xad: {  	_ =	task [dreg:s9], $0x5FFFF  }
0xae: {  	[dreg:$0x1] =	wrdreg $0xFFFFFFFF  }
0xaf: {  	[dreg:$0x0] =	wrdreg $0x60  }
0xb0: {  	[dreg:$0x2] =	wrdreg s2  }
0xb1: {  	[dreg:$0x3] =	wrdreg s19  }
0xb2: {  	[dreg:$0x4] =	wrdreg s4  }
0xb3: {  	[dreg:$0x5] =	wrdreg $0x9  }
0xb4: {  	_ =	task.clear_ibuf [dreg:s9], $0x6FFFF;
	_ =	strace $0x90000046  }
0xb5: {  	s29 =	simm.s32 $0x9;
	_ =	strace $0x80000048  }
0xb6: {  	_ =	swait.ge [sflag:s29], $0x1  }
0xb7: {  	[sflag:s29] =	ssyncadd.s32 $0xFFFFFFFF  }
0xb8: {  	_ =	strace $0x90000048  }
0xb9: {  	_ =	sfence  }
0xba: {  	s30 =	sld [smem:$0x0];
	_ =	sdelay $0x2  }
0xbb: {  	s31 =	sshll.u32 s1, $0xD;
	s1 =	sshrl.u32 s1, $0x2  }
0xbc: {  	s3 =	sand.u32 $0x4000, s31;
	s1 =	sadd.s32 s1, s30  }
0xbd: {  	s0 =	sor.u32 s3, s0;
	s1 =	sshll.u32 s1, $0x11  }
0xbe: {  	s0 =	sor.u32 s1, s0  }
0xbf: {  	s0 =	sadd.s32 $0x8F2B, s0  }
0xc0: {  	[sflag:s0] =	ssyncadd.remote.s32 $0x1  }
0xc1: {  	_ =	sfence.sel $0xFFFF  }
0xc2: {  	[dreg:$0x0] =	wrdreg $0xFFFFFFFF;
	(pc) =	sbr.abs _section_cstart, $3  }
0xc3: {  	[dreg:$0x1] =	wrdreg $0xFFFFFFFF  }
0xc4: {  	_ =	task.clear_ibuf [dreg:s9], $0x2FFFF;
	_ =	strace $0x9FFFFFFF  }
0xc5: {  	(tm) =	ssettm $0x7FFFFFFF  }
tec
execute0_lowered:
.L_overlay_start_1:
0x0: {  	(tag) =	ssettag $0x1  }
0x1: {  	s1 =	rddreg [dreg:$0x0]  }
0x2: {  	s0 =	rddreg [dreg:$0x2]  }
0x3: {  	s2 =	srdreg.scid;
	s3 =	stileid.u32  }
0x4: {  	s4 =	simm.s32 $0x0;
	s17 =	simm.s32 $0x2;
	s18 =	simm.s32 $0x1  }
0x5: {  	s19 =	simm.s32 $0x8000;
	s21 =	simm.s32 $0x0;
	s2 =	sand.u32 $0x1, s2  }
0x6: {  	s3 =	sshll.u32 s3, $0xB;
	s5 =	sshll.u32 s2, $0xA;
	s2 =	ssub.s32 $0x2, s2  }
0x7: {  	[smem:$0x7FF] =	sst s4;
	s5 =	sor.u32 s5, s3;
	s6 =	sshrl.u32 s2, $0x1  }
0x8: {  	_ =	strace $0x80000047;
	s3 =	sshrl.u32 s5, $0xA;
	s2 =	ssub.s32 s2, s6  }
0x9: {  	s16 =	sor.u32 $0x3FF, s5;
	s8 =	sadd.s32 $0x400, s5;
	s10 =	sshrl.u32 s5, $0x3  }
0xa: {  	s12 =	sshll.u32 s5, $0x2;
	s15 =	ssub.s32 $0x0, s5;
	s7 =	smax.u32 s3, $0x1  }
0xb: {  	s13 =	smin.u32 s3, $0x1E;
	s0 =	sadd.s32 s0, s10;
	s28 =	sadd.s32 s10, s1  }
0xc: {  	s3 =	smin.u32 s3, $0x1;
	s2 =	smax.u32 s2, $0x1;
	s6 =	sadd.s32 $0xFFFFFFFF, s7  }
.Ltmp0:
0xd: {  	s7 =	sadd.s32 $0x2, s13;
	[dreg:$0x4] =	wrdreg s0;
	(pc) =	sbr.rel .LBB2_1-.Ltmp0, $4  }
0xe: {  	s11 =	sshll.u32 s3, $0x7;
	s3 =	sshll.u32 s3, $0xC;
	[dreg:$0x5] =	wrdreg s2  }
0xf: {  	s30 =	ssub.s32 $0xFFFFFFFE, s13;
	s31 =	sshll.u32 s13, $0xA;
	s0 =	ssub.s32 s28, s11  }
0x10: {  	v2 =	vlaneseq.u32;
	v3 =	vimm.s32 $0x0;
	v4 =	vimm.f32 $-2.000000000e+00;
	s29 =	ssub.s32 s12, s3;
	[dreg:$0x7] =	wrdreg s30;
	s14 =	sadd.s32 $0x800, s31  }
0x11: {  	v5 =	vmul.u32 $0xFFFFFFFF, v2;
	v0 =	vmov s5;
	v1 =	vmov s16;
	p0 =	sge.u32 s6, s7;
	[dreg:$0x6] =	wrdreg s0;
	s12 =	sshra.s32 s29, $0x2  }
.LBB2_77:
0x12: {  	s0 =	rddreg [dreg:$0x4];
	s2 =	simm.s32 $0x10080  }
0x13: {  	[hbm4b:s0+s4] =	stream.linear.scatter [tilespmem:s2], [sflag:$0x2], $0x400, $0x38;
	[tilespmem:$0x10500] =	vst v63  }
0x14: {  	_ =	swait.ge [sflag:s17], $0x400  }
0x15: {  	s21 =	sadd.s32 $0x1, s21;
	s31 =	rddreg [dreg:$0x5]  }
0x16: {  	p1 =	sne.s32 s21, s31  }
.Ltmp1:
0x17: {  	_ = 	snop;
	(pc) =	sbr.rel @!p1 .LBB2_78-.Ltmp1, $3  }
0x18: {  	_ =	sdelay $0x1  }
0x19: {  	[sflag:s17] =	ssyncset.done $0x0  }
0x1a: {  	[sflag:s17] =	ssyncadd.s32 $0xFFFFFC00  }
.LBB2_1:
.Ltmp2:
0x1b: {  	(pc) =	sbr.rel @p0 .LBB2_4-.Ltmp2, $1  }
0x1c: {  	_ =	sdelay $0x3  }
0x1d: {  	s0 =	sadd.s32 $0x1, s6  }
0x1e: {  	p1 =	slt.u32 s0, s7  }
.Ltmp3:
0x1f: {  	_ = 	snop;
	(pc) =	sbr.rel @!p1 .LBB2_4-.Ltmp3, $3  }
0x20: {  	_ =	sdelay $0x1  }
0x21: {  	s2 =	rddreg [dreg:$0x6];
	s3 =	smov.u32 s12  }
0x22: {  	[tilespmem:s12], [sflag:$0x1] =	stream.linear.gather [hbm4b:s2+s4], $0x400, $0x38;
	[tilespmem:$0x10500] =	vst v63  }
.LBB2_3:
0x23: {  	s0 =	sadd.s32 $0x1, s0  }
0x24: {  	p1 =	slt.u32 s0, s7  }
.Ltmp4:
0x25: {  	_ = 	snop;
	(pc) =	sbr.rel @p1 .LBB2_3-.Ltmp4, $3  }
0x26: {  	_ = 	snop  }
0x27: {  	s2 =	sadd.s32 $0x80, s2;
	s3 =	sadd.s32 $0x400, s3;
	_ =	sdelay $0x1  }
0x28: {  	[tilespmem:s3], [sflag:$0x1] =	stream.linear.gather [hbm4b:s2+s4], $0x400, $0x38;
	[tilespmem:$0x10500] =	vst v63  }
.LBB2_4:
0x29: {  	s0 =	rddreg [dreg:$0x1];
	s2 =	simm.s32 $0x10480  }
0x2a: {  	[tilespmem:s2], [sflag:$0x2] =	stream.linear.gather [hbm4b:s0+s4], $0x80, $0x38;
	[tilespmem:$0x10500] =	vst v63  }
0x2b: {  	_ =	swait.ge [sflag:s17], $0x80  }
0x2c: {  	[sflag:s17] =	ssyncset.done $0x0  }
0x2d: {  	[sflag:s17] =	ssyncadd.s32 $0xFFFFFF80  }
0x2e: {  	v6 =	vld [tilespmem:$0x10480];
	_ =	sdelay $0x4  }
0x2f: {  	vm0 =	vle.s32 v6, v0  }
0x30: {  	v7 =	vsel vm0, $0x1, v3  }
0x31: {  	(xrf0) =	vadd.scan.msk.s32 $0xffff, v7;
	_ =	sdelay $0x1  }
0x32: {  	vm13 =	vle.s32 v6, v1  }
0x33: {  	v7 =	vsel vm13, $0x1, v3  }
0x34: {  	(xrf0) =	vadd.scan.msk.s32 $0xffff, v7;
	_ =	sdelay $0x1  }
0x35: {  	v7, _, _ =	vpop (xrf0)  }
0x36: {  	(v2sf) =	vpush v7, $0xF;
	_ =	sdelay $0x2  }
0x37: {  	v7, _, _ =	vpop (xrf0)  }
0x38: {  	(v2sf) =	vpush v7, $0xF;
	_ =	sdelay $0xa  }
0x39: {  	s29 =	spop (v2sf)  }
0x3a: {  	s22 =	sadd.s32 $0xFFFFFFFF, s29  }
0x3b: {  	v7 =	vld [tilespmem:$0x10490];
	v8 =	vmov s22  }
0x3c: {  	v6 =	vxor.u32 $0x80000000, v6;
	vm14 =	veq.s32 v8, v2  }
0x3d: {  	s23 =	spop (v2sf);
	v8 =	vnsel vm14, $0x80000000, v6  }
0x3e: {  	s30 =	sadd.s32 $0xFFFFFFFF, s23;
	(xrf0) =	vmax.scan.msk.u32 $0xffff, v8  }
0x3f: {  	v8 =	vmov s30  }
0x40: {  	v7 =	vxor.u32 $0x80000000, v7;
	vm15 =	veq.s32 v8, v2  }
0x41: {  	v8 =	vnsel vm15, $0x80000000, v7;
	_ =	sdelay $0x2  }
0x42: {  	(xrf0) =	vmax.scan.msk.u32 $0xffff, v8;
	v8, _, _ =	vpop (xrf0)  }
0x43: {  	(v2sf) =	vpush v8, $0xF;
	_ =	sdelay $0x6  }
0x44: {  	v8, _, _ =	vpop (xrf0)  }
0x45: {  	(v2sf) =	vpush v8, $0xF;
	_ =	sdelay $0x6  }
0x46: {  	s31 =	spop (v2sf)  }
0x47: {  	s0 =	sshra.s32 s31, $0xA  }
0x48: {  	s0 =	sxor.u32 $0xFFE00000, s0  }
0x49: {  	p1 =	sge.s32 s0, s6  }
.Ltmp5:
0x4a: {  	_ = 	snop;
	(pc) =	sbr.rel @p1 .LBB2_8-.Ltmp5, $2  }
0x4b: {  	_ =	sdelay $0x2  }
0x4c: {  	s2 =	spop (v2sf)  }
0x4d: {  	s13 =	sadd.s32 $0x1, s0  }
0x4e: {  	p1 =	slt.s32 s13, s6  }
.Ltmp6:
0x4f: {  	_ = 	snop;
	(pc) =	sbr.rel @!p1 .LBB2_7-.Ltmp6, $4  }
0x50: {  	_ = 	snop  }
0x51: {  	s3 =	sshll.u32 s0, $0xC;
	s20 =	sshll.u32 s0, $0xA  }
0x52: {  	s3 =	sshra.s32 s3, $0x2;
	s16 =	sshrl.u32 s20, $0x3  }
0x53: {  	s20 =	sadd.s32 $0x400, s20;
	s24 =	sadd.s32 s1, s16;
	s16 =	sadd.s32 $0x400, s3  }
.LBB2_6:
0x54: {  	[tilespmem:s3], [sflag:$0x1] =	stream.linear.gather [hbm4b:s24+s4], $0x400, $0x38;
	[tilespmem:$0x10500] =	vst v63  }
0x55: {  	s13 =	sadd.s32 $0x1, s13  }
0x56: {  	p1 =	slt.s32 s13, s6  }
.Ltmp7:
0x57: {  	s3 =	smov.u32 s16;
	(pc) =	sbr.rel @p1 .LBB2_6-.Ltmp7, $3  }
0x58: {  	_ =	sdelay $0x1  }
0x59: {  	s24 =	sshrl.u32 s20, $0x3  }
0x5a: {  	s16 =	sadd.s32 $0x400, s16;
	s20 =	sadd.s32 $0x400, s20;
	s24 =	sadd.s32 s1, s24  }
.LBB2_7:
0x5b: {  	[tilespmem:s3], [sflag:$0x1] =	stream.linear.gather [hbm4b:s24+s4], $0x400, $0x38;
	[tilespmem:$0x10500] =	vst v63  }
.LBB2_8:
0x5c: {  	s2 =	sadd.s32 $0x800003FF, s2  }
0x5d: {  	s2 =	sshra.s32 s2, $0xA  }
0x5e: {  	p1 =	sge.s32 s7, s2  }
.Ltmp8:
0x5f: {  	_ = 	snop;
	(pc) =	sbr.rel @p1 .LBB2_11-.Ltmp8, $1  }
0x60: {  	_ =	sdelay $0x3  }
0x61: {  	s3 =	rddreg [dreg:$0x7]  }
0x62: {  	s3 =	sadd.s32 s2, s3  }
0x63: {  	p1 =	sne.s32 s3, $0x1  }
.Ltmp9:
0x64: {  	_ = 	snop;
	(pc) =	sbr.rel @!p1 .LBB2_11-.Ltmp9, $4  }
0x65: {  	s13 =	sshrl.u32 s14, $0x3  }
0x66: {  	s13 =	sadd.s32 s1, s13  }
0x67: {  	[tilespmem:s14], [sflag:$0x1] =	stream.linear.gather [hbm4b:s13+s4], $0x400, $0x38;
	[tilespmem:$0x10500] =	vst v63  }
0x68: {  	s16 =	smov.u32 s14;
	s3 =	sadd.s32 $0xFFFFFFFF, s3;
	s13 =	sadd.s32 $0x400, s14  }
.LBB2_10:
0x69: {  	s20 =	sshrl.u32 s13, $0x3;
	p1 =	sne.s32 s3, $0x1;
	s3 =	sadd.s32 $0xFFFFFFFF, s3  }
.Ltmp10:
0x6a: {  	s16 =	sadd.s32 $0x400, s16;
	s20 =	sadd.s32 s1, s20;
	(pc) =	sbr.rel @p1 .LBB2_10-.Ltmp10, $3  }
0x6b: {  	[tilespmem:s16], [sflag:$0x1] =	stream.linear.gather [hbm4b:s20+s4], $0x400, $0x38;
	[tilespmem:$0x10500] =	vst v63  }
0x6c: {  	_ =	sdelay $0x1  }
0x6d: {  	s13 =	sadd.s32 $0x400, s13  }
.LBB2_11:
0x6e: {  	p1 =	slt.s32 s0, s6  }
0x6f: {  	s3 =	smov.u32 s6;
	p2 =	sgt.s32 s2, s7;
	s13 =	smov.u32 s7  }
0x70: {  	s3 =	smov.u32 @p1 s0;
	s13 =	smov.u32 @p2 s2  }
0x71: {  	p1 =	sle.s32 s13, s3  }
.Ltmp11:
0x72: {  	_ = 	snop;
	(pc) =	sbr.rel @p1 .LBB2_15-.Ltmp11, $1  }
0x73: {  	_ =	sdelay $0x3  }
0x74: {  	s0 =	ssub.s32 s13, s3  }
0x75: {  	p1 =	seq.s32 s0, $0x1  }
.Ltmp12:
0x76: {  	_ = 	snop;
	(pc) =	sbr.rel @p1 .LBB2_14-.Ltmp12, $3  }
0x77: {  	_ =	sdelay $0x1  }
0x78: {  	_ =	swait.ge [sflag:s18], $0x400  }
0x79: {  	s0 =	sadd.s32 $0xFFFFFFFF, s0;
	[sflag:s18] =	ssyncset.done $0x0  }
.LBB2_13:
0x7a: {  	p1 =	seq.s32 s0, $0x1;
	s0 =	sadd.s32 $0xFFFFFFFF, s0;
	[sflag:s18] =	ssyncadd.s32 $0xFFFFFC00  }
.Ltmp13:
0x7b: {  	(pc) =	sbr.rel @!p1 .LBB2_13-.Ltmp13, $3  }
0x7c: {  	_ =	sdelay $0x1  }
0x7d: {  	_ =	swait.ge [sflag:s18], $0x400  }
0x7e: {  	[sflag:s18] =	ssyncset.done $0x0  }
.LBB2_14:
0x7f: {  	[sflag:s18] =	ssyncadd.s32 $0xFFFFFC00  }
.LBB2_15:
0x80: {  	p1 =	slt.s32 s22, s23  }
.Ltmp14:
0x81: {  	_ = 	snop;
	(pc) =	sbr.rel @!p1 .LBB2_77-.Ltmp14, $4  }
.Ltmp15:
0x82: {  	_ = 	snop;
	(pc) =	sbr.rel @p1 .LBB2_16-.Ltmp15, $4  }
0x83: {  	_ = 	snop  }
0x84: {  	_ = 	snop  }
0x85: {  	_ = 	snop  }
0x86: {  	_ = 	snop  }
.LBB2_75:
0x87: {  	[tilespmem:s13+$0x10080] =	vst v11  }
.LBB2_76:
0x88: {  	s22 =	sadd.s32 $0x1, s22  }
0x89: {  	p1 =	sne.s32 s22, s23  }
.Ltmp16:
0x8a: {  	_ = 	snop;
	(pc) =	sbr.rel @!p1 .LBB2_77-.Ltmp16, $1  }
0x8b: {  	_ =	sdelay $0x3  }
.LBB2_16:
0x8c: {  	v8 =	vmov s22  }
0x8d: {  	vm0 =	veq.s32 v8, v2  }
0x8e: {  	v8 =	vnsel vm0, $0x80000000, v6  }
0x8f: {  	(xrf0) =	vmax.scan.msk.u32 $0xffff, v8;
	v8 =	vnsel vm0, $0x80000000, v7  }
0x90: {  	(xrf0) =	vmax.scan.msk.u32 $0xffff, v8;
	_ =	sdelay $0x4  }
0x91: {  	v8, _, _ =	vpop (xrf0)  }
0x92: {  	(v2sf) =	vpush v8, $0xF;
	v8, _, _ =	vpop (xrf0)  }
0x93: {  	(v2sf) =	vpush v8, $0xF;
	_ =	sdelay $0xd  }
0x94: {  	s0 =	spop (v2sf)  }
0x95: {  	s13 =	spop (v2sf);
	s24 =	sxor.u32 $0x80000000, s0  }
0x96: {  	s26 =	sadd.s32 $0x8000000F, s13;
	s2 =	sshra.s32 s24, $0x4  }
0x97: {  	s26 =	sshra.s32 s26, $0x4;
	s3 =	sadd.s32 $0x1, s2  }
0x98: {  	p1 =	sgt.s32 s26, s2;
	p2 =	slt.s32 s3, s26;
	s2 =	smov.u32 s26  }
0x99: {  	s16 =	sadd.s32 $0xFFFFFFFF, s26;
	s2 =	smov.u32 @p2 s3  }
0x9a: {  	p2 =	sgt.s32 s16, s2;
	s28 =	smov.u32 s2  }
0x9b: {  	s0 =	sand.u32 @p1 $0xFFFFFFF0, s24;
	s28 =	smov.u32 @p2 s16  }
0x9c: {  	v8 =	vld @p1 [tilespmem:s0+$0x0];
	s29 =	ssub.s32 s28, s2  }
0x9d: {  	s31 =	sshra.s32 s29, $0x2  }
0x9e: {  	v9 =	vlaneseq.u32 @p1;
	p3 =	slt.s32 s31, $0x1  }
.Ltmp17:
0x9f: {  	s25 =	sxor.u32 $0x80000000, s13;
	v9 =	vor.u32 @p1 s0, v9;
	(pc) =	sbr.rel @p3 .LBB2_20-.Ltmp17, $4  }
0xa0: {  	vm0 =	vge.s32 @p1 v9, s24;
	vm1 =	vlt.s32 @p1 v9, s25  }
0xa1: {  	vm0 =	vmand @p1 vm0, vm1;
	v8 =	vmax.f32 @p1 v8, $-3.000000010e+38  }
0xa2: {  	v8 =	vnsel @p1 vm0, $0xFF61B1E6, v8  }
0xa3: {  	s30 =	sshll.u32 s2, $0x6;
	v8 =	vpsel !p1, $0xFF61B1E6, v8  }
0xa4: {  	s13 =	sshra.s32 s30, $0x2  }
0xa5: {  	s16 =	sadd.s32 $0x20, s13  }
0xa6: {  	p2 =	sne.s32 s31, $0x1;
	v12 =	vld [tilespmem:s16+$0xFFFFFFE0]  }
.Ltmp18:
0xa7: {  	v10 =	vld [tilespmem:s16+$0xFFFFFFF0];
	(pc) =	sbr.rel @!p2 .LBB2_19-.Ltmp18, $3  }
0xa8: {  	v9 =	vld [tilespmem:s16+$0x0]  }
0xa9: {  	v11 =	vld [tilespmem:s16+$0x10];
	_ =	sdelay $0x1  }
0xaa: {  	s13 =	sadd.s32 $0xFFFFFFFF, s31;
	s16 =	sadd.s32 $0x40, s16  }
.LBB2_18:
0xab: {  	v13 =	vld [tilespmem:s16+$0xFFFFFFE0];
	v14 =	vmov v10;
	p2 =	sne.s32 s13, $0x1  }
.Ltmp19:
0xac: {  	v10 =	vld [tilespmem:s16+$0xFFFFFFF0];
	(pc) =	sbr.rel @p2 .LBB2_18-.Ltmp19, $4  }
0xad: {  	v12 =	vmax.f32 v12, v14;
	v14 =	vmax.f32 v9, v11;
	v9 =	vld [tilespmem:s16+$0x0]  }
0xae: {  	s13 =	sadd.s32 $0xFFFFFFFF, s13;
	v11 =	vld [tilespmem:s16+$0x10];
	v14 =	vmax.f32 v12, v14  }
0xaf: {  	v8 =	vmax.f32 v8, v14  }
0xb0: {  	s16 =	sadd.s32 $0x40, s16;
	v12 =	vmov v13  }
.LBB2_19:
0xb1: {  	_ =	sdelay $0x1  }
0xb2: {  	v10 =	vmax.f32 v12, v10;
	v9 =	vmax.f32 v9, v11  }
0xb3: {  	v9 =	vmax.f32 v10, v9  }
0xb4: {  	v8 =	vmax.f32 v8, v9  }
.LBB2_20:
0xb5: {  	s13 =	sand.u32 $0xFFFFFFFC, s29  }
0xb6: {  	s2 =	sadd.s32 s2, s13  }
0xb7: {  	p4 =	sge.s32 s2, s28  }
.Ltmp20:
0xb8: {  	_ = 	snop;
	(pc) =	sbr.rel @p4 .LBB2_24-.Ltmp20, $1  }
0xb9: {  	_ =	sdelay $0x3  }
0xba: {  	s16 =	sadd.s32 $0x1, s2  }
0xbb: {  	p2 =	slt.s32 s16, s28  }
.Ltmp21:
0xbc: {  	s13 =	sshll.u32 s29, $0x6;
	(pc) =	sbr.rel @!p2 .LBB2_23-.Ltmp21, $4  }
0xbd: {  	s13 =	sand.u32 $0xFFFFFF00, s13  }
0xbe: {  	s13 =	sadd.s32 s30, s13  }
0xbf: {  	s13 =	sshra.s32 s13, $0x2  }
0xc0: {  	v9 =	vld [tilespmem:s13+$0x0]  }
.LBB2_22:
0xc1: {  	s16 =	sadd.s32 $0x1, s16  }
0xc2: {  	p2 =	slt.s32 s16, s28  }
.Ltmp22:
0xc3: {  	_ = 	snop;
	(pc) =	sbr.rel @p2 .LBB2_22-.Ltmp22, $3  }
0xc4: {  	_ =	sdelay $0x1  }
0xc5: {  	s13 =	sadd.s32 $0x10, s13;
	v8 =	vmax.f32 v8, v9  }
0xc6: {  	v9 =	vld [tilespmem:s13+$0x0]  }
.LBB2_23:
0xc7: {  	_ =	sdelay $0x3  }
0xc8: {  	v8 =	vmax.f32 v8, v9  }
.LBB2_24:
0xc9: {  	p2 =	sge.s32 s3, s26  }
.Ltmp23:
0xca: {  	_ = 	snop;
	(pc) =	sbr.rel @p2 .LBB2_31-.Ltmp23, $1  }
0xcb: {  	_ =	sdelay $0x3  }
0xcc: {  	s13 =	sadd.s32 $0x1, s28  }
0xcd: {  	p6 =	slt.s32 s13, s26  }
.Ltmp24:
0xce: {  	_ = 	snop;
	(pc) =	sbr.rel @!p6 .LBB2_26-.Ltmp24, $3  }
0xcf: {  	_ =	sdelay $0x1  }
0xd0: {  	s3 =	sshll.u32 s28, $0x6  }
0xd1: {  	v9 =	vmov s24;
	v10 =	vmov s25;
	p5 =	por $0x0, $0x0;
	s16 =	sshra.s32 s3, $0x2;
	s3 =	sshll.u32 s28, $0x4  }
0xd2: {  	s13 =	sadd.s32 $0x1, s13  }
0xd3: {  	v11 =	vld [tilespmem:s16+$0x0];
	p6 =	slt.s32 s13, s26  }
.Ltmp25:
0xd4: {  	_ = 	snop;
	(pc) =	sbr.rel @!p6 .LBB2_28-.Ltmp25, $4  }
0xd5: {  	v12 =	vor.u32 s3, v2  }
0xd6: {  	vm0 =	vge.s32 v12, v9;
	vm1 =	vlt.s32 v12, v10  }
0xd7: {  	vm0 =	vmand vm0, vm1  }
0xd8: {  	s16 =	sadd.s32 $0x10, s16;
	p5 =	por $0x1, $0x1;
	s20 =	smov.u32 s3;
	v12 =	vnsel vm0, $0xFF61B1E6, v11;
	v11 =	vmov v8  }
.LBB2_29:
0xd9: {  	s13 =	sadd.s32 $0x1, s13  }
0xda: {  	v13 =	vld [tilespmem:s16+$0x0];
	v11 =	vmax.f32 v11, v12;
	s20 =	sadd.s32 $0x10, s20;
	p6 =	slt.s32 s13, s26  }
.Ltmp26:
0xdb: {  	(pc) =	sbr.rel @p6 .LBB2_29-.Ltmp26, $4  }
0xdc: {  	v12 =	vor.u32 s20, v2  }
0xdd: {  	vm0 =	vge.s32 v12, v9;
	vm1 =	vlt.s32 v12, v10  }
0xde: {  	vm0 =	vmand vm0, vm1  }
0xdf: {  	s16 =	sadd.s32 $0x10, s16;
	v12 =	vnsel vm0, $0xFF61B1E6, v13  }
.LBB2_30:
0xe0: {  	v13 =	vld [tilespmem:s16+$0x0];
	s13 =	sadd.s32 @p5 $0x10, s20  }
0xe1: {  	s3 =	smov.u32 @p5 s13  }
0xe2: {  	v14 =	vor.u32 s3, v2  }
0xe3: {  	vm0 =	vge.s32 v14, v9;
	vm1 =	vlt.s32 v14, v10  }
0xe4: {  	v9 =	vmax.f32 @p5 v11, v12;
	vm0 =	vmand vm0, vm1  }
0xe5: {  	v8 =	vpsel p5, v9, v8;
	v10 =	vnsel vm0, $0xFF61B1E6, v13  }
0xe6: {  	v8 =	vmax.f32 v8, v10  }
.LBB2_31:
0xe7: {  	(xrf0) =	vmax.scan.msk.f32 $0xffff, v8;
	_ =	sdelay $0x5  }
0xe8: {  	v8, _, _ =	vpop (xrf0)  }
0xe9: {  	(v2sf) =	vpush v8, $0xF;
	_ =	sdelay $0x4  }
0xea: {  	[tilespmem:$0x8000] =	vst v4  }
0xeb: {  	[tilespmem:$0x8010] =	vst v4  }
0xec: {  	[tilespmem:$0x8020] =	vst v4  }
0xed: {  	[tilespmem:$0x8030] =	vst v4  }
0xee: {  	[tilespmem:$0x8040] =	vst v4  }
0xef: {  	[tilespmem:$0x8050] =	vst v4  }
0xf0: {  	[tilespmem:$0x8060] =	vst v4  }
0xf1: {  	[tilespmem:$0x8070] =	vst v4  }
0xf2: {  	v9 =	vld @p1 [tilespmem:s0+$0x0];
	_ =	sdelay $0x1  }
0xf3: {  	v11 =	vlaneseq.u32 @p1;
	s3 =	spop (v2sf)  }
0xf4: {  	v10 =	vor.u32 @p1 s0, v11;
	s3 =	sadd.f32 $-1.000000000e+00, s3  }
0xf5: {  	vm0 =	vge.s32 @p1 v10, s24;
	vm1 =	vlt.s32 @p1 v10, s25  }
0xf6: {  	vm0 =	vmand @p1 vm0, vm1;
	vm1 =	vgt.f32 @p1 v9, s3  }
0xf7: {  	vm0 =	vmand @p1 vm0, vm1;
	_ =	sdelay $0x1  }
0xf8: {  	v10 =	vbroadcast @p1 v8, $0xF;
	_ =	sdelay $0x1  }
0xf9: {  	v12 =	vor.u32 @p1 $0x10, v11;
	v9 =	vsub.f32 @p1 v9, v10  }
.Ltmp27:
0xfa: {  	s13 =	simm.s32 @p1 $0x8000;
	v12 =	vsel @p1 vm0, v12, v11;
	(pc) =	sbr.rel @p3 .LBB2_34-.Ltmp27, $2  }
0xfb: {  	[tilespmem:v11+s13+$0x0] =	vst.idx.msk @p1 vm0, v9;
	v11 =	vpsel p1, v12, v2;
	_ =	sdelay $0x2  }
0xfc: {  	v8 =	vbroadcast v8, $0xF;
	v9 =	vmov s3  }
0xfd: {  	s13 =	sshra.s32 s30, $0x2  }
0xfe: {  	s16 =	smov.u32 s31;
	s13 =	sadd.s32 $0x20, s13  }
.LBB2_33:
0xff: {  	v12 =	vld [tilespmem:s13+$0xFFFFFFE0];
	_ =	sdelay $0x4  }
0x100: {  	vm0 =	vgt.f32 v12, v9;
	_ =	sdelay $0x3  }
0x101: {  	v12 =	vsub.f32 v12, v8;
	_ =	sdelay $0x1  }
0x102: {  	[tilespmem:v11+s19+$0x0] =	vst.idx.msk vm0, v12  }
0x103: {  	v12 =	vld [tilespmem:s13+$0xFFFFFFF0];
	_ =	sdelay $0x4  }
0x104: {  	v13 =	vsel vm0, $0x10, v3;
	vm13 =	vgt.f32 v12, v9  }
0x105: {  	v11 =	vadd.s32 v11, v13;
	_ =	sdelay $0x2  }
0x106: {  	v12 =	vsub.f32 v12, v8;
	_ =	sdelay $0x1  }
0x107: {  	[tilespmem:v11+s19+$0x0] =	vst.idx.msk vm13, v12  }
0x108: {  	v12 =	vld [tilespmem:s13+$0x0];
	_ =	sdelay $0x4  }
0x109: {  	v61 =	vsel vm13, $0x10, v3;
	vm14 =	vgt.f32 v12, v9  }
0x10a: {  	v11 =	vadd.s32 v11, v61;
	_ =	sdelay $0x2  }
0x10b: {  	v12 =	vsub.f32 v12, v8;
	_ =	sdelay $0x1  }
0x10c: {  	[tilespmem:v11+s19+$0x0] =	vst.idx.msk vm14, v12  }
0x10d: {  	v12 =	vld [tilespmem:s13+$0x10];
	_ =	sdelay $0x4  }
0x10e: {  	v62 =	vsel vm14, $0x10, v3;
	vm15 =	vgt.f32 v12, v9  }
0x10f: {  	p5 =	seq.s32 s16, $0x1;
	v11 =	vadd.s32 v11, v62  }
.Ltmp28:
0x110: {  	_ = 	snop;
	(pc) =	sbr.rel @!p5 .LBB2_33-.Ltmp28, $4  }
0x111: {  	_ = 	snop  }
0x112: {  	v12 =	vsub.f32 v12, v8  }
0x113: {  	v63 =	vsel vm15, $0x10, v3  }
0x114: {  	s16 =	sadd.s32 $0xFFFFFFFF, s16;
	s13 =	sadd.s32 $0x40, s13;
	[tilespmem:v11+s19+$0x0] =	vst.idx.msk vm15, v12;
	v11 =	vadd.s32 v11, v63  }
.LBB2_34:
.Ltmp29:
0x115: {  	(pc) =	sbr.rel @p4 .LBB2_38-.Ltmp29, $1  }
0x116: {  	_ =	sdelay $0x3  }
0x117: {  	s13 =	sshll.u32 s29, $0x6  }
0x118: {  	s13 =	sand.u32 $0xFFFFFF00, s13  }
0x119: {  	s13 =	sadd.s32 s30, s13  }
0x11a: {  	s16 =	sshra.s32 s13, $0x2  }
0x11b: {  	v13 =	vld [tilespmem:s16+$0x0];
	_ =	sdelay $0x2  }
0x11c: {  	s13 =	sadd.s32 $0x1, s2  }
0x11d: {  	p5 =	slt.s32 s13, s28  }
.Ltmp30:
0x11e: {  	vm0 =	vgt.f32 v13, v9;
	(pc) =	sbr.rel @!p5 .LBB2_37-.Ltmp30, $3  }
0x11f: {  	_ =	sdelay $0x1  }
0x120: {  	v12 =	vsel vm0, $0x10, v3  }
0x121: {  	v13 =	vsub.f32 v13, v8;
	v12 =	vadd.s32 v11, v12  }
.LBB2_36:
0x122: {  	_ = 	snop  }
0x123: {  	s13 =	sadd.s32 $0x1, s13;
	s16 =	sadd.s32 $0x10, s16;
	[tilespmem:v11+s19+$0x0] =	vst.idx.msk vm0, v13;
	v11 =	vmov v12  }
0x124: {  	p5 =	slt.s32 s13, s28;
	v13 =	vld [tilespmem:s16+$0x0];
	_ =	sdelay $0x4  }
.Ltmp31:
0x125: {  	vm0 =	vgt.f32 v13, v9;
	(pc) =	sbr.rel @p5 .LBB2_36-.Ltmp31, $3  }
0x126: {  	v14 =	vsel vm0, $0x10, v3  }
0x127: {  	v12 =	vadd.s32 v12, v14;
	_ =	sdelay $0x1  }
0x128: {  	v13 =	vsub.f32 v13, v8  }
.LBB2_37:
0x129: {  	_ =	sdelay $0x4  }
0x12a: {  	[tilespmem:v11+s19+$0x0] =	vst.idx.msk vm0, v13;
	v11 =	vmov v12  }
.LBB2_38:
.Ltmp32:
0x12b: {  	(pc) =	sbr.rel @p2 .LBB2_42-.Ltmp32, $1  }
0x12c: {  	_ =	sdelay $0x3  }
0x12d: {  	s13 =	sshll.u32 s28, $0x6  }
0x12e: {  	s13 =	sshra.s32 s13, $0x2  }
0x12f: {  	v14 =	vld [tilespmem:s13+$0x0];
	_ =	sdelay $0x1  }
0x130: {  	s16 =	sshll.u32 s28, $0x4  }
0x131: {  	v12 =	vmov s24;
	v13 =	vmov s25;
	v15 =	vor.u32 s16, v2  }
0x132: {  	vm0 =	vge.s32 v15, v12;
	vm1 =	vlt.s32 v15, v13  }
0x133: {  	vm0 =	vmand vm0, vm1;
	vm15 =	vgt.f32 v14, v9  }
0x134: {  	s20 =	sadd.s32 $0x1, s28;
	vm0 =	vmand vm0, vm15  }
0x135: {  	p5 =	slt.s32 s20, s26  }
.Ltmp33:
0x136: {  	_ = 	snop;
	(pc) =	sbr.rel @!p5 .LBB2_41-.Ltmp33, $4  }
0x137: {  	_ = 	snop  }
0x138: {  	v15 =	vsub.f32 v14, v8  }
0x139: {  	v14 =	vsel vm0, $0x10, v3  }
0x13a: {  	s13 =	sadd.s32 $0x10, s13;
	v14 =	vadd.s32 v11, v14;
	[tilespmem:v11+s19+$0x0] =	vst.idx.msk vm0, v15  }
.LBB2_40:
0x13b: {  	v11 =	vld [tilespmem:s13+$0x0];
	s20 =	sadd.s32 $0x1, s20;
	v15 =	vmov v14  }
0x13c: {  	p5 =	slt.s32 s20, s26  }
0x13d: {  	s16 =	sadd.s32 $0x10, s16  }
0x13e: {  	v16 =	vor.u32 s16, v2  }
0x13f: {  	vm0 =	vge.s32 v16, v12;
	vm1 =	vlt.s32 v16, v13  }
0x140: {  	vm0 =	vmand vm0, vm1;
	vm1 =	vgt.f32 v11, v9;
	v11 =	vsub.f32 v11, v8  }
0x141: {  	vm0 =	vmand vm0, vm1  }
0x142: {  	v16 =	vsel vm0, $0x10, v3  }
.Ltmp34:
0x143: {  	v14 =	vadd.s32 v14, v16;
	(pc) =	sbr.rel @p5 .LBB2_40-.Ltmp34, $2  }
0x144: {  	_ =	sdelay $0x2  }
0x145: {  	s13 =	sadd.s32 $0x10, s13;
	[tilespmem:v15+s19+$0x0] =	vst.idx.msk vm0, v11  }
.LBB2_41:
0x146: {  	v11 =	vmov v14  }
.LBB2_42:
0x147: {  	v11 =	vadd.s32 v5, v11  }
0x148: {  	v11 =	vshra.s32 v11, $0x4  }
0x149: {  	v11 =	vxor.u32 $0x80000000, v11  }
0x14a: {  	(xrf0) =	vmax.scan.msk.u32 $0xffff, v11;
	_ =	sdelay $0x5  }
0x14b: {  	v11, _, _ =	vpop (xrf0)  }
0x14c: {  	(v2sf) =	vpush v11, $0xF;
	_ =	sdelay $0xe  }
0x14d: {  	s16 =	spop (v2sf)  }
0x14e: {  	s20 =	sxor.u32 $0x80000000, s16  }
0x14f: {  	p5 =	sgt.s32 s20, $0x8  }
.Ltmp35:
0x150: {  	_ = 	snop;
	(pc) =	sbr.rel @!p5 .LBB2_55-.Ltmp35, $2  }
0x151: {  	_ =	sdelay $0x2  }
0x152: {  	s13 =	simm.s32 $0x8000  }
0x153: {  	p5 =	seq.s32 s20, $0x1  }
.Ltmp36:
0x154: {  	_ = 	snop;
	(pc) =	sbr.rel @p5 .LBB2_45-.Ltmp36, $2  }
0x155: {  	_ =	sdelay $0x2  }
0x156: {  	s20 =	sadd.s32 $0xFFFFFFFF, s20;
	[tilespmem:s13+$0x0] =	vst v4  }
.LBB2_44:
0x157: {  	p5 =	seq.s32 s20, $0x1  }
.Ltmp37:
0x158: {  	_ = 	snop;
	(pc) =	sbr.rel @!p5 .LBB2_44-.Ltmp37, $3  }
0x159: {  	_ =	sdelay $0x1  }
0x15a: {  	s20 =	sadd.s32 $0xFFFFFFFF, s20;
	s13 =	sadd.s32 $0x10, s13  }
0x15b: {  	[tilespmem:s13+$0x0] =	vst v4  }
.LBB2_45:
0x15c: {  	v11 =	vld @p1 [tilespmem:s0+$0x0];
	_ =	sdelay $0x1  }
0x15d: {  	v12 =	vlaneseq.u32 @p1  }
0x15e: {  	v13 =	vor.u32 @p1 s0, v12  }
0x15f: {  	vm0 =	vge.s32 @p1 v13, s24;
	vm1 =	vlt.s32 @p1 v13, s25  }
0x160: {  	vm0 =	vmand @p1 vm0, vm1;
	vm1 =	vgt.f32 @p1 v11, s3  }
0x161: {  	vm0 =	vmand @p1 vm0, vm1;
	_ =	sdelay $0x3  }
0x162: {  	v10 =	vsub.f32 @p1 v11, v10;
	v11 =	vor.u32 @p1 $0x10, v12  }
.Ltmp38:
0x163: {  	s0 =	simm.s32 @p1 $0x8000;
	v11 =	vsel @p1 vm0, v11, v12;
	(pc) =	sbr.rel @p3 .LBB2_48-.Ltmp38, $1  }
0x164: {  	[tilespmem:v12+s0+$0x0] =	vst.idx.msk @p1 vm0, v10;
	v10 =	vpsel p1, v11, v2;
	_ =	sdelay $0x3  }
0x165: {  	s0 =	sshra.s32 s30, $0x2  }
0x166: {  	s0 =	sadd.s32 $0x20, s0  }
.LBB2_47:
0x167: {  	v11 =	vld [tilespmem:s0+$0xFFFFFFE0];
	_ =	sdelay $0x4  }
0x168: {  	vm0 =	vgt.f32 v11, v9;
	_ =	sdelay $0x3  }
0x169: {  	v11 =	vsub.f32 v11, v8;
	_ =	sdelay $0x1  }
0x16a: {  	[tilespmem:v10+s19+$0x0] =	vst.idx.msk vm0, v11  }
0x16b: {  	v11 =	vld [tilespmem:s0+$0xFFFFFFF0];
	_ =	sdelay $0x4  }
0x16c: {  	v12 =	vsel vm0, $0x10, v3;
	vm13 =	vgt.f32 v11, v9  }
0x16d: {  	v10 =	vadd.s32 v10, v12;
	_ =	sdelay $0x2  }
0x16e: {  	v11 =	vsub.f32 v11, v8;
	_ =	sdelay $0x1  }
0x16f: {  	[tilespmem:v10+s19+$0x0] =	vst.idx.msk vm13, v11  }
0x170: {  	v11 =	vld [tilespmem:s0+$0x0];
	_ =	sdelay $0x4  }
0x171: {  	v61 =	vsel vm13, $0x10, v3;
	vm14 =	vgt.f32 v11, v9  }
0x172: {  	v10 =	vadd.s32 v10, v61;
	_ =	sdelay $0x2  }
0x173: {  	v11 =	vsub.f32 v11, v8;
	_ =	sdelay $0x1  }
0x174: {  	[tilespmem:v10+s19+$0x0] =	vst.idx.msk vm14, v11  }
0x175: {  	v11 =	vld [tilespmem:s0+$0x10];
	_ =	sdelay $0x4  }
0x176: {  	v62 =	vsel vm14, $0x10, v3;
	vm15 =	vgt.f32 v11, v9  }
0x177: {  	p1 =	seq.s32 s31, $0x1;
	v10 =	vadd.s32 v10, v62  }
.Ltmp39:
0x178: {  	_ = 	snop;
	(pc) =	sbr.rel @!p1 .LBB2_47-.Ltmp39, $4  }
0x179: {  	_ = 	snop  }
0x17a: {  	v11 =	vsub.f32 v11, v8  }
0x17b: {  	v63 =	vsel vm15, $0x10, v3  }
0x17c: {  	s31 =	sadd.s32 $0xFFFFFFFF, s31;
	s0 =	sadd.s32 $0x40, s0;
	[tilespmem:v10+s19+$0x0] =	vst.idx.msk vm15, v11;
	v10 =	vadd.s32 v10, v63  }
.LBB2_48:
.Ltmp40:
0x17d: {  	(pc) =	sbr.rel @p4 .LBB2_52-.Ltmp40, $1  }
0x17e: {  	_ =	sdelay $0x3  }
0x17f: {  	s0 =	sshll.u32 s29, $0x6  }
0x180: {  	s0 =	sand.u32 $0xFFFFFF00, s0  }
0x181: {  	s0 =	sadd.s32 s30, s0  }
0x182: {  	s0 =	sshra.s32 s0, $0x2  }
0x183: {  	v12 =	vld [tilespmem:s0+$0x0];
	_ =	sdelay $0x2  }
0x184: {  	s2 =	sadd.s32 $0x1, s2  }
0x185: {  	p1 =	slt.s32 s2, s28  }
.Ltmp41:
0x186: {  	vm0 =	vgt.f32 v12, v9;
	(pc) =	sbr.rel @!p1 .LBB2_51-.Ltmp41, $3  }
0x187: {  	_ =	sdelay $0x1  }
0x188: {  	v11 =	vsel vm0, $0x10, v3  }
0x189: {  	v12 =	vsub.f32 v12, v8;
	v11 =	vadd.s32 v10, v11  }
.LBB2_50:
0x18a: {  	_ = 	snop  }
0x18b: {  	s2 =	sadd.s32 $0x1, s2;
	s0 =	sadd.s32 $0x10, s0;
	[tilespmem:v10+s19+$0x0] =	vst.idx.msk vm0, v12;
	v10 =	vmov v11  }
0x18c: {  	p1 =	slt.s32 s2, s28;
	v12 =	vld [tilespmem:s0+$0x0];
	_ =	sdelay $0x4  }
.Ltmp42:
0x18d: {  	vm0 =	vgt.f32 v12, v9;
	(pc) =	sbr.rel @p1 .LBB2_50-.Ltmp42, $3  }
0x18e: {  	v13 =	vsel vm0, $0x10, v3  }
0x18f: {  	v11 =	vadd.s32 v11, v13;
	_ =	sdelay $0x1  }
0x190: {  	v12 =	vsub.f32 v12, v8  }
.LBB2_51:
0x191: {  	_ =	sdelay $0x4  }
0x192: {  	[tilespmem:v10+s19+$0x0] =	vst.idx.msk vm0, v12;
	v10 =	vmov v11  }
.LBB2_52:
.Ltmp43:
0x193: {  	(pc) =	sbr.rel @p2 .LBB2_55-.Ltmp43, $1  }
0x194: {  	_ =	sdelay $0x3  }
0x195: {  	s0 =	sshll.u32 s28, $0x6  }
0x196: {  	s3 =	sshra.s32 s0, $0x2  }
0x197: {  	v13 =	vld [tilespmem:s3+$0x0];
	_ =	sdelay $0x1  }
0x198: {  	s0 =	sshll.u32 s28, $0x4  }
0x199: {  	v11 =	vmov s24;
	v12 =	vmov s25;
	v14 =	vor.u32 s0, v2  }
0x19a: {  	vm0 =	vge.s32 v14, v11;
	vm1 =	vlt.s32 v14, v12  }
0x19b: {  	vm0 =	vmand vm0, vm1;
	vm15 =	vgt.f32 v13, v9  }
0x19c: {  	s2 =	sadd.s32 $0x1, s28;
	vm0 =	vmand vm0, vm15  }
0x19d: {  	p1 =	slt.s32 s2, s26  }
.Ltmp44:
0x19e: {  	_ = 	snop;
	(pc) =	sbr.rel @!p1 .LBB2_55-.Ltmp44, $4  }
0x19f: {  	_ = 	snop  }
0x1a0: {  	v14 =	vsub.f32 v13, v8  }
0x1a1: {  	v13 =	vsel vm0, $0x10, v3  }
0x1a2: {  	s3 =	sadd.s32 $0x10, s3;
	v13 =	vadd.s32 v10, v13;
	[tilespmem:v10+s19+$0x0] =	vst.idx.msk vm0, v14  }
.LBB2_54:
0x1a3: {  	v10 =	vld [tilespmem:s3+$0x0];
	s2 =	sadd.s32 $0x1, s2;
	v14 =	vmov v13  }
0x1a4: {  	p1 =	slt.s32 s2, s26  }
0x1a5: {  	s0 =	sadd.s32 $0x10, s0  }
0x1a6: {  	v15 =	vor.u32 s0, v2  }
0x1a7: {  	vm0 =	vge.s32 v15, v11;
	vm1 =	vlt.s32 v15, v12  }
0x1a8: {  	vm0 =	vmand vm0, vm1;
	vm1 =	vgt.f32 v10, v9;
	v10 =	vsub.f32 v10, v8  }
0x1a9: {  	vm0 =	vmand vm0, vm1  }
0x1aa: {  	v15 =	vsel vm0, $0x10, v3  }
.Ltmp45:
0x1ab: {  	v13 =	vadd.s32 v13, v15;
	(pc) =	sbr.rel @p1 .LBB2_54-.Ltmp45, $2  }
0x1ac: {  	_ =	sdelay $0x2  }
0x1ad: {  	s3 =	sadd.s32 $0x10, s3;
	[tilespmem:v14+s19+$0x0] =	vst.idx.msk vm0, v10  }
.LBB2_55:
.Ltmp46:
0x1ae: {  	(pc) =	sbr.rel .LBB2_56-.Ltmp46, $3  }
0x1af: {  	_ =	sdelay $0x1  }
0x1b0: {  	s0 =	sadd.s32 $0x7FFFFFFF, s16;
	s3 =	simm.s32 $0x0  }
0x1b1: {  	v9 =	vld [tilespmem:$0x8000];
	s2 =	simm.f32 $-1.000000000e+00;
	s16 =	simm.f32 $0.0e+00;
	p1 =	slt.s32 s0, $0x1  }
.LBB2_59:
0x1b2: {  	v11 =	vmax.f32 v12, $0.0e+00  }
0x1b3: {  	v10 =	vadd.f32 v11, v10  }
.LBB2_60:
0x1b4: {  	_ = 	snop  }
0x1b5: {  	(xrf2) =	vadd.scan.msk.f32 $0xffff, v10;
	_ =	sdelay $0x9  }
0x1b6: {  	v10, _, _ =	vpop (xrf2)  }
0x1b7: {  	(v2sf) =	vpush v10, $0xF;
	_ =	sdelay $0xe  }
0x1b8: {  	s13 =	spop (v2sf)  }
0x1b9: {  	s13 =	sadd.f32 $-1.000000000e+00, s13;
	_ =	sdelay $0x1  }
0x1ba: {  	p2 =	sge.f32 s13, $0.0e+00  }
0x1bb: {  	s3 =	sadd.s32 $0x1, s3  }
0x1bc: {  	s2 =	smov.u32 @p2 s20;
	s20 =	smov.u32 @p2 s16;
	p2 =	sne.s32 s3, $0x10  }
.Ltmp47:
0x1bd: {  	_ = 	snop;
	(pc) =	sbr.rel @!p2 .LBB2_61-.Ltmp47, $2  }
0x1be: {  	_ =	sdelay $0x2  }
0x1bf: {  	s16 =	smov.u32 s20  }
.LBB2_56:
0x1c0: {  	s13 =	sadd.f32 s16, s2;
	_ =	sdelay $0x1  }
0x1c1: {  	s20 =	smul.f32 $5.000000000e-01, s13  }
.Ltmp48:
0x1c2: {  	_ = 	snop;
	(pc) =	sbr.rel @p1 .LBB2_60-.Ltmp48, $3  }
0x1c3: {  	v11 =	vmov s20  }
0x1c4: {  	v10 =	vsub.f32 v9, v11;
	_ =	sdelay $0x1  }
0x1c5: {  	s26 =	simm.s32 $0x8010;
	v10 =	vmax.f32 v10, $0.0e+00  }
0x1c6: {  	v12 =	vld [tilespmem:s26+$0x0]  }
0x1c7: {  	p2 =	sne.s32 s0, $0x1  }
.Ltmp49:
0x1c8: {  	_ = 	snop;
	(pc) =	sbr.rel @!p2 .LBB2_59-.Ltmp49, $3  }
0x1c9: {  	_ =	sdelay $0x1  }
0x1ca: {  	v12 =	vsub.f32 v12, v11  }
0x1cb: {  	s13 =	sadd.s32 $0xFFFFFFFF, s0;
	s26 =	sadd.s32 $0x10, s26  }
.LBB2_58:
0x1cc: {  	v13 =	vld [tilespmem:s26+$0x0];
	p2 =	sne.s32 s13, $0x1;
	s13 =	sadd.s32 $0xFFFFFFFF, s13  }
.Ltmp50:
0x1cd: {  	v12 =	vmax.f32 v12, $0.0e+00;
	(pc) =	sbr.rel @p2 .LBB2_58-.Ltmp50, $2  }
0x1ce: {  	v10 =	vadd.f32 v12, v10;
	_ =	sdelay $0x2  }
0x1cf: {  	s26 =	sadd.s32 $0x10, s26;
	v12 =	vsub.f32 v13, v11  }
.Ltmp51:
0x1d0: {  	_ = 	snop;
	(pc) =	sbr.rel .LBB2_59-.Ltmp51, $1  }
0x1d1: {  	_ =	sdelay $0x3  }
.LBB2_61:
.Ltmp52:
0x1d2: {  	(pc) =	sbr.rel @p1 .LBB2_65-.Ltmp52, $3  }
0x1d3: {  	_ =	sdelay $0x1  }
0x1d4: {  	vm0 =	vgt.f32 v9, s2  }
0x1d5: {  	v10 =	vsel vm0, $0x1, v3;
	v9 =	vnsel vm0, $0x0, v9  }
0x1d6: {  	s3 =	simm.s32 $0x8010  }
0x1d7: {  	p1 =	sne.s32 s0, $0x1;
	v11 =	vld [tilespmem:s3+$0x0]  }
.Ltmp53:
0x1d8: {  	_ = 	snop;
	(pc) =	sbr.rel @!p1 .LBB2_64-.Ltmp53, $3  }
0x1d9: {  	_ =	sdelay $0x1  }
0x1da: {  	v12 =	vmov s2  }
0x1db: {  	s0 =	sadd.s32 $0xFFFFFFFF, s0;
	s2 =	simm.s32 $0x8020;
	vm0 =	vgt.f32 v11, v12  }
.LBB2_63:
0x1dc: {  	p1 =	sne.s32 s0, $0x1;
	s0 =	sadd.s32 $0xFFFFFFFF, s0;
	v13 =	vsel vm0, $0x1, v3;
	v14 =	vnsel vm0, $0x0, v11;
	v11 =	vld [tilespmem:s2+$0x0]  }
.Ltmp54:
0x1dd: {  	v10 =	vadd.s32 v13, v10;
	v9 =	vadd.f32 v14, v9;
	(pc) =	sbr.rel @p1 .LBB2_63-.Ltmp54, $2  }
0x1de: {  	_ =	sdelay $0x2  }
0x1df: {  	s2 =	sadd.s32 $0x10, s2;
	vm0 =	vgt.f32 v11, v12  }
.LBB2_64:
0x1e0: {  	v12 =	vsel vm0, $0x1, v3;
	v11 =	vnsel vm0, $0x0, v11  }
0x1e1: {  	v10 =	vadd.s32 v12, v10;
	v9 =	vadd.f32 v11, v9  }
.LBB2_65:
0x1e2: {  	(xrf0) =	vadd.scan.msk.s32 $0xffff, v10;
	_ =	sdelay $0x5  }
0x1e3: {  	v10, _, _ =	vpop (xrf0)  }
0x1e4: {  	(v2sf) =	vpush v10, $0xF;
	_ =	sdelay $0xe  }
0x1e5: {  	s0 =	spop (v2sf)  }
0x1e6: {  	(xrf2) =	vadd.scan.msk.f32 $0xffff, v9;
	p1 =	sgt.s32 s0, $0x1  }
0x1e7: {  	s0 =	simm.s32 @!p1 $0x1  }
0x1e8: {  	s0 =	scvt.s32.f32 s0;
	_ =	sdelay $0x1  }
0x1e9: {  	v9 =	vmov s0  }
0x1ea: {  	(erf) = vrcp.f32 v9  }
0x1eb: {  	s2 =	smov.u32 s8;
	p1 =	slt.s32 s25, s8  }
0x1ec: {  	p2 =	sgt.s32 s24, s5;
	s26 =	smov.u32 s5;
	s2 =	smov.u32 @p1 s25  }
0x1ed: {  	s26 =	smov.u32 @p2 s24;
	s31 =	sadd.s32 $0xF, s2  }
0x1ee: {  	s3 =	sshrl.u32 s26, $0x4;
	s0 =	sshra.s32 s31, $0x4  }
0x1ef: {  	s25 =	sadd.s32 $0x1, s3;
	p1 =	sgt.s32 s0, s3;
	v9, _, _ =	vpop (xrf2)  }
0x1f0: {  	p2 =	slt.s32 s25, s0;
	s3 =	smov.u32 s0;
	s16 =	ssub.s32 @p1 s26, s5;
	v9 =	vadd.f32 $-1.000000000e+00, v9  }
0x1f1: {  	s13 =	sand.u32 @p1 $0x7FFFFFF0, s26;
	s20 =	sand.u32 @p1 $0x70, s26;
	s16 =	sand.u32 @p1 $0xFFFFFF80, s16  }
0x1f2: {  	s3 =	smov.u32 @p2 s25;
	s20 =	sor.u32 @p1 s20, s16;
	s16 =	sadd.s32 $0xFFFFFFFF, s0;
	v9 =	vbroadcast v9, $0xF  }
0x1f3: {  	v11 =	vld @p1 [tilespmem:s13+$0x0];
	s24 =	smov.u32 s3;
	p2 =	sgt.s32 s16, s3;
	v10 =	vpop (erf)  }
0x1f4: {  	s24 =	smov.u32 @p2 s16;
	v9 =	vmul.f32 v10, v9  }
0x1f5: {  	s16 =	ssub.s32 s24, s3  }
0x1f6: {  	s28 =	sshra.s32 s16, $0x2;
	v8 =	vadd.f32 v9, v8;
	v9 =	vld @p1 [tilespmem:s20+$0x10080]  }
0x1f7: {  	p2 =	slt.s32 s28, $0x1;
	v10 =	vlaneseq.u32 @p1  }
.Ltmp55:
0x1f8: {  	v10 =	vor.u32 @p1 s13, v10;
	v11 =	vsub.f32 @p1 v11, v8;
	(pc) =	sbr.rel @p2 .LBB2_69-.Ltmp55, $4  }
0x1f9: {  	vm0 =	vge.u32 @p1 v10, s26;
	vm1 =	vlt.s32 @p1 v10, s2  }
0x1fa: {  	vm0 =	vmand @p1 vm0, vm1;
	v10 =	vmax.f32 @p1 v11, $0.0e+00  }
0x1fb: {  	v9 =	vsel @p1 vm0, v10, v9  }
0x1fc: {  	s29 =	sshll.u32 s3, $0x6;
	[tilespmem:s20+$0x10080] =	vst @p1 v9;
	s20 =	sshll.u32 s3, $0x4  }
0x1fd: {  	s13 =	sshra.s32 s29, $0x2  }
0x1fe: {  	s30 =	sadd.s32 $0x20, s13  }
0x1ff: {  	v9 =	vld [tilespmem:s30+$0xFFFFFFE0];
	_ =	sdelay $0x4  }
0x200: {  	s13 =	sadd.s32 s20, s15;
	v9 =	vsub.f32 v9, v8  }
0x201: {  	s9 =	sand.u32 $0x70, s20;
	s31 =	sand.u32 $0xFFFFFF80, s13  }
0x202: {  	s9 =	sor.u32 s9, s31;
	v9 =	vmax.f32 v9, $0.0e+00  }
0x203: {  	[tilespmem:s9+$0x10080] =	vst v9  }
0x204: {  	v9 =	vld [tilespmem:s30+$0xFFFFFFF0];
	_ =	sdelay $0x4  }
0x205: {  	s10 =	sadd.s32 $0x10, s13;
	s31 =	sadd.s32 $0x10, s20;
	v9 =	vsub.f32 v9, v8  }
0x206: {  	s31 =	sand.u32 $0x70, s31;
	s9 =	sand.u32 $0xFFFFFF80, s10  }
0x207: {  	s9 =	sor.u32 s31, s9;
	v9 =	vmax.f32 v9, $0.0e+00  }
0x208: {  	[tilespmem:s9+$0x10080] =	vst v9  }
0x209: {  	v9 =	vld [tilespmem:s30+$0x0];
	_ =	sdelay $0x4  }
0x20a: {  	s11 =	sadd.s32 $0x20, s13;
	s31 =	sadd.s32 $0x20, s20;
	v9 =	vsub.f32 v9, v8  }
0x20b: {  	s31 =	sand.u32 $0x70, s31;
	s9 =	sand.u32 $0xFFFFFF80, s11  }
0x20c: {  	s9 =	sor.u32 s31, s9;
	v9 =	vmax.f32 v9, $0.0e+00  }
0x20d: {  	[tilespmem:s9+$0x10080] =	vst v9  }
0x20e: {  	v9 =	vld [tilespmem:s30+$0x10];
	_ =	sdelay $0x1  }
0x20f: {  	p1 =	sne.s32 s28, $0x1  }
.Ltmp56:
0x210: {  	_ = 	snop;
	(pc) =	sbr.rel @!p1 .LBB2_68-.Ltmp56, $4  }
0x211: {  	_ = 	snop  }
0x212: {  	s10 =	sadd.s32 $0x30, s13;
	s11 =	sadd.s32 $0x30, s20;
	v9 =	vsub.f32 v9, v8  }
0x213: {  	s13 =	sand.u32 $0x70, s11;
	s9 =	sand.u32 $0xFFFFFF80, s10  }
0x214: {  	s31 =	sadd.s32 $0xFFFFFFFF, s28;
	s28 =	smov.u32 s20;
	s13 =	sor.u32 s13, s9;
	v9 =	vmax.f32 v9, $0.0e+00  }
.LBB2_67:
0x215: {  	p1 =	sne.s32 s31, $0x1;
	[tilespmem:s13+$0x10080] =	vst v9;
	s28 =	sadd.s32 $0x40, s28;
	s30 =	sadd.s32 $0x40, s30  }
0x216: {  	s31 =	sadd.s32 $0xFFFFFFFF, s31;
	v9 =	vld [tilespmem:s30+$0xFFFFFFE0];
	_ =	sdelay $0x4  }
0x217: {  	s9 =	sadd.s32 s28, s15;
	v9 =	vsub.f32 v9, v8  }
0x218: {  	s10 =	sand.u32 $0x70, s28;
	s13 =	sand.u32 $0xFFFFFF80, s9;
	s11 =	sadd.s32 $0x10, s9  }
0x219: {  	s10 =	sor.u32 s10, s13;
	s11 =	sand.u32 $0xFFFFFF80, s11;
	s13 =	sadd.s32 $0x20, s9;
	v9 =	vmax.f32 v9, $0.0e+00  }
0x21a: {  	s9 =	sadd.s32 $0x30, s9;
	[tilespmem:s10+$0x10080] =	vst v9;
	s10 =	sand.u32 $0xFFFFFF80, s13  }
0x21b: {  	s9 =	sand.u32 $0xFFFFFF80, s9;
	v9 =	vld [tilespmem:s30+$0xFFFFFFF0];
	_ =	sdelay $0x4  }
0x21c: {  	s13 =	sadd.s32 $0x10, s28;
	v9 =	vsub.f32 v9, v8  }
0x21d: {  	s13 =	sand.u32 $0x70, s13  }
0x21e: {  	s11 =	sor.u32 s13, s11;
	v9 =	vmax.f32 v9, $0.0e+00  }
0x21f: {  	[tilespmem:s11+$0x10080] =	vst v9  }
0x220: {  	v9 =	vld [tilespmem:s30+$0x0];
	_ =	sdelay $0x4  }
0x221: {  	s11 =	sadd.s32 $0x20, s28;
	v9 =	vsub.f32 v9, v8  }
0x222: {  	s11 =	sand.u32 $0x70, s11  }
0x223: {  	s10 =	sor.u32 s11, s10;
	v9 =	vmax.f32 v9, $0.0e+00  }
0x224: {  	[tilespmem:s10+$0x10080] =	vst v9  }
0x225: {  	v9 =	vld [tilespmem:s30+$0x10];
	_ =	sdelay $0x2  }
.Ltmp57:
0x226: {  	(pc) =	sbr.rel @p1 .LBB2_67-.Ltmp57, $4  }
0x227: {  	_ = 	snop  }
0x228: {  	s10 =	sadd.s32 $0x30, s28;
	v9 =	vsub.f32 v9, v8  }
0x229: {  	s10 =	sand.u32 $0x70, s10  }
0x22a: {  	s13 =	sor.u32 s10, s9;
	v9 =	vmax.f32 v9, $0.0e+00  }
.LBB2_68:
0x22b: {  	[tilespmem:s13+$0x10080] =	vst v9  }
.LBB2_69:
0x22c: {  	s9 =	sand.u32 $0xFFFFFFFC, s16  }
0x22d: {  	s13 =	sadd.s32 s3, s9  }
0x22e: {  	p1 =	sge.s32 s13, s24  }
.Ltmp58:
0x22f: {  	_ = 	snop;
	(pc) =	sbr.rel @p1 .LBB2_72-.Ltmp58, $1  }
0x230: {  	_ =	sdelay $0x3  }
0x231: {  	s3 =	sshrl.u32 s16, $0x2  }
0x232: {  	s9 =	sshll.u32 s3, $0x8  }
0x233: {  	s9 =	sadd.s32 s29, s9  }
0x234: {  	s30 =	sshra.s32 s9, $0x2  }
0x235: {  	v9 =	vld [tilespmem:s30+$0x0];
	_ =	sdelay $0x1  }
0x236: {  	s13 =	sadd.s32 $0x1, s13  }
0x237: {  	s3 =	sshll.u32 s3, $0x6;
	p1 =	slt.s32 s13, s24  }
.Ltmp59:
0x238: {  	s3 =	sadd.s32 s20, s3;
	(pc) =	sbr.rel @!p1 .LBB2_72-.Ltmp59, $4  }
0x239: {  	s31 =	sadd.s32 s3, s15;
	v9 =	vsub.f32 v9, v8  }
0x23a: {  	s10 =	sand.u32 $0x70, s3;
	s9 =	sand.u32 $0xFFFFFF80, s31  }
0x23b: {  	s9 =	sor.u32 s10, s9;
	v9 =	vmax.f32 v9, $0.0e+00  }
0x23c: {  	s16 =	sadd.s32 $0x10, s30;
	[tilespmem:s9+$0x10080] =	vst v9  }
.LBB2_71:
0x23d: {  	v9 =	vld [tilespmem:s16+$0x0];
	s13 =	sadd.s32 $0x1, s13  }
0x23e: {  	p1 =	slt.s32 s13, s24;
	_ =	sdelay $0x2  }
.Ltmp60:
0x23f: {  	s3 =	sadd.s32 $0x10, s3;
	(pc) =	sbr.rel @p1 .LBB2_71-.Ltmp60, $4  }
0x240: {  	s9 =	sadd.s32 s3, s15;
	v9 =	vsub.f32 v9, v8  }
0x241: {  	s10 =	sand.u32 $0x70, s3;
	s9 =	sand.u32 $0xFFFFFF80, s9  }
0x242: {  	s9 =	sor.u32 s10, s9;
	v9 =	vmax.f32 v9, $0.0e+00  }
0x243: {  	s16 =	sadd.s32 $0x10, s16;
	[tilespmem:s9+$0x10080] =	vst v9  }
.LBB2_72:
0x244: {  	p1 =	sge.s32 s25, s0  }
.Ltmp61:
0x245: {  	_ = 	snop;
	(pc) =	sbr.rel @p1 .LBB2_76-.Ltmp61, $1  }
0x246: {  	_ =	sdelay $0x3  }
0x247: {  	s3 =	sshll.u32 s24, $0x6  }
0x248: {  	v10 =	vmov s2;
	s2 =	sshll.u32 s24, $0x4;
	s3 =	sshra.s32 s3, $0x2  }
0x249: {  	s9 =	sadd.s32 s2, s15;
	v11 =	vld [tilespmem:s3+$0x0]  }
0x24a: {  	s10 =	sand.u32 $0x70, s2;
	s9 =	sand.u32 $0xFFFFFF80, s9  }
0x24b: {  	s16 =	sadd.s32 $0x1, s24;
	s13 =	sor.u32 s10, s9  }
0x24c: {  	p1 =	slt.s32 s16, s0;
	v12 =	vld [tilespmem:s13+$0x10080]  }
.Ltmp62:
0x24d: {  	_ = 	snop;
	(pc) =	sbr.rel @!p1 .LBB2_75-.Ltmp62, $4  }
0x24e: {  	v9 =	vmov s26;
	v13 =	vor.u32 s2, v2;
	v11 =	vsub.f32 v11, v8  }
0x24f: {  	vm0 =	vge.s32 v13, v9;
	vm1 =	vlt.s32 v13, v10  }
0x250: {  	vm0 =	vmand vm0, vm1;
	v11 =	vmax.f32 v11, $0.0e+00  }
0x251: {  	v11 =	vsel vm0, v11, v12  }
.LBB2_74:
0x252: {  	s16 =	sadd.s32 $0x1, s16;
	[tilespmem:s13+$0x10080] =	vst v11;
	s2 =	sadd.s32 $0x10, s2;
	s3 =	sadd.s32 $0x10, s3  }
0x253: {  	v11 =	vld [tilespmem:s3+$0x0];
	s9 =	sadd.s32 s2, s15;
	p1 =	slt.s32 s16, s0  }
0x254: {  	s10 =	sand.u32 $0x70, s2;
	s9 =	sand.u32 $0xFFFFFF80, s9  }
0x255: {  	s13 =	sor.u32 s10, s9  }
0x256: {  	v12 =	vld [tilespmem:s13+$0x10080]  }
.Ltmp63:
0x257: {  	(pc) =	sbr.rel @p1 .LBB2_74-.Ltmp63, $4  }
0x258: {  	v13 =	vor.u32 s2, v2;
	v11 =	vsub.f32 v11, v8  }
0x259: {  	vm0 =	vge.s32 v13, v9;
	vm1 =	vlt.s32 v13, v10  }
0x25a: {  	vm0 =	vmand vm0, vm1;
	v11 =	vmax.f32 v11, $0.0e+00  }
0x25b: {  	v11 =	vsel vm0, v11, v12  }
.Ltmp64:
0x25c: {  	_ = 	snop;
	(pc) =	sbr.rel .LBB2_75-.Ltmp64, $1  }
0x25d: {  	_ =	sdelay $0x3  }
.LBB2_26:
.Ltmp65:
0x25e: {  	(pc) =	sbr.rel .LBB2_30-.Ltmp65, $2  }
0x25f: {  	_ =	sdelay $0x2  }
0x260: {  	v11 =	vmov v8;
	s20 =	smov.u32 s3  }
.LBB2_28:
.Ltmp66:
0x261: {  	(pc) =	sbr.rel .LBB2_30-.Ltmp66, $2  }
0x262: {  	_ =	sdelay $0x2  }
0x263: {  	v11 =	vmov v8;
	s20 =	smov.u32 s3  }
.LBB2_78:
0x264: {  	_ =	sfence.sel $0x180000  }
0x265: {  	[bflag:$0x0] =	sbarrier.arrive $0xFFFF  }
0x266: {  	_ =	strace $0x90000047  }
0x267: {  	s0 =	stileid.u32;
	[bflag:$0x2] =	sbarrier.arrive $0xFFFF  }
0x268: {  	p0 =	sne.s32 s0, $0x0;
	s0 =	rddreg [dreg:$0x3]  }
0x269: {  	s0 =	sadd.s32 @!p0 $0x100000, s0  }
0x26a: {  	[sflag:s0] =	ssyncadd.tile.s32 @!p0 $0x1;
	_ =	shalt  }
.Lfunc_end2:
_tile_overlayer_lowered:
.L_overlay_start_2:
0x26b: {  	(tag) =	ssettag $0x2  }
0x26c: {  	s0 =	rddreg [dreg:$0x0];
	s2 =	stileid.u32  }
0x26d: {  	s1 =	rddreg [dreg:$0x1];
	p0 =	sne.s32 s2, $0x0  }
0x26e: {  	s3 =	rddreg [dreg:$0x2];
	[bflag:$0x3] =	sbarrier.arrive $0xFFFF;
	s2 =	simm.s32 @!p0 $0x1C02  }
0x26f: {  	[timem:s3], [sflag:s2] =	dma.local @!p0 [hbm:s0], s1  }
0x270: {  	s0 =	simm.s32 @!p0 $0x2  }
0x271: {  	_ =	swait.ge @!p0 [sflag:s0], s1  }
0x272: {  	s1 =	ssub.s32 @!p0 $0x0, s1;
	[sflag:s0] =	ssyncset.done @!p0 $0x0  }
0x273: {  	[sflag:s0] =	ssyncadd.s32 @!p0 s1  }
0x274: {  	[bflag:$0x3] =	sbarrier.arrive $0xFFFF  }
0x275: {  	_ =	shalt  }

</sc_bundles>
